<compile_context>
chip_gen: v7x
topology: tpu7x:2x2x1
jax: 0.10.2.dev20260603
libtpu: 0.0.44.dev20260713+nightly
codegen_flags: <defaults>
</compile_context>

<pallas_src>
import functools

import jax
import jax.numpy as jnp
from jax import lax
from jax.experimental import pallas as pl
from jax.experimental.pallas import tpu as pltpu
from jax.experimental.pallas import tpu_sc as plsc

BB = 4096
EE = 16
NA = 8192
TM = 128
SLOTS = 10240
NTILES = SLOTS // TM
DPAD = 640
DBLK = 256
TB = 256
T1 = BB // TB
NW = 32
CH = NA // NW

_sc_mesh = plsc.VectorSubcoreMesh(core_axis_name="c", subcore_axis_name="s")
_sc_params = pltpu.CompilerParams(needs_layout_passes=False)


def _k1_body(x_ref, Wg_ref, bg_ref, eidx_ref, gates_ref, hists_ref):
    x = x_ref[...]
    logits = jnp.dot(x, Wg_ref[...], preferred_element_type=jnp.float32)
    logits = logits + bg_ref[...]
    m = jnp.max(logits, axis=1, keepdims=True)
    p = jnp.exp(logits - m)
    p = p / jnp.sum(p, axis=1, keepdims=True)
    lane = lax.broadcasted_iota(jnp.int32, (TB, EE), 1)
    m1 = jnp.max(p, axis=1, keepdims=True)
    a1 = jnp.min(jnp.where(p == m1, lane, EE), axis=1, keepdims=True)
    p2 = jnp.where(lane == a1, -1.0, p)
    m2 = jnp.max(p2, axis=1, keepdims=True)
    a2 = jnp.min(jnp.where(p2 == m2, lane, EE), axis=1, keepdims=True)
    s = m1 + m2
    eidx_ref[...] = jnp.concatenate([a1, a2], axis=1)
    gates_ref[...] = jnp.concatenate([m1 / s, m2 / s], axis=1)
    oh = (lane == a1).astype(jnp.int32) + (lane == a2).astype(jnp.int32)
    ch1 = jnp.sum(oh[:TB // 2], axis=0, keepdims=True)
    ch2 = jnp.sum(oh[TB // 2:], axis=0, keepdims=True)
    hists_ref[...] = jnp.concatenate([ch1, ch2], axis=0)[None]


def _k1(x, Wg_p, bg):
    return pl.pallas_call(
        _k1_body,
        grid=(T1,),
        in_specs=[
            pl.BlockSpec((TB, DPAD), lambda t: (t, 0)),
            pl.BlockSpec((DPAD, EE), lambda t: (0, 0)),
            pl.BlockSpec((1, EE), lambda t: (0, 0)),
        ],
        out_specs=[
            pl.BlockSpec((TB, 2), lambda t: (t, 0)),
            pl.BlockSpec((TB, 2), lambda t: (t, 0)),
            pl.BlockSpec((1, 2, EE), lambda t: (t, 0, 0)),
        ],
        out_shape=[
            jax.ShapeDtypeStruct((BB, 2), jnp.int32),
            jax.ShapeDtypeStruct((BB, 2), jnp.float32),
            jax.ShapeDtypeStruct((T1, 2, EE), jnp.int32),
        ],
        compiler_params=pltpu.CompilerParams(
            dimension_semantics=("arbitrary",)),
    )(x, Wg_p, bg.reshape(1, EE))


@functools.partial(
    pl.kernel, mesh=_sc_mesh,
    out_type=[
        jax.ShapeDtypeStruct((NA,), jnp.int32),
        jax.ShapeDtypeStruct((144,), jnp.int32),
    ],
    scratch_types=[
        pltpu.VMEM((CH,), jnp.int32),
        pltpu.VMEM((NW, EE), jnp.int32),
        pltpu.VMEM((EE,), jnp.int32),
        pltpu.VMEM((CH,), jnp.int32),
        pltpu.VMEM((16,), jnp.int32),
        pltpu.SemaphoreType.DMA,
    ],
    compiler_params=_sc_params,
)
def _k2a(eidx_hbm, hists_hbm, pos_hbm, tile_hbm,
         a_v, h32_v, bo_v, pv_v, tv_v, sem):
    w = lax.axis_index("c") * 16 + lax.axis_index("s")
    lane = lax.iota(jnp.int32, 16)
    pltpu.sync_copy(eidx_hbm.at[pl.ds(w * CH, CH)], a_v)
    pltpu.sync_copy(hists_hbm, h32_v)
    total = jnp.zeros((EE,), jnp.int32)
    cur0 = jnp.zeros((EE,), jnp.int32)
    for j in range(NW):
        row = h32_v[j]
        total = total + row
        cur0 = cur0 + jnp.where(j < w, row, 0)
    pc = jnp.bitwise_and(total + (TM - 1), -TM)
    incl = plsc.cumsum(pc)
    off = incl - pc
    bo_v[...] = off + cur0
    ones = jnp.ones((16,), jnp.int32)
    for g in range(CH // 16):
        av = a_v[pl.ds(g * 16, 16)]
        r, _ = plsc.scan_count(av)
        base = plsc.load_gather(bo_v, [av])
        pv_v[pl.ds(g * 16, 16)] = base + r - 1
        plsc.addupdate_scatter(bo_v, [av], ones)
    pltpu.sync_copy(pv_v, pos_hbm.at[pl.ds(w * CH, CH)])

    @pl.when(w < EE)
    def _():
        off_s = jnp.sum(jnp.where(lane == w, off, 0))
        ntiles_s = jnp.sum(jnp.where(lane == w, pc, 0)) >> 7
        tv_v[...] = jnp.broadcast_to(w, (16,)).astype(jnp.int32)
        for j2 in range(2):
            tidx = jnp.where(j2 * 16 + lane < ntiles_s,
                             (off_s >> 7) + j2 * 16 + lane, 128 + lane)
            pltpu.async_copy(tv_v, tile_hbm.at[tidx], sem).wait()


@functools.partial(
    pl.kernel, mesh=_sc_mesh,
    out_type=jax.ShapeDtypeStruct((SLOTS, DPAD), jnp.float32),
    scratch_types=[
        pltpu.VMEM((TM, DPAD), jnp.float32),
        pltpu.VMEM((CH,), jnp.int32),
        pltpu.VMEM((TM,), jnp.int32),
        pltpu.VMEM((TM,), jnp.int32),
        pltpu.SemaphoreType.DMA,
        pltpu.SemaphoreType.DMA,
    ],
    compiler_params=_sc_params,
)
def _k2b(x_hbm, pos_hbm, xs_hbm, rows_v, pos_v, ie_v, io_v, sem1, sem2):
    w = lax.axis_index("c") * 16 + lax.axis_index("s")
    lane = lax.iota(jnp.int32, 16)
    pltpu.sync_copy(x_hbm.at[pl.ds(w * TM, TM)], rows_v)
    pltpu.sync_copy(pos_hbm.at[pl.ds(w * CH, CH)], pos_v)
    for j in range(8):
        ie_v[pl.ds(j * 16, 16)] = plsc.load_gather(pos_v, [j * 32 + 2 * lane])
        io_v[pl.ds(j * 16, 16)] = plsc.load_gather(
            pos_v, [j * 32 + 2 * lane + 1])
    c1 = pltpu.async_copy(rows_v, xs_hbm.at[ie_v], sem1)
    c2 = pltpu.async_copy(rows_v, xs_hbm.at[io_v], sem2)
    c1.wait()
    c2.wait()


def _k3_body(tile_ref, xs_ref, W1_ref, b1_ref, W2_ref, b2_ref, Wout_ref,
             bout_ref, z_ref):
    t = pl.program_id(0)
    e = tile_ref[t] & (EE - 1)
    x = xs_ref[...]
    h = jnp.dot(x, W1_ref[e], preferred_element_type=jnp.float32) + b1_ref[e]
    h = jnp.maximum(h, 0.0)
    h = jnp.dot(h, W2_ref[e], preferred_element_type=jnp.float32) + b2_ref[e]
    h = jnp.maximum(h, 0.0)
    z_ref[...] = (jnp.dot(h, Wout_ref[...], preferred_element_type=jnp.float32)
                  + bout_ref[...])


def _k3(tile_e, xs, W1_p, b1, W2, b2, Wout, bout):
    return pl.pallas_call(
        _k3_body,
        grid=(NTILES,),
        in_specs=[
            pl.BlockSpec(memory_space=pltpu.MemorySpace.SMEM),
            pl.BlockSpec((TM, DPAD), lambda t: (t, 0)),
            pl.BlockSpec((EE, DPAD, DBLK), lambda t: (0, 0, 0)),
            pl.BlockSpec((EE, 1, DBLK), lambda t: (0, 0, 0)),
            pl.BlockSpec((EE, DBLK, DBLK), lambda t: (0, 0, 0)),
            pl.BlockSpec((EE, 1, DBLK), lambda t: (0, 0, 0)),
            pl.BlockSpec((DBLK, 1), lambda t: (0, 0)),
            pl.BlockSpec((1, 1), lambda t: (0, 0)),
        ],
        out_specs=pl.BlockSpec((TM, 1), lambda t: (t, 0)),
        out_shape=jax.ShapeDtypeStruct((SLOTS, 1), jnp.float32),
        compiler_params=pltpu.CompilerParams(
            dimension_semantics=("arbitrary",)),
    )(tile_e, xs, W1_p, b1.reshape(EE, 1, DBLK), W2,
      b2.reshape(EE, 1, DBLK), Wout, bout.reshape(1, 1))


@functools.partial(
    pl.kernel, mesh=_sc_mesh,
    out_type=jax.ShapeDtypeStruct((BB,), jnp.float32),
    scratch_types=[
        pltpu.VMEM((SLOTS,), jnp.float32),
        pltpu.VMEM((CH,), jnp.int32),
        pltpu.VMEM((CH,), jnp.float32),
        pltpu.VMEM((CH,), jnp.float32),
        pltpu.VMEM((TM,), jnp.float32),
        pltpu.SemaphoreType.DMA,
    ],
    compiler_params=_sc_params,
)
def _k4(z_hbm, pos_hbm, g_hbm, out_hbm, z_v, pos_v, g_v, val_v, out_v, sem):
    w = lax.axis_index("c") * 16 + lax.axis_index("s")
    lane = lax.iota(jnp.int32, 16)
    pltpu.sync_copy(z_hbm, z_v)
    pltpu.sync_copy(pos_hbm.at[pl.ds(w * CH, CH)], pos_v)
    pltpu.sync_copy(g_hbm.at[pl.ds(w * CH, CH)], g_v)
    for j in range(CH // 16):
        idx = pos_v[pl.ds(j * 16, 16)]
        val_v[pl.ds(j * 16, 16)] = (
            plsc.load_gather(z_v, [idx]) * g_v[pl.ds(j * 16, 16)])
    for j in range(TM // 16):
        idxe = j * 32 + 2 * lane
        oe = plsc.load_gather(val_v, [idxe])
        oo = plsc.load_gather(val_v, [idxe + 1])
        out_v[pl.ds(j * 16, 16)] = oe + oo
    pltpu.sync_copy(out_v, out_hbm.at[pl.ds(w * TM, TM)])


@jax.jit
def _moe_sparse(x_num, x_cat, Wg, bg, W1, b1, W2, b2, Wout, bout):
    B = x_num.shape[0]
    oh = jax.nn.one_hot(x_cat, 16, dtype=jnp.float32)
    oh = oh.reshape(B, x_cat.shape[1] * 16)
    x = jnp.concatenate(
        [x_num, oh, jnp.zeros((B, DPAD - 544), jnp.float32)], axis=1)
    Wg_p = jnp.concatenate(
        [Wg, jnp.zeros((DPAD - 544, EE), jnp.float32)], axis=0)
    W1_p = jnp.concatenate(
        [W1, jnp.zeros((EE, DPAD - 544, DBLK), jnp.float32)], axis=1)

    eidx, gates, hists = _k1(x, Wg_p, bg)
    pos, tile_e = _k2a(eidx.reshape(-1), hists.reshape(NW, EE))
    xs = _k2b(x, pos)
    z = _k3(tile_e, xs, W1_p, b1, W2, b2, Wout, bout)
    out = _k4(z.reshape(-1), pos, gates.reshape(-1))
    return out.reshape(B, 1, 1)


def kernel(x_num, x_cat, Wg, bg, W1, b1, W2, b2, Wout, bout):
    return _moe_sparse(x_num, x_cat, Wg, bg, W1, b1, W2, b2, Wout, bout)

# --- scband reference (transcript-rebuilt; emitter-appended) ---
"""Pipeline reference for scband-model-mo-e-53781580481080 (READ-ONLY COPY).

The authoritative reference and input builder live on the scoring server;
editing this copy changes nothing except your own understanding.
"""

import jax, jax.numpy as jnp
import numpy as np

N_NUM = 128
N_CAT = 26
CARD = 16
D_FLAT = N_NUM + N_CAT * CARD  # 544
E = 16
K = 2
D_BLOCK = 256
B = 4096


def setup_inputs(seed: int = 0) -> dict:
    key = jax.random.key(seed)
    ks = jax.random.split(key, 12)
    x_num = jax.random.normal(ks[0], (B, N_NUM), dtype=jnp.float32)
    x_cat = jax.random.randint(ks[1], (B, N_CAT), 0, CARD, dtype=jnp.int32)
    s_in = 1.0 / np.sqrt(D_FLAT)
    s_h = 1.0 / np.sqrt(D_BLOCK)
    Wg = jax.random.normal(ks[2], (D_FLAT, E), dtype=jnp.float32) * s_in
    bg = jnp.zeros((E,), dtype=jnp.float32)
    W1 = jax.random.normal(ks[3], (E, D_FLAT, D_BLOCK), dtype=jnp.float32) * s_in
    b1 = jnp.zeros((E, D_BLOCK), dtype=jnp.float32)
    W2 = jax.random.normal(ks[4], (E, D_BLOCK, D_BLOCK), dtype=jnp.float32) * s_h
    b2 = jnp.zeros((E, D_BLOCK), dtype=jnp.float32)
    Wout = jax.random.normal(ks[5], (D_BLOCK, 1), dtype=jnp.float32) * s_h
    bout = jnp.zeros((1,), dtype=jnp.float32)
    return {
        'x_num': x_num, 'x_cat': x_cat,
        'Wg': Wg, 'bg': bg, 'W1': W1, 'b1': b1, 'W2': W2, 'b2': b2,
        'Wout': Wout, 'bout': bout,
    }


def reference(x_num, x_cat, Wg, bg, W1, b1, W2, b2, Wout, bout):
    # OneHotEncoding0d over categorical fields (all cardinalities == CARD)
    x_cat_oh = jax.nn.one_hot(x_cat, CARD, dtype=jnp.float32)
    x_cat_oh = x_cat_oh.reshape(x_cat.shape[0], N_CAT * CARD)
    # column_stack of flattened feature groups
    x = jnp.concatenate([x_num, x_cat_oh], axis=1)  # [B, D_FLAT]

    # MoESparse backbone: router + top-k sparse gating over E expert MLPs
    logits = x @ Wg + bg                    # [B, E]
    probs = jax.nn.softmax(logits, axis=-1)
    topv, topi = jax.lax.top_k(probs, K)    # [B, K]
    topv = topv / jnp.sum(topv, axis=-1, keepdims=True)

    # expert MLPs (n_blocks=2): Linear -> ReLU -> Linear -> ReLU, computed densely
    h = jnp.einsum('bd,edh->ebh', x, W1) + b1[:, None, :]   # [E, B, D_BLOCK]
    h = jax.nn.relu(h)
    h = jnp.einsum('ebh,ehg->ebg', h, W2) + b2[:, None, :]
    h = jax.nn.relu(h)

    # scatter top-k gate weights into dense [B, E] combine matrix
    Bsz = x.shape[0]
    gate = jnp.zeros((Bsz, E), dtype=x.dtype).at[
        jnp.arange(Bsz)[:, None], topi
    ].add(topv)
    y = jnp.einsum('be,ebh->bh', gate, h)   # [B, D_BLOCK]

    out = y @ Wout + bout                    # [B, 1]
    return out[:, None]                      # [B, 1, 1]

if __name__ == "__main__":
    import jax
    _d = setup_inputs()
    print(jax.jit(kernel)(*tuple(_d.values())))

</pallas_src>

<mosaic_0001>
#map = affine_map<(d0, d1) -> (0, 0)>
#map1 = affine_map<(d0, d1) -> (0)>
module attributes {stable_mosaic.version = 14 : i64} {
  func.func @_k2b(%arg0: i32, %arg1: i32, %arg2: memref<4096x640xf32, #tpu.memory_space<hbm>>, %arg3: memref<8192xi32, #tpu.memory_space<hbm>>, %arg4: memref<10240x640xf32, #tpu.memory_space<hbm>>, %arg5: memref<128x640xf32, #tpu.memory_space<vmem>>, %arg6: memref<256xi32, #tpu.memory_space<vmem>>, %arg7: memref<128xi32, #tpu.memory_space<vmem>>, %arg8: memref<128xi32, #tpu.memory_space<vmem>>, %arg9: memref<!tpu.dma_semaphore, #tpu.memory_space<semaphore_mem>>, %arg10: memref<!tpu.dma_semaphore, #tpu.memory_space<semaphore_mem>>) attributes {dimension_semantics = [#tpu.dimension_semantics<core_parallel>, #tpu.dimension_semantics<subcore_parallel>], iteration_bounds = array<i64: 2, 16>, scalar_prefetch = 0 : i64, scratch_operands = 6 : i64, tpu.core_type = #tpu.core_type<sc_vector_subcore>, window_params = [{transform_indices = #map}, {transform_indices = #map1}, {transform_indices = #map}]} {
    %mul3A = arith.constant 16 : i32
    %mul3A_0 = arith.muli %arg0, %mul3A : i32
    %add3A = arith.addi %mul3A_0, %arg1 : i32
    %iota3A = tpu.iota {dimensions = array<i32: 0>} : vector<16xi32>
    %mul3A_1 = arith.constant 128 : i32
    %mul3A_2 = arith.muli %add3A, %mul3A_1 : i32
    "tpu.region"() ({
      %run_scoped3A = tpu.sem_alloc : memref<!tpu.dma_semaphore, #tpu.memory_space<semaphore_mem>>
      %dma_start3A_181 = arith.constant 0 : i32
      %dma_start3A_182 = tpu.memref_slice %arg2[%mul3A_2, %dma_start3A_181] : memref<4096x640xf32, #tpu.memory_space<hbm>> -> memref<128x640xf32, #tpu.memory_space<hbm>>
      %dma_start3A_183 = arith.constant 0 : i32
      %dma_start3A_184 = tpu.memref_slice %arg2[%mul3A_2, %dma_start3A_183] : memref<4096x640xf32, #tpu.memory_space<hbm>> -> memref<128x640xf32, #tpu.memory_space<hbm>>
      tpu.enqueue_dma source(%dma_start3A_184 : memref<128x640xf32, #tpu.memory_space<hbm>>) target(%arg5 : memref<128x640xf32, #tpu.memory_space<vmem>>) target_semaphore(%run_scoped3A : memref<!tpu.dma_semaphore, #tpu.memory_space<semaphore_mem>>)
      %dma_wait3A_185 = arith.constant 0 : i32
      %dma_wait3A_186 = tpu.memref_slice %arg2[%mul3A_2, %dma_wait3A_185] : memref<4096x640xf32, #tpu.memory_space<hbm>> -> memref<128x640xf32, #tpu.memory_space<hbm>>
      %dma_wait3A_187 = arith.constant 0 : i32
      %dma_wait3A_188 = tpu.memref_slice %arg2[%mul3A_2, %dma_wait3A_187] : memref<4096x640xf32, #tpu.memory_space<hbm>> -> memref<128x640xf32, #tpu.memory_space<hbm>>
      tpu.wait_dma2 semaphore(%run_scoped3A : memref<!tpu.dma_semaphore, #tpu.memory_space<semaphore_mem>>) src(%dma_wait3A_188 : memref<128x640xf32, #tpu.memory_space<hbm>>) dst(%arg5 : memref<128x640xf32, #tpu.memory_space<vmem>>)
      tpu.yield
    }) : () -> ()
    %mul3A_3 = arith.constant 256 : i32
    %mul3A_4 = arith.muli %add3A, %mul3A_3 : i32
    "tpu.region"() ({
      %run_scoped3A = tpu.sem_alloc : memref<!tpu.dma_semaphore, #tpu.memory_space<semaphore_mem>>
      %dma_start3A_181 = tpu.memref_slice %arg3[%mul3A_4] : memref<8192xi32, #tpu.memory_space<hbm>> -> memref<256xi32, #tpu.memory_space<hbm>>
      %dma_start3A_182 = tpu.memref_slice %arg3[%mul3A_4] : memref<8192xi32, #tpu.memory_space<hbm>> -> memref<256xi32, #tpu.memory_space<hbm>>
      tpu.enqueue_dma source(%dma_start3A_182 : memref<256xi32, #tpu.memory_space<hbm>>) target(%arg6 : memref<256xi32, #tpu.memory_space<vmem>>) target_semaphore(%run_scoped3A : memref<!tpu.dma_semaphore, #tpu.memory_space<semaphore_mem>>)
      %dma_wait3A_183 = tpu.memref_slice %arg3[%mul3A_4] : memref<8192xi32, #tpu.memory_space<hbm>> -> memref<256xi32, #tpu.memory_space<hbm>>
      %dma_wait3A_184 = tpu.memref_slice %arg3[%mul3A_4] : memref<8192xi32, #tpu.memory_space<hbm>> -> memref<256xi32, #tpu.memory_space<hbm>>
      tpu.wait_dma2 semaphore(%run_scoped3A : memref<!tpu.dma_semaphore, #tpu.memory_space<semaphore_mem>>) src(%dma_wait3A_184 : memref<256xi32, #tpu.memory_space<hbm>>) dst(%arg6 : memref<256xi32, #tpu.memory_space<vmem>>)
      tpu.yield
    }) : () -> ()
    %mul3A_5 = arith.constant 2 : i32
    %mul3A_6 = vector.broadcast %mul3A_5 : i32 to vector<16xi32>
    %mul3A_7 = arith.muli %mul3A_6, %iota3A : vector<16xi32>
    %add3A_8 = arith.constant 0 : i32
    %add3A_9 = vector.broadcast %add3A_8 : i32 to vector<16xi32>
    %add3A_10 = arith.addi %add3A_9, %mul3A_7 : vector<16xi32>
    %gather3A = tpu.vector_load_idx %arg6[%add3A_10] : memref<256xi32, #tpu.memory_space<vmem>>[vector<16xi32>], vector<16xi32>,
    %swap3A = arith.constant 0 : index
    %swap3A_11 = tpu.vector_load %arg7[%swap3A] {strides = array<i32>} : memref<128xi32, #tpu.memory_space<vmem>>, vector<16xi32>,
    tpu.vector_store %arg7[%swap3A], %gather3A {strides = array<i32>} : memref<128xi32, #tpu.memory_space<vmem>>, vector<16xi32>,
    %mul3A_12 = arith.constant 2 : i32
    %mul3A_13 = vector.broadcast %mul3A_12 : i32 to vector<16xi32>
    %mul3A_14 = arith.muli %mul3A_13, %iota3A : vector<16xi32>
    %add3A_15 = arith.constant 0 : i32
    %add3A_16 = vector.broadcast %add3A_15 : i32 to vector<16xi32>
    %add3A_17 = arith.addi %add3A_16, %mul3A_14 : vector<16xi32>
    %add3A_18 = arith.constant 1 : i32
    %add3A_19 = vector.broadcast %add3A_18 : i32 to vector<16xi32>
    %add3A_20 = arith.addi %add3A_17, %add3A_19 : vector<16xi32>
    %gather3A_21 = tpu.vector_load_idx %arg6[%add3A_20] : memref<256xi32, #tpu.memory_space<vmem>>[vector<16xi32>], vector<16xi32>,
    %swap3A_22 = arith.constant 0 : index
    %swap3A_23 = tpu.vector_load %arg8[%swap3A_22] {strides = array<i32>} : memref<128xi32, #tpu.memory_space<vmem>>, vector<16xi32>,
    tpu.vector_store %arg8[%swap3A_22], %gather3A_21 {strides = array<i32>} : memref<128xi32, #tpu.memory_space<vmem>>, vector<16xi32>,
    %mul3A_24 = arith.constant 2 : i32
    %mul3A_25 = vector.broadcast %mul3A_24 : i32 to vector<16xi32>
    %mul3A_26 = arith.muli %mul3A_25, %iota3A : vector<16xi32>
    %add3A_27 = arith.constant 32 : i32
    %add3A_28 = vector.broadcast %add3A_27 : i32 to vector<16xi32>
    %add3A_29 = arith.addi %add3A_28, %mul3A_26 : vector<16xi32>
    %gather3A_30 = tpu.vector_load_idx %arg6[%add3A_29] : memref<256xi32, #tpu.memory_space<vmem>>[vector<16xi32>], vector<16xi32>,
    %swap3A_31 = arith.constant 16 : index
    %swap3A_32 = tpu.vector_load %arg7[%swap3A_31] {strides = array<i32>} : memref<128xi32, #tpu.memory_space<vmem>>, vector<16xi32>,
    tpu.vector_store %arg7[%swap3A_31], %gather3A_30 {strides = array<i32>} : memref<128xi32, #tpu.memory_space<vmem>>, vector<16xi32>,
    %mul3A_33 = arith.constant 2 : i32
    %mul3A_34 = vector.broadcast %mul3A_33 : i32 to vector<16xi32>
    %mul3A_35 = arith.muli %mul3A_34, %iota3A : vector<16xi32>
    %add3A_36 = arith.constant 32 : i32
    %add3A_37 = vector.broadcast %add3A_36 : i32 to vector<16xi32>
    %add3A_38 = arith.addi %add3A_37, %mul3A_35 : vector<16xi32>
    %add3A_39 = arith.constant 1 : i32
    %add3A_40 = vector.broadcast %add3A_39 : i32 to vector<16xi32>
    %add3A_41 = arith.addi %add3A_38, %add3A_40 : vector<16xi32>
    %gather3A_42 = tpu.vector_load_idx %arg6[%add3A_41] : memref<256xi32, #tpu.memory_space<vmem>>[vector<16xi32>], vector<16xi32>,
    %swap3A_43 = arith.constant 16 : index
    %swap3A_44 = tpu.vector_load %arg8[%swap3A_43] {strides = array<i32>} : memref<128xi32, #tpu.memory_space<vmem>>, vector<16xi32>,
    tpu.vector_store %arg8[%swap3A_43], %gather3A_42 {strides = array<i32>} : memref<128xi32, #tpu.memory_space<vmem>>, vector<16xi32>,
    %mul3A_45 = arith.constant 2 : i32
    %mul3A_46 = vector.broadcast %mul3A_45 : i32 to vector<16xi32>
    %mul3A_47 = arith.muli %mul3A_46, %iota3A : vector<16xi32>
    %add3A_48 = arith.constant 64 : i32
    %add3A_49 = vector.broadcast %add3A_48 : i32 to vector<16xi32>
    %add3A_50 = arith.addi %add3A_49, %mul3A_47 : vector<16xi32>
    %gather3A_51 = tpu.vector_load_idx %arg6[%add3A_50] : memref<256xi32, #tpu.memory_space<vmem>>[vector<16xi32>], vector<16xi32>,
    %swap3A_52 = arith.constant 32 : index
    %swap3A_53 = tpu.vector_load %arg7[%swap3A_52] {strides = array<i32>} : memref<128xi32, #tpu.memory_space<vmem>>, vector<16xi32>,
    tpu.vector_store %arg7[%swap3A_52], %gather3A_51 {strides = array<i32>} : memref<128xi32, #tpu.memory_space<vmem>>, vector<16xi32>,
    %mul3A_54 = arith.constant 2 : i32
    %mul3A_55 = vector.broadcast %mul3A_54 : i32 to vector<16xi32>
    %mul3A_56 = arith.muli %mul3A_55, %iota3A : vector<16xi32>
    %add3A_57 = arith.constant 64 : i32
    %add3A_58 = vector.broadcast %add3A_57 : i32 to vector<16xi32>
    %add3A_59 = arith.addi %add3A_58, %mul3A_56 : vector<16xi32>
    %add3A_60 = arith.constant 1 : i32
    %add3A_61 = vector.broadcast %add3A_60 : i32 to vector<16xi32>
    %add3A_62 = arith.addi %add3A_59, %add3A_61 : vector<16xi32>
    %gather3A_63 = tpu.vector_load_idx %arg6[%add3A_62] : memref<256xi32, #tpu.memory_space<vmem>>[vector<16xi32>], vector<16xi32>,
    %swap3A_64 = arith.constant 32 : index
    %swap3A_65 = tpu.vector_load %arg8[%swap3A_64] {strides = array<i32>} : memref<128xi32, #tpu.memory_space<vmem>>, vector<16xi32>,
    tpu.vector_store %arg8[%swap3A_64], %gather3A_63 {strides = array<i32>} : memref<128xi32, #tpu.memory_space<vmem>>, vector<16xi32>,
    %mul3A_66 = arith.constant 2 : i32
    %mul3A_67 = vector.broadcast %mul3A_66 : i32 to vector<16xi32>
    %mul3A_68 = arith.muli %mul3A_67, %iota3A : vector<16xi32>
    %add3A_69 = arith.constant 96 : i32
    %add3A_70 = vector.broadcast %add3A_69 : i32 to vector<16xi32>
    %add3A_71 = arith.addi %add3A_70, %mul3A_68 : vector<16xi32>
    %gather3A_72 = tpu.vector_load_idx %arg6[%add3A_71] : memref<256xi32, #tpu.memory_space<vmem>>[vector<16xi32>], vector<16xi32>,
    %swap3A_73 = arith.constant 48 : index
    %swap3A_74 = tpu.vector_load %arg7[%swap3A_73] {strides = array<i32>} : memref<128xi32, #tpu.memory_space<vmem>>, vector<16xi32>,
    tpu.vector_store %arg7[%swap3A_73], %gather3A_72 {strides = array<i32>} : memref<128xi32, #tpu.memory_space<vmem>>, vector<16xi32>,
    %mul3A_75 = arith.constant 2 : i32
    %mul3A_76 = vector.broadcast %mul3A_75 : i32 to vector<16xi32>
    %mul3A_77 = arith.muli %mul3A_76, %iota3A : vector<16xi32>
    %add3A_78 = arith.constant 96 : i32
    %add3A_79 = vector.broadcast %add3A_78 : i32 to vector<16xi32>
    %add3A_80 = arith.addi %add3A_79, %mul3A_77 : vector<16xi32>
    %add3A_81 = arith.constant 1 : i32
    %add3A_82 = vector.broadcast %add3A_81 : i32 to vector<16xi32>
    %add3A_83 = arith.addi %add3A_80, %add3A_82 : vector<16xi32>
    %gather3A_84 = tpu.vector_load_idx %arg6[%add3A_83] : memref<256xi32, #tpu.memory_space<vmem>>[vector<16xi32>], vector<16xi32>,
    %swap3A_85 = arith.constant 48 : index
    %swap3A_86 = tpu.vector_load %arg8[%swap3A_85] {strides = array<i32>} : memref<128xi32, #tpu.memory_space<vmem>>, vector<16xi32>,
    tpu.vector_store %arg8[%swap3A_85], %gather3A_84 {strides = array<i32>} : memref<128xi32, #tpu.memory_space<vmem>>, vector<16xi32>,
    %mul3A_87 = arith.constant 2 : i32
    %mul3A_88 = vector.broadcast %mul3A_87 : i32 to vector<16xi32>
    %mul3A_89 = arith.muli %mul3A_88, %iota3A : vector<16xi32>
    %add3A_90 = arith.constant 128 : i32
    %add3A_91 = vector.broadcast %add3A_90 : i32 to vector<16xi32>
    %add3A_92 = arith.addi %add3A_91, %mul3A_89 : vector<16xi32>
    %gather3A_93 = tpu.vector_load_idx %arg6[%add3A_92] : memref<256xi32, #tpu.memory_space<vmem>>[vector<16xi32>], vector<16xi32>,
    %swap3A_94 = arith.constant 64 : index
    %swap3A_95 = tpu.vector_load %arg7[%swap3A_94] {strides = array<i32>} : memref<128xi32, #tpu.memory_space<vmem>>, vector<16xi32>,
    tpu.vector_store %arg7[%swap3A_94], %gather3A_93 {strides = array<i32>} : memref<128xi32, #tpu.memory_space<vmem>>, vector<16xi32>,
    %mul3A_96 = arith.constant 2 : i32
    %mul3A_97 = vector.broadcast %mul3A_96 : i32 to vector<16xi32>
    %mul3A_98 = arith.muli %mul3A_97, %iota3A : vector<16xi32>
    %add3A_99 = arith.constant 128 : i32
    %add3A_100 = vector.broadcast %add3A_99 : i32 to vector<16xi32>
    %add3A_101 = arith.addi %add3A_100, %mul3A_98 : vector<16xi32>
    %add3A_102 = arith.constant 1 : i32
    %add3A_103 = vector.broadcast %add3A_102 : i32 to vector<16xi32>
    %add3A_104 = arith.addi %add3A_101, %add3A_103 : vector<16xi32>
    %gather3A_105 = tpu.vector_load_idx %arg6[%add3A_104] : memref<256xi32, #tpu.memory_space<vmem>>[vector<16xi32>], vector<16xi32>,
    %swap3A_106 = arith.constant 64 : index
    %swap3A_107 = tpu.vector_load %arg8[%swap3A_106] {strides = array<i32>} : memref<128xi32, #tpu.memory_space<vmem>>, vector<16xi32>,
    tpu.vector_store %arg8[%swap3A_106], %gather3A_105 {strides = array<i32>} : memref<128xi32, #tpu.memory_space<vmem>>, vector<16xi32>,
    %mul3A_108 = arith.constant 2 : i32
    %mul3A_109 = vector.broadcast %mul3A_108 : i32 to vector<16xi32>
    %mul3A_110 = arith.muli %mul3A_109, %iota3A : vector<16xi32>
    %add3A_111 = arith.constant 160 : i32
    %add3A_112 = vector.broadcast %add3A_111 : i32 to vector<16xi32>
    %add3A_113 = arith.addi %add3A_112, %mul3A_110 : vector<16xi32>
    %gather3A_114 = tpu.vector_load_idx %arg6[%add3A_113] : memref<256xi32, #tpu.memory_space<vmem>>[vector<16xi32>], vector<16xi32>,
    %swap3A_115 = arith.constant 80 : index
    %swap3A_116 = tpu.vector_load %arg7[%swap3A_115] {strides = array<i32>} : memref<128xi32, #tpu.memory_space<vmem>>, vector<16xi32>,
    tpu.vector_store %arg7[%swap3A_115], %gather3A_114 {strides = array<i32>} : memref<128xi32, #tpu.memory_space<vmem>>, vector<16xi32>,
    %mul3A_117 = arith.constant 2 : i32
    %mul3A_118 = vector.broadcast %mul3A_117 : i32 to vector<16xi32>
    %mul3A_119 = arith.muli %mul3A_118, %iota3A : vector<16xi32>
    %add3A_120 = arith.constant 160 : i32
    %add3A_121 = vector.broadcast %add3A_120 : i32 to vector<16xi32>
    %add3A_122 = arith.addi %add3A_121, %mul3A_119 : vector<16xi32>
    %add3A_123 = arith.constant 1 : i32
    %add3A_124 = vector.broadcast %add3A_123 : i32 to vector<16xi32>
    %add3A_125 = arith.addi %add3A_122, %add3A_124 : vector<16xi32>
    %gather3A_126 = tpu.vector_load_idx %arg6[%add3A_125] : memref<256xi32, #tpu.memory_space<vmem>>[vector<16xi32>], vector<16xi32>,
    %swap3A_127 = arith.constant 80 : index
    %swap3A_128 = tpu.vector_load %arg8[%swap3A_127] {strides = array<i32>} : memref<128xi32, #tpu.memory_space<vmem>>, vector<16xi32>,
    tpu.vector_store %arg8[%swap3A_127], %gather3A_126 {strides = array<i32>} : memref<128xi32, #tpu.memory_space<vmem>>, vector<16xi32>,
    %mul3A_129 = arith.constant 2 : i32
    %mul3A_130 = vector.broadcast %mul3A_129 : i32 to vector<16xi32>
    %mul3A_131 = arith.muli %mul3A_130, %iota3A : vector<16xi32>
    %add3A_132 = arith.constant 192 : i32
    %add3A_133 = vector.broadcast %add3A_132 : i32 to vector<16xi32>
    %add3A_134 = arith.addi %add3A_133, %mul3A_131 : vector<16xi32>
    %gather3A_135 = tpu.vector_load_idx %arg6[%add3A_134] : memref<256xi32, #tpu.memory_space<vmem>>[vector<16xi32>], vector<16xi32>,
    %swap3A_136 = arith.constant 96 : index
    %swap3A_137 = tpu.vector_load %arg7[%swap3A_136] {strides = array<i32>} : memref<128xi32, #tpu.memory_space<vmem>>, vector<16xi32>,
    tpu.vector_store %arg7[%swap3A_136], %gather3A_135 {strides = array<i32>} : memref<128xi32, #tpu.memory_space<vmem>>, vector<16xi32>,
    %mul3A_138 = arith.constant 2 : i32
    %mul3A_139 = vector.broadcast %mul3A_138 : i32 to vector<16xi32>
    %mul3A_140 = arith.muli %mul3A_139, %iota3A : vector<16xi32>
    %add3A_141 = arith.constant 192 : i32
    %add3A_142 = vector.broadcast %add3A_141 : i32 to vector<16xi32>
    %add3A_143 = arith.addi %add3A_142, %mul3A_140 : vector<16xi32>
    %add3A_144 = arith.constant 1 : i32
    %add3A_145 = vector.broadcast %add3A_144 : i32 to vector<16xi32>
    %add3A_146 = arith.addi %add3A_143, %add3A_145 : vector<16xi32>
    %gather3A_147 = tpu.vector_load_idx %arg6[%add3A_146] : memref<256xi32, #tpu.memory_space<vmem>>[vector<16xi32>], vector<16xi32>,
    %swap3A_148 = arith.constant 96 : index
    %swap3A_149 = tpu.vector_load %arg8[%swap3A_148] {strides = array<i32>} : memref<128xi32, #tpu.memory_space<vmem>>, vector<16xi32>,
    tpu.vector_store %arg8[%swap3A_148], %gather3A_147 {strides = array<i32>} : memref<128xi32, #tpu.memory_space<vmem>>, vector<16xi32>,
    %mul3A_150 = arith.constant 2 : i32
    %mul3A_151 = vector.broadcast %mul3A_150 : i32 to vector<16xi32>
    %mul3A_152 = arith.muli %mul3A_151, %iota3A : vector<16xi32>
    %add3A_153 = arith.constant 224 : i32
    %add3A_154 = vector.broadcast %add3A_153 : i32 to vector<16xi32>
    %add3A_155 = arith.addi %add3A_154, %mul3A_152 : vector<16xi32>
    %gather3A_156 = tpu.vector_load_idx %arg6[%add3A_155] : memref<256xi32, #tpu.memory_space<vmem>>[vector<16xi32>], vector<16xi32>,
    %swap3A_157 = arith.constant 112 : index
    %swap3A_158 = tpu.vector_load %arg7[%swap3A_157] {strides = array<i32>} : memref<128xi32, #tpu.memory_space<vmem>>, vector<16xi32>,
    tpu.vector_store %arg7[%swap3A_157], %gather3A_156 {strides = array<i32>} : memref<128xi32, #tpu.memory_space<vmem>>, vector<16xi32>,
    %mul3A_159 = arith.constant 2 : i32
    %mul3A_160 = vector.broadcast %mul3A_159 : i32 to vector<16xi32>
    %mul3A_161 = arith.muli %mul3A_160, %iota3A : vector<16xi32>
    %add3A_162 = arith.constant 224 : i32
    %add3A_163 = vector.broadcast %add3A_162 : i32 to vector<16xi32>
    %add3A_164 = arith.addi %add3A_163, %mul3A_161 : vector<16xi32>
    %add3A_165 = arith.constant 1 : i32
    %add3A_166 = vector.broadcast %add3A_165 : i32 to vector<16xi32>
    %add3A_167 = arith.addi %add3A_164, %add3A_166 : vector<16xi32>
    %gather3A_168 = tpu.vector_load_idx %arg6[%add3A_167] : memref<256xi32, #tpu.memory_space<vmem>>[vector<16xi32>], vector<16xi32>,
    %swap3A_169 = arith.constant 112 : index
    %swap3A_170 = tpu.vector_load %arg8[%swap3A_169] {strides = array<i32>} : memref<128xi32, #tpu.memory_space<vmem>>, vector<16xi32>,
    tpu.vector_store %arg8[%swap3A_169], %gather3A_168 {strides = array<i32>} : memref<128xi32, #tpu.memory_space<vmem>>, vector<16xi32>,
    %dma_start3A = arith.constant 0 : i32
    %dma_start3A_171 = arith.constant 0 : i32
    %dma_start3A_172 = tpu.memref_slice %arg4[%dma_start3A, %dma_start3A_171] : memref<10240x640xf32, #tpu.memory_space<hbm>> -> memref<10240x640xf32, #tpu.memory_space<hbm>>
    tpu.enqueue_indirect_dma source(%arg5 : memref<128x640xf32, #tpu.memory_space<vmem>>) target(%dma_start3A_172 : memref<10240x640xf32, #tpu.memory_space<hbm>>) offsets(%arg7 : memref<128xi32, #tpu.memory_space<vmem>>) semaphore(%arg9 : memref<!tpu.dma_semaphore, #tpu.memory_space<semaphore_mem>>)
    %dma_start3A_173 = arith.constant 0 : i32
    %dma_start3A_174 = arith.constant 0 : i32
    %dma_start3A_175 = tpu.memref_slice %arg4[%dma_start3A_173, %dma_start3A_174] : memref<10240x640xf32, #tpu.memory_space<hbm>> -> memref<10240x640xf32, #tpu.memory_space<hbm>>
    tpu.enqueue_indirect_dma source(%arg5 : memref<128x640xf32, #tpu.memory_space<vmem>>) target(%dma_start3A_175 : memref<10240x640xf32, #tpu.memory_space<hbm>>) offsets(%arg8 : memref<128xi32, #tpu.memory_space<vmem>>) semaphore(%arg10 : memref<!tpu.dma_semaphore, #tpu.memory_space<semaphore_mem>>)
    %dma_wait3A = arith.constant 0 : i32
    %dma_wait3A_176 = arith.constant 0 : i32
    %dma_wait3A_177 = tpu.memref_slice %arg4[%dma_wait3A, %dma_wait3A_176] : memref<10240x640xf32, #tpu.memory_space<hbm>> -> memref<10240x640xf32, #tpu.memory_space<hbm>>
    tpu.wait_indirect_dma semaphore(%arg9 : memref<!tpu.dma_semaphore, #tpu.memory_space<semaphore_mem>>) src(%arg5 : memref<128x640xf32, #tpu.memory_space<vmem>>) dst(%dma_wait3A_177 : memref<10240x640xf32, #tpu.memory_space<hbm>>)
    %dma_wait3A_178 = arith.constant 0 : i32
    %dma_wait3A_179 = arith.constant 0 : i32
    %dma_wait3A_180 = tpu.memref_slice %arg4[%dma_wait3A_178, %dma_wait3A_179] : memref<10240x640xf32, #tpu.memory_space<hbm>> -> memref<10240x640xf32, #tpu.memory_space<hbm>>
    tpu.wait_indirect_dma semaphore(%arg10 : memref<!tpu.dma_semaphore, #tpu.memory_space<semaphore_mem>>) src(%arg5 : memref<128x640xf32, #tpu.memory_space<vmem>>) dst(%dma_wait3A_180 : memref<10240x640xf32, #tpu.memory_space<hbm>>)
    return
  }
}

#map = affine_map<(d0, d1) -> (0)>
#map1 = affine_map<(d0, d1) -> (0, 0)>
module attributes {stable_mosaic.version = 14 : i64} {
  func.func @_k2a(%arg0: i32, %arg1: i32, %arg2: memref<8192xi32, #tpu.memory_space<hbm>>, %arg3: memref<32x16xi32, #tpu.memory_space<hbm>>, %arg4: memref<8192xi32, #tpu.memory_space<hbm>>, %arg5: memref<144xi32, #tpu.memory_space<hbm>>, %arg6: memref<256xi32, #tpu.memory_space<vmem>>, %arg7: memref<32x16xi32, #tpu.memory_space<vmem>>, %arg8: memref<16xi32, #tpu.memory_space<vmem>>, %arg9: memref<256xi32, #tpu.memory_space<vmem>>, %arg10: memref<16xi32, #tpu.memory_space<vmem>>, %arg11: memref<!tpu.dma_semaphore, #tpu.memory_space<semaphore_mem>>) attributes {dimension_semantics = [#tpu.dimension_semantics<core_parallel>, #tpu.dimension_semantics<subcore_parallel>], iteration_bounds = array<i64: 2, 16>, scalar_prefetch = 0 : i64, scratch_operands = 6 : i64, tpu.core_type = #tpu.core_type<sc_vector_subcore>, window_params = [{transform_indices = #map}, {transform_indices = #map1}, {transform_indices = #map}, {transform_indices = #map}]} {
    %mul3A = arith.constant 16 : i32
    %mul3A_0 = arith.muli %arg0, %mul3A : i32
    %add3A = arith.addi %mul3A_0, %arg1 : i32
    %iota3A = tpu.iota {dimensions = array<i32: 0>} : vector<16xi32>
    %mul3A_1 = arith.constant 256 : i32
    %mul3A_2 = arith.muli %add3A, %mul3A_1 : i32
    "tpu.region"() ({
      %run_scoped3A = tpu.sem_alloc : memref<!tpu.dma_semaphore, #tpu.memory_space<semaphore_mem>>
      %dma_start3A = tpu.memref_slice %arg2[%mul3A_2] : memref<8192xi32, #tpu.memory_space<hbm>> -> memref<256xi32, #tpu.memory_space<hbm>>
      %dma_start3A_575 = tpu.memref_slice %arg2[%mul3A_2] : memref<8192xi32, #tpu.memory_space<hbm>> -> memref<256xi32, #tpu.memory_space<hbm>>
      tpu.enqueue_dma source(%dma_start3A_575 : memref<256xi32, #tpu.memory_space<hbm>>) target(%arg6 : memref<256xi32, #tpu.memory_space<vmem>>) target_semaphore(%run_scoped3A : memref<!tpu.dma_semaphore, #tpu.memory_space<semaphore_mem>>)
      %dma_wait3A = tpu.memref_slice %arg2[%mul3A_2] : memref<8192xi32, #tpu.memory_space<hbm>> -> memref<256xi32, #tpu.memory_space<hbm>>
      %dma_wait3A_576 = tpu.memref_slice %arg2[%mul3A_2] : memref<8192xi32, #tpu.memory_space<hbm>> -> memref<256xi32, #tpu.memory_space<hbm>>
      tpu.wait_dma2 semaphore(%run_scoped3A : memref<!tpu.dma_semaphore, #tpu.memory_space<semaphore_mem>>) src(%dma_wait3A_576 : memref<256xi32, #tpu.memory_space<hbm>>) dst(%arg6 : memref<256xi32, #tpu.memory_space<vmem>>)
      tpu.yield
    }) : () -> ()
    "tpu.region"() ({
      %run_scoped3A = tpu.sem_alloc : memref<!tpu.dma_semaphore, #tpu.memory_space<semaphore_mem>>
      tpu.enqueue_dma source(%arg3 : memref<32x16xi32, #tpu.memory_space<hbm>>) target(%arg7 : memref<32x16xi32, #tpu.memory_space<vmem>>) target_semaphore(%run_scoped3A : memref<!tpu.dma_semaphore, #tpu.memory_space<semaphore_mem>>)
      tpu.wait_dma2 semaphore(%run_scoped3A : memref<!tpu.dma_semaphore, #tpu.memory_space<semaphore_mem>>) src(%arg3 : memref<32x16xi32, #tpu.memory_space<hbm>>) dst(%arg7 : memref<32x16xi32, #tpu.memory_space<vmem>>)
      tpu.yield
    }) : () -> ()
    %broadcast_in_dim3A = arith.constant 0 : i32
    %broadcast_in_dim3A_3 = vector.broadcast %broadcast_in_dim3A : i32 to vector<16xi32>
    %broadcast_in_dim3A_4 = arith.constant 0 : i32
    %broadcast_in_dim3A_5 = vector.broadcast %broadcast_in_dim3A_4 : i32 to vector<16xi32>
    %get3A = arith.constant 0 : i32
    %get3A_6 = arith.index_cast %get3A : i32 to index
    %get3A_7 = arith.constant 0 : index
    %get3A_8 = tpu.vector_load %arg7[%get3A_6, %get3A_7] {strides = array<i32>} : memref<32x16xi32, #tpu.memory_space<vmem>>, vector<16xi32>,
    %add3A_9 = arith.addi %broadcast_in_dim3A_3, %get3A_8 : vector<16xi32>
    %gt3A = arith.constant 0 : i32
    %gt3A_10 = arith.cmpi sgt, %add3A, %gt3A : i32
    %jit3A = arith.constant 0 : i32
    %broadcast_in_dim3A_11 = vector.broadcast %jit3A : i32 to vector<16xi32>
    %select_n3A = arith.select %gt3A_10, %get3A_8, %broadcast_in_dim3A_11 : vector<16xi32>
    %add3A_12 = arith.addi %broadcast_in_dim3A_5, %select_n3A : vector<16xi32>
    %get3A_13 = arith.constant 1 : i32
    %get3A_14 = arith.index_cast %get3A_13 : i32 to index
    %get3A_15 = arith.constant 0 : index
    %get3A_16 = tpu.vector_load %arg7[%get3A_14, %get3A_15] {strides = array<i32>} : memref<32x16xi32, #tpu.memory_space<vmem>>, vector<16xi32>,
    %add3A_17 = arith.addi %add3A_9, %get3A_16 : vector<16xi32>
    %gt3A_18 = arith.constant 1 : i32
    %gt3A_19 = arith.cmpi sgt, %add3A, %gt3A_18 : i32
    %jit3A_20 = arith.constant 0 : i32
    %broadcast_in_dim3A_21 = vector.broadcast %jit3A_20 : i32 to vector<16xi32>
    %select_n3A_22 = arith.select %gt3A_19, %get3A_16, %broadcast_in_dim3A_21 : vector<16xi32>
    %add3A_23 = arith.addi %add3A_12, %select_n3A_22 : vector<16xi32>
    %get3A_24 = arith.constant 2 : i32
    %get3A_25 = arith.index_cast %get3A_24 : i32 to index
    %get3A_26 = arith.constant 0 : index
    %get3A_27 = tpu.vector_load %arg7[%get3A_25, %get3A_26] {strides = array<i32>} : memref<32x16xi32, #tpu.memory_space<vmem>>, vector<16xi32>,
    %add3A_28 = arith.addi %add3A_17, %get3A_27 : vector<16xi32>
    %gt3A_29 = arith.constant 2 : i32
    %gt3A_30 = arith.cmpi sgt, %add3A, %gt3A_29 : i32
    %jit3A_31 = arith.constant 0 : i32
    %broadcast_in_dim3A_32 = vector.broadcast %jit3A_31 : i32 to vector<16xi32>
    %select_n3A_33 = arith.select %gt3A_30, %get3A_27, %broadcast_in_dim3A_32 : vector<16xi32>
    %add3A_34 = arith.addi %add3A_23, %select_n3A_33 : vector<16xi32>
    %get3A_35 = arith.constant 3 : i32
    %get3A_36 = arith.index_cast %get3A_35 : i32 to index
    %get3A_37 = arith.constant 0 : index
    %get3A_38 = tpu.vector_load %arg7[%get3A_36, %get3A_37] {strides = array<i32>} : memref<32x16xi32, #tpu.memory_space<vmem>>, vector<16xi32>,
    %add3A_39 = arith.addi %add3A_28, %get3A_38 : vector<16xi32>
    %gt3A_40 = arith.constant 3 : i32
    %gt3A_41 = arith.cmpi sgt, %add3A, %gt3A_40 : i32
    %jit3A_42 = arith.constant 0 : i32
    %broadcast_in_dim3A_43 = vector.broadcast %jit3A_42 : i32 to vector<16xi32>
    %select_n3A_44 = arith.select %gt3A_41, %get3A_38, %broadcast_in_dim3A_43 : vector<16xi32>
    %add3A_45 = arith.addi %add3A_34, %select_n3A_44 : vector<16xi32>
    %get3A_46 = arith.constant 4 : i32
    %get3A_47 = arith.index_cast %get3A_46 : i32 to index
    %get3A_48 = arith.constant 0 : index
    %get3A_49 = tpu.vector_load %arg7[%get3A_47, %get3A_48] {strides = array<i32>} : memref<32x16xi32, #tpu.memory_space<vmem>>, vector<16xi32>,
    %add3A_50 = arith.addi %add3A_39, %get3A_49 : vector<16xi32>
    %gt3A_51 = arith.constant 4 : i32
    %gt3A_52 = arith.cmpi sgt, %add3A, %gt3A_51 : i32
    %jit3A_53 = arith.constant 0 : i32
    %broadcast_in_dim3A_54 = vector.broadcast %jit3A_53 : i32 to vector<16xi32>
    %select_n3A_55 = arith.select %gt3A_52, %get3A_49, %broadcast_in_dim3A_54 : vector<16xi32>
    %add3A_56 = arith.addi %add3A_45, %select_n3A_55 : vector<16xi32>
    %get3A_57 = arith.constant 5 : i32
    %get3A_58 = arith.index_cast %get3A_57 : i32 to index
    %get3A_59 = arith.constant 0 : index
    %get3A_60 = tpu.vector_load %arg7[%get3A_58, %get3A_59] {strides = array<i32>} : memref<32x16xi32, #tpu.memory_space<vmem>>, vector<16xi32>,
    %add3A_61 = arith.addi %add3A_50, %get3A_60 : vector<16xi32>
    %gt3A_62 = arith.constant 5 : i32
    %gt3A_63 = arith.cmpi sgt, %add3A, %gt3A_62 : i32
    %jit3A_64 = arith.constant 0 : i32
    %broadcast_in_dim3A_65 = vector.broadcast %jit3A_64 : i32 to vector<16xi32>
    %select_n3A_66 = arith.select %gt3A_63, %get3A_60, %broadcast_in_dim3A_65 : vector<16xi32>
    %add3A_67 = arith.addi %add3A_56, %select_n3A_66 : vector<16xi32>
    %get3A_68 = arith.constant 6 : i32
    %get3A_69 = arith.index_cast %get3A_68 : i32 to index
    %get3A_70 = arith.constant 0 : index
    %get3A_71 = tpu.vector_load %arg7[%get3A_69, %get3A_70] {strides = array<i32>} : memref<32x16xi32, #tpu.memory_space<vmem>>, vector<16xi32>,
    %add3A_72 = arith.addi %add3A_61, %get3A_71 : vector<16xi32>
    %gt3A_73 = arith.constant 6 : i32
    %gt3A_74 = arith.cmpi sgt, %add3A, %gt3A_73 : i32
    %jit3A_75 = arith.constant 0 : i32
    %broadcast_in_dim3A_76 = vector.broadcast %jit3A_75 : i32 to vector<16xi32>
    %select_n3A_77 = arith.select %gt3A_74, %get3A_71, %broadcast_in_dim3A_76 : vector<16xi32>
    %add3A_78 = arith.addi %add3A_67, %select_n3A_77 : vector<16xi32>
    %get3A_79 = arith.constant 7 : i32
    %get3A_80 = arith.index_cast %get3A_79 : i32 to index
    %get3A_81 = arith.constant 0 : index
    %get3A_82 = tpu.vector_load %arg7[%get3A_80, %get3A_81] {strides = array<i32>} : memref<32x16xi32, #tpu.memory_space<vmem>>, vector<16xi32>,
    %add3A_83 = arith.addi %add3A_72, %get3A_82 : vector<16xi32>
    %gt3A_84 = arith.constant 7 : i32
    %gt3A_85 = arith.cmpi sgt, %add3A, %gt3A_84 : i32
    %jit3A_86 = arith.constant 0 : i32
    %broadcast_in_dim3A_87 = vector.broadcast %jit3A_86 : i32 to vector<16xi32>
    %select_n3A_88 = arith.select %gt3A_85, %get3A_82, %broadcast_in_dim3A_87 : vector<16xi32>
    %add3A_89 = arith.addi %add3A_78, %select_n3A_88 : vector<16xi32>
    %get3A_90 = arith.constant 8 : i32
    %get3A_91 = arith.index_cast %get3A_90 : i32 to index
    %get3A_92 = arith.constant 0 : index
    %get3A_93 = tpu.vector_load %arg7[%get3A_91, %get3A_92] {strides = array<i32>} : memref<32x16xi32, #tpu.memory_space<vmem>>, vector<16xi32>,
    %add3A_94 = arith.addi %add3A_83, %get3A_93 : vector<16xi32>
    %gt3A_95 = arith.constant 8 : i32
    %gt3A_96 = arith.cmpi sgt, %add3A, %gt3A_95 : i32
    %jit3A_97 = arith.constant 0 : i32
    %broadcast_in_dim3A_98 = vector.broadcast %jit3A_97 : i32 to vector<16xi32>
    %select_n3A_99 = arith.select %gt3A_96, %get3A_93, %broadcast_in_dim3A_98 : vector<16xi32>
    %add3A_100 = arith.addi %add3A_89, %select_n3A_99 : vector<16xi32>
    %get3A_101 = arith.constant 9 : i32
    %get3A_102 = arith.index_cast %get3A_101 : i32 to index
    %get3A_103 = arith.constant 0 : index
    %get3A_104 = tpu.vector_load %arg7[%get3A_102, %get3A_103] {strides = array<i32>} : memref<32x16xi32, #tpu.memory_space<vmem>>, vector<16xi32>,
    %add3A_105 = arith.addi %add3A_94, %get3A_104 : vector<16xi32>
    %gt3A_106 = arith.constant 9 : i32
    %gt3A_107 = arith.cmpi sgt, %add3A, %gt3A_106 : i32
    %jit3A_108 = arith.constant 0 : i32
    %broadcast_in_dim3A_109 = vector.broadcast %jit3A_108 : i32 to vector<16xi32>
    %select_n3A_110 = arith.select %gt3A_107, %get3A_104, %broadcast_in_dim3A_109 : vector<16xi32>
    %add3A_111 = arith.addi %add3A_100, %select_n3A_110 : vector<16xi32>
    %get3A_112 = arith.constant 10 : i32
    %get3A_113 = arith.index_cast %get3A_112 : i32 to index
    %get3A_114 = arith.constant 0 : index
    %get3A_115 = tpu.vector_load %arg7[%get3A_113, %get3A_114] {strides = array<i32>} : memref<32x16xi32, #tpu.memory_space<vmem>>, vector<16xi32>,
    %add3A_116 = arith.addi %add3A_105, %get3A_115 : vector<16xi32>
    %gt3A_117 = arith.constant 10 : i32
    %gt3A_118 = arith.cmpi sgt, %add3A, %gt3A_117 : i32
    %jit3A_119 = arith.constant 0 : i32
    %broadcast_in_dim3A_120 = vector.broadcast %jit3A_119 : i32 to vector<16xi32>
    %select_n3A_121 = arith.select %gt3A_118, %get3A_115, %broadcast_in_dim3A_120 : vector<16xi32>
    %add3A_122 = arith.addi %add3A_111, %select_n3A_121 : vector<16xi32>
    %get3A_123 = arith.constant 11 : i32
    %get3A_124 = arith.index_cast %get3A_123 : i32 to index
    %get3A_125 = arith.constant 0 : index
    %get3A_126 = tpu.vector_load %arg7[%get3A_124, %get3A_125] {strides = array<i32>} : memref<32x16xi32, #tpu.memory_space<vmem>>, vector<16xi32>,
    %add3A_127 = arith.addi %add3A_116, %get3A_126 : vector<16xi32>
    %gt3A_128 = arith.constant 11 : i32
    %gt3A_129 = arith.cmpi sgt, %add3A, %gt3A_128 : i32
    %jit3A_130 = arith.constant 0 : i32
    %broadcast_in_dim3A_131 = vector.broadcast %jit3A_130 : i32 to vector<16xi32>
    %select_n3A_132 = arith.select %gt3A_129, %get3A_126, %broadcast_in_dim3A_131 : vector<16xi32>
    %add3A_133 = arith.addi %add3A_122, %select_n3A_132 : vector<16xi32>
    %get3A_134 = arith.constant 12 : i32
    %get3A_135 = arith.index_cast %get3A_134 : i32 to index
    %get3A_136 = arith.constant 0 : index
    %get3A_137 = tpu.vector_load %arg7[%get3A_135, %get3A_136] {strides = array<i32>} : memref<32x16xi32, #tpu.memory_space<vmem>>, vector<16xi32>,
    %add3A_138 = arith.addi %add3A_127, %get3A_137 : vector<16xi32>
    %gt3A_139 = arith.constant 12 : i32
    %gt3A_140 = arith.cmpi sgt, %add3A, %gt3A_139 : i32
    %jit3A_141 = arith.constant 0 : i32
    %broadcast_in_dim3A_142 = vector.broadcast %jit3A_141 : i32 to vector<16xi32>
    %select_n3A_143 = arith.select %gt3A_140, %get3A_137, %broadcast_in_dim3A_142 : vector<16xi32>
    %add3A_144 = arith.addi %add3A_133, %select_n3A_143 : vector<16xi32>
    %get3A_145 = arith.constant 13 : i32
    %get3A_146 = arith.index_cast %get3A_145 : i32 to index
    %get3A_147 = arith.constant 0 : index
    %get3A_148 = tpu.vector_load %arg7[%get3A_146, %get3A_147] {strides = array<i32>} : memref<32x16xi32, #tpu.memory_space<vmem>>, vector<16xi32>,
    %add3A_149 = arith.addi %add3A_138, %get3A_148 : vector<16xi32>
    %gt3A_150 = arith.constant 13 : i32
    %gt3A_151 = arith.cmpi sgt, %add3A, %gt3A_150 : i32
    %jit3A_152 = arith.constant 0 : i32
    %broadcast_in_dim3A_153 = vector.broadcast %jit3A_152 : i32 to vector<16xi32>
    %select_n3A_154 = arith.select %gt3A_151, %get3A_148, %broadcast_in_dim3A_153 : vector<16xi32>
    %add3A_155 = arith.addi %add3A_144, %select_n3A_154 : vector<16xi32>
    %get3A_156 = arith.constant 14 : i32
    %get3A_157 = arith.index_cast %get3A_156 : i32 to index
    %get3A_158 = arith.constant 0 : index
    %get3A_159 = tpu.vector_load %arg7[%get3A_157, %get3A_158] {strides = array<i32>} : memref<32x16xi32, #tpu.memory_space<vmem>>, vector<16xi32>,
    %add3A_160 = arith.addi %add3A_149, %get3A_159 : vector<16xi32>
    %gt3A_161 = arith.constant 14 : i32
    %gt3A_162 = arith.cmpi sgt, %add3A, %gt3A_161 : i32
    %jit3A_163 = arith.constant 0 : i32
    %broadcast_in_dim3A_164 = vector.broadcast %jit3A_163 : i32 to vector<16xi32>
    %select_n3A_165 = arith.select %gt3A_162, %get3A_159, %broadcast_in_dim3A_164 : vector<16xi32>
    %add3A_166 = arith.addi %add3A_155, %select_n3A_165 : vector<16xi32>
    %get3A_167 = arith.constant 15 : i32
    %get3A_168 = arith.index_cast %get3A_167 : i32 to index
    %get3A_169 = arith.constant 0 : index
    %get3A_170 = tpu.vector_load %arg7[%get3A_168, %get3A_169] {strides = array<i32>} : memref<32x16xi32, #tpu.memory_space<vmem>>, vector<16xi32>,
    %add3A_171 = arith.addi %add3A_160, %get3A_170 : vector<16xi32>
    %gt3A_172 = arith.constant 15 : i32
    %gt3A_173 = arith.cmpi sgt, %add3A, %gt3A_172 : i32
    %jit3A_174 = arith.constant 0 : i32
    %broadcast_in_dim3A_175 = vector.broadcast %jit3A_174 : i32 to vector<16xi32>
    %select_n3A_176 = arith.select %gt3A_173, %get3A_170, %broadcast_in_dim3A_175 : vector<16xi32>
    %add3A_177 = arith.addi %add3A_166, %select_n3A_176 : vector<16xi32>
    %get3A_178 = arith.constant 16 : i32
    %get3A_179 = arith.index_cast %get3A_178 : i32 to index
    %get3A_180 = arith.constant 0 : index
    %get3A_181 = tpu.vector_load %arg7[%get3A_179, %get3A_180] {strides = array<i32>} : memref<32x16xi32, #tpu.memory_space<vmem>>, vector<16xi32>,
    %add3A_182 = arith.addi %add3A_171, %get3A_181 : vector<16xi32>
    %gt3A_183 = arith.constant 16 : i32
    %gt3A_184 = arith.cmpi sgt, %add3A, %gt3A_183 : i32
    %jit3A_185 = arith.constant 0 : i32
    %broadcast_in_dim3A_186 = vector.broadcast %jit3A_185 : i32 to vector<16xi32>
    %select_n3A_187 = arith.select %gt3A_184, %get3A_181, %broadcast_in_dim3A_186 : vector<16xi32>
    %add3A_188 = arith.addi %add3A_177, %select_n3A_187 : vector<16xi32>
    %get3A_189 = arith.constant 17 : i32
    %get3A_190 = arith.index_cast %get3A_189 : i32 to index
    %get3A_191 = arith.constant 0 : index
    %get3A_192 = tpu.vector_load %arg7[%get3A_190, %get3A_191] {strides = array<i32>} : memref<32x16xi32, #tpu.memory_space<vmem>>, vector<16xi32>,
    %add3A_193 = arith.addi %add3A_182, %get3A_192 : vector<16xi32>
    %gt3A_194 = arith.constant 17 : i32
    %gt3A_195 = arith.cmpi sgt, %add3A, %gt3A_194 : i32
    %jit3A_196 = arith.constant 0 : i32
    %broadcast_in_dim3A_197 = vector.broadcast %jit3A_196 : i32 to vector<16xi32>
    %select_n3A_198 = arith.select %gt3A_195, %get3A_192, %broadcast_in_dim3A_197 : vector<16xi32>
    %add3A_199 = arith.addi %add3A_188, %select_n3A_198 : vector<16xi32>
    %get3A_200 = arith.constant 18 : i32
    %get3A_201 = arith.index_cast %get3A_200 : i32 to index
    %get3A_202 = arith.constant 0 : index
    %get3A_203 = tpu.vector_load %arg7[%get3A_201, %get3A_202] {strides = array<i32>} : memref<32x16xi32, #tpu.memory_space<vmem>>, vector<16xi32>,
    %add3A_204 = arith.addi %add3A_193, %get3A_203 : vector<16xi32>
    %gt3A_205 = arith.constant 18 : i32
    %gt3A_206 = arith.cmpi sgt, %add3A, %gt3A_205 : i32
    %jit3A_207 = arith.constant 0 : i32
    %broadcast_in_dim3A_208 = vector.broadcast %jit3A_207 : i32 to vector<16xi32>
    %select_n3A_209 = arith.select %gt3A_206, %get3A_203, %broadcast_in_dim3A_208 : vector<16xi32>
    %add3A_210 = arith.addi %add3A_199, %select_n3A_209 : vector<16xi32>
    %get3A_211 = arith.constant 19 : i32
    %get3A_212 = arith.index_cast %get3A_211 : i32 to index
    %get3A_213 = arith.constant 0 : index
    %get3A_214 = tpu.vector_load %arg7[%get3A_212, %get3A_213] {strides = array<i32>} : memref<32x16xi32, #tpu.memory_space<vmem>>, vector<16xi32>,
    %add3A_215 = arith.addi %add3A_204, %get3A_214 : vector<16xi32>
    %gt3A_216 = arith.constant 19 : i32
    %gt3A_217 = arith.cmpi sgt, %add3A, %gt3A_216 : i32
    %jit3A_218 = arith.constant 0 : i32
    %broadcast_in_dim3A_219 = vector.broadcast %jit3A_218 : i32 to vector<16xi32>
    %select_n3A_220 = arith.select %gt3A_217, %get3A_214, %broadcast_in_dim3A_219 : vector<16xi32>
    %add3A_221 = arith.addi %add3A_210, %select_n3A_220 : vector<16xi32>
    %get3A_222 = arith.constant 20 : i32
    %get3A_223 = arith.index_cast %get3A_222 : i32 to index
    %get3A_224 = arith.constant 0 : index
    %get3A_225 = tpu.vector_load %arg7[%get3A_223, %get3A_224] {strides = array<i32>} : memref<32x16xi32, #tpu.memory_space<vmem>>, vector<16xi32>,
    %add3A_226 = arith.addi %add3A_215, %get3A_225 : vector<16xi32>
    %gt3A_227 = arith.constant 20 : i32
    %gt3A_228 = arith.cmpi sgt, %add3A, %gt3A_227 : i32
    %jit3A_229 = arith.constant 0 : i32
    %broadcast_in_dim3A_230 = vector.broadcast %jit3A_229 : i32 to vector<16xi32>
    %select_n3A_231 = arith.select %gt3A_228, %get3A_225, %broadcast_in_dim3A_230 : vector<16xi32>
    %add3A_232 = arith.addi %add3A_221, %select_n3A_231 : vector<16xi32>
    %get3A_233 = arith.constant 21 : i32
    %get3A_234 = arith.index_cast %get3A_233 : i32 to index
    %get3A_235 = arith.constant 0 : index
    %get3A_236 = tpu.vector_load %arg7[%get3A_234, %get3A_235] {strides = array<i32>} : memref<32x16xi32, #tpu.memory_space<vmem>>, vector<16xi32>,
    %add3A_237 = arith.addi %add3A_226, %get3A_236 : vector<16xi32>
    %gt3A_238 = arith.constant 21 : i32
    %gt3A_239 = arith.cmpi sgt, %add3A, %gt3A_238 : i32
    %jit3A_240 = arith.constant 0 : i32
    %broadcast_in_dim3A_241 = vector.broadcast %jit3A_240 : i32 to vector<16xi32>
    %select_n3A_242 = arith.select %gt3A_239, %get3A_236, %broadcast_in_dim3A_241 : vector<16xi32>
    %add3A_243 = arith.addi %add3A_232, %select_n3A_242 : vector<16xi32>
    %get3A_244 = arith.constant 22 : i32
    %get3A_245 = arith.index_cast %get3A_244 : i32 to index
    %get3A_246 = arith.constant 0 : index
    %get3A_247 = tpu.vector_load %arg7[%get3A_245, %get3A_246] {strides = array<i32>} : memref<32x16xi32, #tpu.memory_space<vmem>>, vector<16xi32>,
    %add3A_248 = arith.addi %add3A_237, %get3A_247 : vector<16xi32>
    %gt3A_249 = arith.constant 22 : i32
    %gt3A_250 = arith.cmpi sgt, %add3A, %gt3A_249 : i32
    %jit3A_251 = arith.constant 0 : i32
    %broadcast_in_dim3A_252 = vector.broadcast %jit3A_251 : i32 to vector<16xi32>
    %select_n3A_253 = arith.select %gt3A_250, %get3A_247, %broadcast_in_dim3A_252 : vector<16xi32>
    %add3A_254 = arith.addi %add3A_243, %select_n3A_253 : vector<16xi32>
    %get3A_255 = arith.constant 23 : i32
    %get3A_256 = arith.index_cast %get3A_255 : i32 to index
    %get3A_257 = arith.constant 0 : index
    %get3A_258 = tpu.vector_load %arg7[%get3A_256, %get3A_257] {strides = array<i32>} : memref<32x16xi32, #tpu.memory_space<vmem>>, vector<16xi32>,
    %add3A_259 = arith.addi %add3A_248, %get3A_258 : vector<16xi32>
    %gt3A_260 = arith.constant 23 : i32
    %gt3A_261 = arith.cmpi sgt, %add3A, %gt3A_260 : i32
    %jit3A_262 = arith.constant 0 : i32
    %broadcast_in_dim3A_263 = vector.broadcast %jit3A_262 : i32 to vector<16xi32>
    %select_n3A_264 = arith.select %gt3A_261, %get3A_258, %broadcast_in_dim3A_263 : vector<16xi32>
    %add3A_265 = arith.addi %add3A_254, %select_n3A_264 : vector<16xi32>
    %get3A_266 = arith.constant 24 : i32
    %get3A_267 = arith.index_cast %get3A_266 : i32 to index
    %get3A_268 = arith.constant 0 : index
    %get3A_269 = tpu.vector_load %arg7[%get3A_267, %get3A_268] {strides = array<i32>} : memref<32x16xi32, #tpu.memory_space<vmem>>, vector<16xi32>,
    %add3A_270 = arith.addi %add3A_259, %get3A_269 : vector<16xi32>
    %gt3A_271 = arith.constant 24 : i32
    %gt3A_272 = arith.cmpi sgt, %add3A, %gt3A_271 : i32
    %jit3A_273 = arith.constant 0 : i32
    %broadcast_in_dim3A_274 = vector.broadcast %jit3A_273 : i32 to vector<16xi32>
    %select_n3A_275 = arith.select %gt3A_272, %get3A_269, %broadcast_in_dim3A_274 : vector<16xi32>
    %add3A_276 = arith.addi %add3A_265, %select_n3A_275 : vector<16xi32>
    %get3A_277 = arith.constant 25 : i32
    %get3A_278 = arith.index_cast %get3A_277 : i32 to index
    %get3A_279 = arith.constant 0 : index
    %get3A_280 = tpu.vector_load %arg7[%get3A_278, %get3A_279] {strides = array<i32>} : memref<32x16xi32, #tpu.memory_space<vmem>>, vector<16xi32>,
    %add3A_281 = arith.addi %add3A_270, %get3A_280 : vector<16xi32>
    %gt3A_282 = arith.constant 25 : i32
    %gt3A_283 = arith.cmpi sgt, %add3A, %gt3A_282 : i32
    %jit3A_284 = arith.constant 0 : i32
    %broadcast_in_dim3A_285 = vector.broadcast %jit3A_284 : i32 to vector<16xi32>
    %select_n3A_286 = arith.select %gt3A_283, %get3A_280, %broadcast_in_dim3A_285 : vector<16xi32>
    %add3A_287 = arith.addi %add3A_276, %select_n3A_286 : vector<16xi32>
    %get3A_288 = arith.constant 26 : i32
    %get3A_289 = arith.index_cast %get3A_288 : i32 to index
    %get3A_290 = arith.constant 0 : index
    %get3A_291 = tpu.vector_load %arg7[%get3A_289, %get3A_290] {strides = array<i32>} : memref<32x16xi32, #tpu.memory_space<vmem>>, vector<16xi32>,
    %add3A_292 = arith.addi %add3A_281, %get3A_291 : vector<16xi32>
    %gt3A_293 = arith.constant 26 : i32
    %gt3A_294 = arith.cmpi sgt, %add3A, %gt3A_293 : i32
    %jit3A_295 = arith.constant 0 : i32
    %broadcast_in_dim3A_296 = vector.broadcast %jit3A_295 : i32 to vector<16xi32>
    %select_n3A_297 = arith.select %gt3A_294, %get3A_291, %broadcast_in_dim3A_296 : vector<16xi32>
    %add3A_298 = arith.addi %add3A_287, %select_n3A_297 : vector<16xi32>
    %get3A_299 = arith.constant 27 : i32
    %get3A_300 = arith.index_cast %get3A_299 : i32 to index
    %get3A_301 = arith.constant 0 : index
    %get3A_302 = tpu.vector_load %arg7[%get3A_300, %get3A_301] {strides = array<i32>} : memref<32x16xi32, #tpu.memory_space<vmem>>, vector<16xi32>,
    %add3A_303 = arith.addi %add3A_292, %get3A_302 : vector<16xi32>
    %gt3A_304 = arith.constant 27 : i32
    %gt3A_305 = arith.cmpi sgt, %add3A, %gt3A_304 : i32
    %jit3A_306 = arith.constant 0 : i32
    %broadcast_in_dim3A_307 = vector.broadcast %jit3A_306 : i32 to vector<16xi32>
    %select_n3A_308 = arith.select %gt3A_305, %get3A_302, %broadcast_in_dim3A_307 : vector<16xi32>
    %add3A_309 = arith.addi %add3A_298, %select_n3A_308 : vector<16xi32>
    %get3A_310 = arith.constant 28 : i32
    %get3A_311 = arith.index_cast %get3A_310 : i32 to index
    %get3A_312 = arith.constant 0 : index
    %get3A_313 = tpu.vector_load %arg7[%get3A_311, %get3A_312] {strides = array<i32>} : memref<32x16xi32, #tpu.memory_space<vmem>>, vector<16xi32>,
    %add3A_314 = arith.addi %add3A_303, %get3A_313 : vector<16xi32>
    %gt3A_315 = arith.constant 28 : i32
    %gt3A_316 = arith.cmpi sgt, %add3A, %gt3A_315 : i32
    %jit3A_317 = arith.constant 0 : i32
    %broadcast_in_dim3A_318 = vector.broadcast %jit3A_317 : i32 to vector<16xi32>
    %select_n3A_319 = arith.select %gt3A_316, %get3A_313, %broadcast_in_dim3A_318 : vector<16xi32>
    %add3A_320 = arith.addi %add3A_309, %select_n3A_319 : vector<16xi32>
    %get3A_321 = arith.constant 29 : i32
    %get3A_322 = arith.index_cast %get3A_321 : i32 to index
    %get3A_323 = arith.constant 0 : index
    %get3A_324 = tpu.vector_load %arg7[%get3A_322, %get3A_323] {strides = array<i32>} : memref<32x16xi32, #tpu.memory_space<vmem>>, vector<16xi32>,
    %add3A_325 = arith.addi %add3A_314, %get3A_324 : vector<16xi32>
    %gt3A_326 = arith.constant 29 : i32
    %gt3A_327 = arith.cmpi sgt, %add3A, %gt3A_326 : i32
    %jit3A_328 = arith.constant 0 : i32
    %broadcast_in_dim3A_329 = vector.broadcast %jit3A_328 : i32 to vector<16xi32>
    %select_n3A_330 = arith.select %gt3A_327, %get3A_324, %broadcast_in_dim3A_329 : vector<16xi32>
    %add3A_331 = arith.addi %add3A_320, %select_n3A_330 : vector<16xi32>
    %get3A_332 = arith.constant 30 : i32
    %get3A_333 = arith.index_cast %get3A_332 : i32 to index
    %get3A_334 = arith.constant 0 : index
    %get3A_335 = tpu.vector_load %arg7[%get3A_333, %get3A_334] {strides = array<i32>} : memref<32x16xi32, #tpu.memory_space<vmem>>, vector<16xi32>,
    %add3A_336 = arith.addi %add3A_325, %get3A_335 : vector<16xi32>
    %gt3A_337 = arith.constant 30 : i32
    %gt3A_338 = arith.cmpi sgt, %add3A, %gt3A_337 : i32
    %jit3A_339 = arith.constant 0 : i32
    %broadcast_in_dim3A_340 = vector.broadcast %jit3A_339 : i32 to vector<16xi32>
    %select_n3A_341 = arith.select %gt3A_338, %get3A_335, %broadcast_in_dim3A_340 : vector<16xi32>
    %add3A_342 = arith.addi %add3A_331, %select_n3A_341 : vector<16xi32>
    %get3A_343 = arith.constant 31 : i32
    %get3A_344 = arith.index_cast %get3A_343 : i32 to index
    %get3A_345 = arith.constant 0 : index
    %get3A_346 = tpu.vector_load %arg7[%get3A_344, %get3A_345] {strides = array<i32>} : memref<32x16xi32, #tpu.memory_space<vmem>>, vector<16xi32>,
    %add3A_347 = arith.addi %add3A_336, %get3A_346 : vector<16xi32>
    %gt3A_348 = arith.constant 31 : i32
    %gt3A_349 = arith.cmpi sgt, %add3A, %gt3A_348 : i32
    %jit3A_350 = arith.constant 0 : i32
    %broadcast_in_dim3A_351 = vector.broadcast %jit3A_350 : i32 to vector<16xi32>
    %select_n3A_352 = arith.select %gt3A_349, %get3A_346, %broadcast_in_dim3A_351 : vector<16xi32>
    %add3A_353 = arith.addi %add3A_342, %select_n3A_352 : vector<16xi32>
    %add3A_354 = arith.constant 127 : i32
    %add3A_355 = vector.broadcast %add3A_354 : i32 to vector<16xi32>
    %add3A_356 = arith.addi %add3A_347, %add3A_355 : vector<16xi32>
    %and3A = arith.constant -128 : i32
    %and3A_357 = vector.broadcast %and3A : i32 to vector<16xi32>
    %and3A_358 = arith.andi %add3A_356, %and3A_357 : vector<16xi32>
    %broadcast_in_dim3A_359 = arith.constant true
    %broadcast_in_dim3A_360 = vector.broadcast %broadcast_in_dim3A_359 : i1 to vector<16xi1>
    %masked_cumsum3A = tpu.scan <sum>, %and3A_358 masked %broadcast_in_dim3A_360 : vector<16xi32>, vector<16xi1> -> vector<16xi32>
    %sub3A = arith.subi %masked_cumsum3A, %and3A_358 : vector<16xi32>
    %add3A_361 = arith.addi %sub3A, %add3A_353 : vector<16xi32>
    %swap3A = arith.constant 0 : index
    %swap3A_362 = tpu.vector_load %arg8[%swap3A] {strides = array<i32>} : memref<16xi32, #tpu.memory_space<vmem>>, vector<16xi32>,
    tpu.vector_store %arg8[%swap3A], %add3A_361 {strides = array<i32>} : memref<16xi32, #tpu.memory_space<vmem>>, vector<16xi32>,
    %broadcast_in_dim3A_363 = arith.constant 1 : i32
    %broadcast_in_dim3A_364 = vector.broadcast %broadcast_in_dim3A_363 : i32 to vector<16xi32>
    %get3A_365 = arith.constant 0 : index
    %get3A_366 = tpu.vector_load %arg6[%get3A_365] {strides = array<i32>} : memref<256xi32, #tpu.memory_space<vmem>>, vector<16xi32>,
    %broadcast_in_dim3A_367 = arith.constant true
    %broadcast_in_dim3A_368 = vector.broadcast %broadcast_in_dim3A_367 : i1 to vector<16xi1>
    %unique3A, %unique3A_369 = tpu.scan_count mask(%broadcast_in_dim3A_368 : vector<16xi1>) value(%get3A_366 : vector<16xi32>) : vector<16xi1>, vector<16xi32>
    %gather3A = tpu.vector_load_idx %arg8[%get3A_366] : memref<16xi32, #tpu.memory_space<vmem>>[vector<16xi32>], vector<16xi32>,
    %add3A_370 = arith.addi %gather3A, %unique3A_369 : vector<16xi32>
    %sub3A_371 = arith.constant 1 : i32
    %sub3A_372 = vector.broadcast %sub3A_371 : i32 to vector<16xi32>
    %sub3A_373 = arith.subi %add3A_370, %sub3A_372 : vector<16xi32>
    %swap3A_374 = arith.constant 0 : index
    %swap3A_375 = tpu.vector_load %arg9[%swap3A_374] {strides = array<i32>} : memref<256xi32, #tpu.memory_space<vmem>>, vector<16xi32>,
    tpu.vector_store %arg9[%swap3A_374], %sub3A_373 {strides = array<i32>} : memref<256xi32, #tpu.memory_space<vmem>>, vector<16xi32>,
    tpu.vector_store_idx %arg8[%get3A_366], %broadcast_in_dim3A_364 {add = true} : memref<16xi32, #tpu.memory_space<vmem>>[vector<16xi32>], vector<16xi32>,
    %get3A_376 = arith.constant 16 : index
    %get3A_377 = tpu.vector_load %arg6[%get3A_376] {strides = array<i32>} : memref<256xi32, #tpu.memory_space<vmem>>, vector<16xi32>,
    %broadcast_in_dim3A_378 = arith.constant true
    %broadcast_in_dim3A_379 = vector.broadcast %broadcast_in_dim3A_378 : i1 to vector<16xi1>
    %unique3A_380, %unique3A_381 = tpu.scan_count mask(%broadcast_in_dim3A_379 : vector<16xi1>) value(%get3A_377 : vector<16xi32>) : vector<16xi1>, vector<16xi32>
    %gather3A_382 = tpu.vector_load_idx %arg8[%get3A_377] : memref<16xi32, #tpu.memory_space<vmem>>[vector<16xi32>], vector<16xi32>,
    %add3A_383 = arith.addi %gather3A_382, %unique3A_381 : vector<16xi32>
    %sub3A_384 = arith.constant 1 : i32
    %sub3A_385 = vector.broadcast %sub3A_384 : i32 to vector<16xi32>
    %sub3A_386 = arith.subi %add3A_383, %sub3A_385 : vector<16xi32>
    %swap3A_387 = arith.constant 16 : index
    %swap3A_388 = tpu.vector_load %arg9[%swap3A_387] {strides = array<i32>} : memref<256xi32, #tpu.memory_space<vmem>>, vector<16xi32>,
    tpu.vector_store %arg9[%swap3A_387], %sub3A_386 {strides = array<i32>} : memref<256xi32, #tpu.memory_space<vmem>>, vector<16xi32>,
    tpu.vector_store_idx %arg8[%get3A_377], %broadcast_in_dim3A_364 {add = true} : memref<16xi32, #tpu.memory_space<vmem>>[vector<16xi32>], vector<16xi32>,
    %get3A_389 = arith.constant 32 : index
    %get3A_390 = tpu.vector_load %arg6[%get3A_389] {strides = array<i32>} : memref<256xi32, #tpu.memory_space<vmem>>, vector<16xi32>,
    %broadcast_in_dim3A_391 = arith.constant true
    %broadcast_in_dim3A_392 = vector.broadcast %broadcast_in_dim3A_391 : i1 to vector<16xi1>
    %unique3A_393, %unique3A_394 = tpu.scan_count mask(%broadcast_in_dim3A_392 : vector<16xi1>) value(%get3A_390 : vector<16xi32>) : vector<16xi1>, vector<16xi32>
    %gather3A_395 = tpu.vector_load_idx %arg8[%get3A_390] : memref<16xi32, #tpu.memory_space<vmem>>[vector<16xi32>], vector<16xi32>,
    %add3A_396 = arith.addi %gather3A_395, %unique3A_394 : vector<16xi32>
    %sub3A_397 = arith.constant 1 : i32
    %sub3A_398 = vector.broadcast %sub3A_397 : i32 to vector<16xi32>
    %sub3A_399 = arith.subi %add3A_396, %sub3A_398 : vector<16xi32>
    %swap3A_400 = arith.constant 32 : index
    %swap3A_401 = tpu.vector_load %arg9[%swap3A_400] {strides = array<i32>} : memref<256xi32, #tpu.memory_space<vmem>>, vector<16xi32>,
    tpu.vector_store %arg9[%swap3A_400], %sub3A_399 {strides = array<i32>} : memref<256xi32, #tpu.memory_space<vmem>>, vector<16xi32>,
    tpu.vector_store_idx %arg8[%get3A_390], %broadcast_in_dim3A_364 {add = true} : memref<16xi32, #tpu.memory_space<vmem>>[vector<16xi32>], vector<16xi32>,
    %get3A_402 = arith.constant 48 : index
    %get3A_403 = tpu.vector_load %arg6[%get3A_402] {strides = array<i32>} : memref<256xi32, #tpu.memory_space<vmem>>, vector<16xi32>,
    %broadcast_in_dim3A_404 = arith.constant true
    %broadcast_in_dim3A_405 = vector.broadcast %broadcast_in_dim3A_404 : i1 to vector<16xi1>
    %unique3A_406, %unique3A_407 = tpu.scan_count mask(%broadcast_in_dim3A_405 : vector<16xi1>) value(%get3A_403 : vector<16xi32>) : vector<16xi1>, vector<16xi32>
    %gather3A_408 = tpu.vector_load_idx %arg8[%get3A_403] : memref<16xi32, #tpu.memory_space<vmem>>[vector<16xi32>], vector<16xi32>,
    %add3A_409 = arith.addi %gather3A_408, %unique3A_407 : vector<16xi32>
    %sub3A_410 = arith.constant 1 : i32
    %sub3A_411 = vector.broadcast %sub3A_410 : i32 to vector<16xi32>
    %sub3A_412 = arith.subi %add3A_409, %sub3A_411 : vector<16xi32>
    %swap3A_413 = arith.constant 48 : index
    %swap3A_414 = tpu.vector_load %arg9[%swap3A_413] {strides = array<i32>} : memref<256xi32, #tpu.memory_space<vmem>>, vector<16xi32>,
    tpu.vector_store %arg9[%swap3A_413], %sub3A_412 {strides = array<i32>} : memref<256xi32, #tpu.memory_space<vmem>>, vector<16xi32>,
    tpu.vector_store_idx %arg8[%get3A_403], %broadcast_in_dim3A_364 {add = true} : memref<16xi32, #tpu.memory_space<vmem>>[vector<16xi32>], vector<16xi32>,
    %get3A_415 = arith.constant 64 : index
    %get3A_416 = tpu.vector_load %arg6[%get3A_415] {strides = array<i32>} : memref<256xi32, #tpu.memory_space<vmem>>, vector<16xi32>,
    %broadcast_in_dim3A_417 = arith.constant true
    %broadcast_in_dim3A_418 = vector.broadcast %broadcast_in_dim3A_417 : i1 to vector<16xi1>
    %unique3A_419, %unique3A_420 = tpu.scan_count mask(%broadcast_in_dim3A_418 : vector<16xi1>) value(%get3A_416 : vector<16xi32>) : vector<16xi1>, vector<16xi32>
    %gather3A_421 = tpu.vector_load_idx %arg8[%get3A_416] : memref<16xi32, #tpu.memory_space<vmem>>[vector<16xi32>], vector<16xi32>,
    %add3A_422 = arith.addi %gather3A_421, %unique3A_420 : vector<16xi32>
    %sub3A_423 = arith.constant 1 : i32
    %sub3A_424 = vector.broadcast %sub3A_423 : i32 to vector<16xi32>
    %sub3A_425 = arith.subi %add3A_422, %sub3A_424 : vector<16xi32>
    %swap3A_426 = arith.constant 64 : index
    %swap3A_427 = tpu.vector_load %arg9[%swap3A_426] {strides = array<i32>} : memref<256xi32, #tpu.memory_space<vmem>>, vector<16xi32>,
    tpu.vector_store %arg9[%swap3A_426], %sub3A_425 {strides = array<i32>} : memref<256xi32, #tpu.memory_space<vmem>>, vector<16xi32>,
    tpu.vector_store_idx %arg8[%get3A_416], %broadcast_in_dim3A_364 {add = true} : memref<16xi32, #tpu.memory_space<vmem>>[vector<16xi32>], vector<16xi32>,
    %get3A_428 = arith.constant 80 : index
    %get3A_429 = tpu.vector_load %arg6[%get3A_428] {strides = array<i32>} : memref<256xi32, #tpu.memory_space<vmem>>, vector<16xi32>,
    %broadcast_in_dim3A_430 = arith.constant true
    %broadcast_in_dim3A_431 = vector.broadcast %broadcast_in_dim3A_430 : i1 to vector<16xi1>
    %unique3A_432, %unique3A_433 = tpu.scan_count mask(%broadcast_in_dim3A_431 : vector<16xi1>) value(%get3A_429 : vector<16xi32>) : vector<16xi1>, vector<16xi32>
    %gather3A_434 = tpu.vector_load_idx %arg8[%get3A_429] : memref<16xi32, #tpu.memory_space<vmem>>[vector<16xi32>], vector<16xi32>,
    %add3A_435 = arith.addi %gather3A_434, %unique3A_433 : vector<16xi32>
    %sub3A_436 = arith.constant 1 : i32
    %sub3A_437 = vector.broadcast %sub3A_436 : i32 to vector<16xi32>
    %sub3A_438 = arith.subi %add3A_435, %sub3A_437 : vector<16xi32>
    %swap3A_439 = arith.constant 80 : index
    %swap3A_440 = tpu.vector_load %arg9[%swap3A_439] {strides = array<i32>} : memref<256xi32, #tpu.memory_space<vmem>>, vector<16xi32>,
    tpu.vector_store %arg9[%swap3A_439], %sub3A_438 {strides = array<i32>} : memref<256xi32, #tpu.memory_space<vmem>>, vector<16xi32>,
    tpu.vector_store_idx %arg8[%get3A_429], %broadcast_in_dim3A_364 {add = true} : memref<16xi32, #tpu.memory_space<vmem>>[vector<16xi32>], vector<16xi32>,
    %get3A_441 = arith.constant 96 : index
    %get3A_442 = tpu.vector_load %arg6[%get3A_441] {strides = array<i32>} : memref<256xi32, #tpu.memory_space<vmem>>, vector<16xi32>,
    %broadcast_in_dim3A_443 = arith.constant true
    %broadcast_in_dim3A_444 = vector.broadcast %broadcast_in_dim3A_443 : i1 to vector<16xi1>
    %unique3A_445, %unique3A_446 = tpu.scan_count mask(%broadcast_in_dim3A_444 : vector<16xi1>) value(%get3A_442 : vector<16xi32>) : vector<16xi1>, vector<16xi32>
    %gather3A_447 = tpu.vector_load_idx %arg8[%get3A_442] : memref<16xi32, #tpu.memory_space<vmem>>[vector<16xi32>], vector<16xi32>,
    %add3A_448 = arith.addi %gather3A_447, %unique3A_446 : vector<16xi32>
    %sub3A_449 = arith.constant 1 : i32
    %sub3A_450 = vector.broadcast %sub3A_449 : i32 to vector<16xi32>
    %sub3A_451 = arith.subi %add3A_448, %sub3A_450 : vector<16xi32>
    %swap3A_452 = arith.constant 96 : index
    %swap3A_453 = tpu.vector_load %arg9[%swap3A_452] {strides = array<i32>} : memref<256xi32, #tpu.memory_space<vmem>>, vector<16xi32>,
    tpu.vector_store %arg9[%swap3A_452], %sub3A_451 {strides = array<i32>} : memref<256xi32, #tpu.memory_space<vmem>>, vector<16xi32>,
    tpu.vector_store_idx %arg8[%get3A_442], %broadcast_in_dim3A_364 {add = true} : memref<16xi32, #tpu.memory_space<vmem>>[vector<16xi32>], vector<16xi32>,
    %get3A_454 = arith.constant 112 : index
    %get3A_455 = tpu.vector_load %arg6[%get3A_454] {strides = array<i32>} : memref<256xi32, #tpu.memory_space<vmem>>, vector<16xi32>,
    %broadcast_in_dim3A_456 = arith.constant true
    %broadcast_in_dim3A_457 = vector.broadcast %broadcast_in_dim3A_456 : i1 to vector<16xi1>
    %unique3A_458, %unique3A_459 = tpu.scan_count mask(%broadcast_in_dim3A_457 : vector<16xi1>) value(%get3A_455 : vector<16xi32>) : vector<16xi1>, vector<16xi32>
    %gather3A_460 = tpu.vector_load_idx %arg8[%get3A_455] : memref<16xi32, #tpu.memory_space<vmem>>[vector<16xi32>], vector<16xi32>,
    %add3A_461 = arith.addi %gather3A_460, %unique3A_459 : vector<16xi32>
    %sub3A_462 = arith.constant 1 : i32
    %sub3A_463 = vector.broadcast %sub3A_462 : i32 to vector<16xi32>
    %sub3A_464 = arith.subi %add3A_461, %sub3A_463 : vector<16xi32>
    %swap3A_465 = arith.constant 112 : index
    %swap3A_466 = tpu.vector_load %arg9[%swap3A_465] {strides = array<i32>} : memref<256xi32, #tpu.memory_space<vmem>>, vector<16xi32>,
    tpu.vector_store %arg9[%swap3A_465], %sub3A_464 {strides = array<i32>} : memref<256xi32, #tpu.memory_space<vmem>>, vector<16xi32>,
    tpu.vector_store_idx %arg8[%get3A_455], %broadcast_in_dim3A_364 {add = true} : memref<16xi32, #tpu.memory_space<vmem>>[vector<16xi32>], vector<16xi32>,
    %get3A_467 = arith.constant 128 : index
    %get3A_468 = tpu.vector_load %arg6[%get3A_467] {strides = array<i32>} : memref<256xi32, #tpu.memory_space<vmem>>, vector<16xi32>,
    %broadcast_in_dim3A_469 = arith.constant true
    %broadcast_in_dim3A_470 = vector.broadcast %broadcast_in_dim3A_469 : i1 to vector<16xi1>
    %unique3A_471, %unique3A_472 = tpu.scan_count mask(%broadcast_in_dim3A_470 : vector<16xi1>) value(%get3A_468 : vector<16xi32>) : vector<16xi1>, vector<16xi32>
    %gather3A_473 = tpu.vector_load_idx %arg8[%get3A_468] : memref<16xi32, #tpu.memory_space<vmem>>[vector<16xi32>], vector<16xi32>,
    %add3A_474 = arith.addi %gather3A_473, %unique3A_472 : vector<16xi32>
    %sub3A_475 = arith.constant 1 : i32
    %sub3A_476 = vector.broadcast %sub3A_475 : i32 to vector<16xi32>
    %sub3A_477 = arith.subi %add3A_474, %sub3A_476 : vector<16xi32>
    %swap3A_478 = arith.constant 128 : index
    %swap3A_479 = tpu.vector_load %arg9[%swap3A_478] {strides = array<i32>} : memref<256xi32, #tpu.memory_space<vmem>>, vector<16xi32>,
    tpu.vector_store %arg9[%swap3A_478], %sub3A_477 {strides = array<i32>} : memref<256xi32, #tpu.memory_space<vmem>>, vector<16xi32>,
    tpu.vector_store_idx %arg8[%get3A_468], %broadcast_in_dim3A_364 {add = true} : memref<16xi32, #tpu.memory_space<vmem>>[vector<16xi32>], vector<16xi32>,
    %get3A_480 = arith.constant 144 : index
    %get3A_481 = tpu.vector_load %arg6[%get3A_480] {strides = array<i32>} : memref<256xi32, #tpu.memory_space<vmem>>, vector<16xi32>,
    %broadcast_in_dim3A_482 = arith.constant true
    %broadcast_in_dim3A_483 = vector.broadcast %broadcast_in_dim3A_482 : i1 to vector<16xi1>
    %unique3A_484, %unique3A_485 = tpu.scan_count mask(%broadcast_in_dim3A_483 : vector<16xi1>) value(%get3A_481 : vector<16xi32>) : vector<16xi1>, vector<16xi32>
    %gather3A_486 = tpu.vector_load_idx %arg8[%get3A_481] : memref<16xi32, #tpu.memory_space<vmem>>[vector<16xi32>], vector<16xi32>,
    %add3A_487 = arith.addi %gather3A_486, %unique3A_485 : vector<16xi32>
    %sub3A_488 = arith.constant 1 : i32
    %sub3A_489 = vector.broadcast %sub3A_488 : i32 to vector<16xi32>
    %sub3A_490 = arith.subi %add3A_487, %sub3A_489 : vector<16xi32>
    %swap3A_491 = arith.constant 144 : index
    %swap3A_492 = tpu.vector_load %arg9[%swap3A_491] {strides = array<i32>} : memref<256xi32, #tpu.memory_space<vmem>>, vector<16xi32>,
    tpu.vector_store %arg9[%swap3A_491], %sub3A_490 {strides = array<i32>} : memref<256xi32, #tpu.memory_space<vmem>>, vector<16xi32>,
    tpu.vector_store_idx %arg8[%get3A_481], %broadcast_in_dim3A_364 {add = true} : memref<16xi32, #tpu.memory_space<vmem>>[vector<16xi32>], vector<16xi32>,
    %get3A_493 = arith.constant 160 : index
    %get3A_494 = tpu.vector_load %arg6[%get3A_493] {strides = array<i32>} : memref<256xi32, #tpu.memory_space<vmem>>, vector<16xi32>,
    %broadcast_in_dim3A_495 = arith.constant true
    %broadcast_in_dim3A_496 = vector.broadcast %broadcast_in_dim3A_495 : i1 to vector<16xi1>
    %unique3A_497, %unique3A_498 = tpu.scan_count mask(%broadcast_in_dim3A_496 : vector<16xi1>) value(%get3A_494 : vector<16xi32>) : vector<16xi1>, vector<16xi32>
    %gather3A_499 = tpu.vector_load_idx %arg8[%get3A_494] : memref<16xi32, #tpu.memory_space<vmem>>[vector<16xi32>], vector<16xi32>,
    %add3A_500 = arith.addi %gather3A_499, %unique3A_498 : vector<16xi32>
    %sub3A_501 = arith.constant 1 : i32
    %sub3A_502 = vector.broadcast %sub3A_501 : i32 to vector<16xi32>
    %sub3A_503 = arith.subi %add3A_500, %sub3A_502 : vector<16xi32>
    %swap3A_504 = arith.constant 160 : index
    %swap3A_505 = tpu.vector_load %arg9[%swap3A_504] {strides = array<i32>} : memref<256xi32, #tpu.memory_space<vmem>>, vector<16xi32>,
    tpu.vector_store %arg9[%swap3A_504], %sub3A_503 {strides = array<i32>} : memref<256xi32, #tpu.memory_space<vmem>>, vector<16xi32>,
    tpu.vector_store_idx %arg8[%get3A_494], %broadcast_in_dim3A_364 {add = true} : memref<16xi32, #tpu.memory_space<vmem>>[vector<16xi32>], vector<16xi32>,
    %get3A_506 = arith.constant 176 : index
    %get3A_507 = tpu.vector_load %arg6[%get3A_506] {strides = array<i32>} : memref<256xi32, #tpu.memory_space<vmem>>, vector<16xi32>,
    %broadcast_in_dim3A_508 = arith.constant true
    %broadcast_in_dim3A_509 = vector.broadcast %broadcast_in_dim3A_508 : i1 to vector<16xi1>
    %unique3A_510, %unique3A_511 = tpu.scan_count mask(%broadcast_in_dim3A_509 : vector<16xi1>) value(%get3A_507 : vector<16xi32>) : vector<16xi1>, vector<16xi32>
    %gather3A_512 = tpu.vector_load_idx %arg8[%get3A_507] : memref<16xi32, #tpu.memory_space<vmem>>[vector<16xi32>], vector<16xi32>,
    %add3A_513 = arith.addi %gather3A_512, %unique3A_511 : vector<16xi32>
    %sub3A_514 = arith.constant 1 : i32
    %sub3A_515 = vector.broadcast %sub3A_514 : i32 to vector<16xi32>
    %sub3A_516 = arith.subi %add3A_513, %sub3A_515 : vector<16xi32>
    %swap3A_517 = arith.constant 176 : index
    %swap3A_518 = tpu.vector_load %arg9[%swap3A_517] {strides = array<i32>} : memref<256xi32, #tpu.memory_space<vmem>>, vector<16xi32>,
    tpu.vector_store %arg9[%swap3A_517], %sub3A_516 {strides = array<i32>} : memref<256xi32, #tpu.memory_space<vmem>>, vector<16xi32>,
    tpu.vector_store_idx %arg8[%get3A_507], %broadcast_in_dim3A_364 {add = true} : memref<16xi32, #tpu.memory_space<vmem>>[vector<16xi32>], vector<16xi32>,
    %get3A_519 = arith.constant 192 : index
    %get3A_520 = tpu.vector_load %arg6[%get3A_519] {strides = array<i32>} : memref<256xi32, #tpu.memory_space<vmem>>, vector<16xi32>,
    %broadcast_in_dim3A_521 = arith.constant true
    %broadcast_in_dim3A_522 = vector.broadcast %broadcast_in_dim3A_521 : i1 to vector<16xi1>
    %unique3A_523, %unique3A_524 = tpu.scan_count mask(%broadcast_in_dim3A_522 : vector<16xi1>) value(%get3A_520 : vector<16xi32>) : vector<16xi1>, vector<16xi32>
    %gather3A_525 = tpu.vector_load_idx %arg8[%get3A_520] : memref<16xi32, #tpu.memory_space<vmem>>[vector<16xi32>], vector<16xi32>,
    %add3A_526 = arith.addi %gather3A_525, %unique3A_524 : vector<16xi32>
    %sub3A_527 = arith.constant 1 : i32
    %sub3A_528 = vector.broadcast %sub3A_527 : i32 to vector<16xi32>
    %sub3A_529 = arith.subi %add3A_526, %sub3A_528 : vector<16xi32>
    %swap3A_530 = arith.constant 192 : index
    %swap3A_531 = tpu.vector_load %arg9[%swap3A_530] {strides = array<i32>} : memref<256xi32, #tpu.memory_space<vmem>>, vector<16xi32>,
    tpu.vector_store %arg9[%swap3A_530], %sub3A_529 {strides = array<i32>} : memref<256xi32, #tpu.memory_space<vmem>>, vector<16xi32>,
    tpu.vector_store_idx %arg8[%get3A_520], %broadcast_in_dim3A_364 {add = true} : memref<16xi32, #tpu.memory_space<vmem>>[vector<16xi32>], vector<16xi32>,
    %get3A_532 = arith.constant 208 : index
    %get3A_533 = tpu.vector_load %arg6[%get3A_532] {strides = array<i32>} : memref<256xi32, #tpu.memory_space<vmem>>, vector<16xi32>,
    %broadcast_in_dim3A_534 = arith.constant true
    %broadcast_in_dim3A_535 = vector.broadcast %broadcast_in_dim3A_534 : i1 to vector<16xi1>
    %unique3A_536, %unique3A_537 = tpu.scan_count mask(%broadcast_in_dim3A_535 : vector<16xi1>) value(%get3A_533 : vector<16xi32>) : vector<16xi1>, vector<16xi32>
    %gather3A_538 = tpu.vector_load_idx %arg8[%get3A_533] : memref<16xi32, #tpu.memory_space<vmem>>[vector<16xi32>], vector<16xi32>,
    %add3A_539 = arith.addi %gather3A_538, %unique3A_537 : vector<16xi32>
    %sub3A_540 = arith.constant 1 : i32
    %sub3A_541 = vector.broadcast %sub3A_540 : i32 to vector<16xi32>
    %sub3A_542 = arith.subi %add3A_539, %sub3A_541 : vector<16xi32>
    %swap3A_543 = arith.constant 208 : index
    %swap3A_544 = tpu.vector_load %arg9[%swap3A_543] {strides = array<i32>} : memref<256xi32, #tpu.memory_space<vmem>>, vector<16xi32>,
    tpu.vector_store %arg9[%swap3A_543], %sub3A_542 {strides = array<i32>} : memref<256xi32, #tpu.memory_space<vmem>>, vector<16xi32>,
    tpu.vector_store_idx %arg8[%get3A_533], %broadcast_in_dim3A_364 {add = true} : memref<16xi32, #tpu.memory_space<vmem>>[vector<16xi32>], vector<16xi32>,
    %get3A_545 = arith.constant 224 : index
    %get3A_546 = tpu.vector_load %arg6[%get3A_545] {strides = array<i32>} : memref<256xi32, #tpu.memory_space<vmem>>, vector<16xi32>,
    %broadcast_in_dim3A_547 = arith.constant true
    %broadcast_in_dim3A_548 = vector.broadcast %broadcast_in_dim3A_547 : i1 to vector<16xi1>
    %unique3A_549, %unique3A_550 = tpu.scan_count mask(%broadcast_in_dim3A_548 : vector<16xi1>) value(%get3A_546 : vector<16xi32>) : vector<16xi1>, vector<16xi32>
    %gather3A_551 = tpu.vector_load_idx %arg8[%get3A_546] : memref<16xi32, #tpu.memory_space<vmem>>[vector<16xi32>], vector<16xi32>,
    %add3A_552 = arith.addi %gather3A_551, %unique3A_550 : vector<16xi32>
    %sub3A_553 = arith.constant 1 : i32
    %sub3A_554 = vector.broadcast %sub3A_553 : i32 to vector<16xi32>
    %sub3A_555 = arith.subi %add3A_552, %sub3A_554 : vector<16xi32>
    %swap3A_556 = arith.constant 224 : index
    %swap3A_557 = tpu.vector_load %arg9[%swap3A_556] {strides = array<i32>} : memref<256xi32, #tpu.memory_space<vmem>>, vector<16xi32>,
    tpu.vector_store %arg9[%swap3A_556], %sub3A_555 {strides = array<i32>} : memref<256xi32, #tpu.memory_space<vmem>>, vector<16xi32>,
    tpu.vector_store_idx %arg8[%get3A_546], %broadcast_in_dim3A_364 {add = true} : memref<16xi32, #tpu.memory_space<vmem>>[vector<16xi32>], vector<16xi32>,
    %get3A_558 = arith.constant 240 : index
    %get3A_559 = tpu.vector_load %arg6[%get3A_558] {strides = array<i32>} : memref<256xi32, #tpu.memory_space<vmem>>, vector<16xi32>,
    %broadcast_in_dim3A_560 = arith.constant true
    %broadcast_in_dim3A_561 = vector.broadcast %broadcast_in_dim3A_560 : i1 to vector<16xi1>
    %unique3A_562, %unique3A_563 = tpu.scan_count mask(%broadcast_in_dim3A_561 : vector<16xi1>) value(%get3A_559 : vector<16xi32>) : vector<16xi1>, vector<16xi32>
    %gather3A_564 = tpu.vector_load_idx %arg8[%get3A_559] : memref<16xi32, #tpu.memory_space<vmem>>[vector<16xi32>], vector<16xi32>,
    %add3A_565 = arith.addi %gather3A_564, %unique3A_563 : vector<16xi32>
    %sub3A_566 = arith.constant 1 : i32
    %sub3A_567 = vector.broadcast %sub3A_566 : i32 to vector<16xi32>
    %sub3A_568 = arith.subi %add3A_565, %sub3A_567 : vector<16xi32>
    %swap3A_569 = arith.constant 240 : index
    %swap3A_570 = tpu.vector_load %arg9[%swap3A_569] {strides = array<i32>} : memref<256xi32, #tpu.memory_space<vmem>>, vector<16xi32>,
    tpu.vector_store %arg9[%swap3A_569], %sub3A_568 {strides = array<i32>} : memref<256xi32, #tpu.memory_space<vmem>>, vector<16xi32>,
    tpu.vector_store_idx %arg8[%get3A_559], %broadcast_in_dim3A_364 {add = true} : memref<16xi32, #tpu.memory_space<vmem>>[vector<16xi32>], vector<16xi32>,
    %mul3A_571 = arith.constant 256 : i32
    %mul3A_572 = arith.muli %add3A, %mul3A_571 : i32
    "tpu.region"() ({
      %run_scoped3A = tpu.sem_alloc : memref<!tpu.dma_semaphore, #tpu.memory_space<semaphore_mem>>
      %dma_start3A = tpu.memref_slice %arg4[%mul3A_572] : memref<8192xi32, #tpu.memory_space<hbm>> -> memref<256xi32, #tpu.memory_space<hbm>>
      %dma_start3A_575 = tpu.memref_slice %arg4[%mul3A_572] : memref<8192xi32, #tpu.memory_space<hbm>> -> memref<256xi32, #tpu.memory_space<hbm>>
      tpu.enqueue_dma source(%arg9 : memref<256xi32, #tpu.memory_space<vmem>>) target(%dma_start3A_575 : memref<256xi32, #tpu.memory_space<hbm>>) target_semaphore(%run_scoped3A : memref<!tpu.dma_semaphore, #tpu.memory_space<semaphore_mem>>)
      %dma_wait3A = tpu.memref_slice %arg4[%mul3A_572] : memref<8192xi32, #tpu.memory_space<hbm>> -> memref<256xi32, #tpu.memory_space<hbm>>
      %dma_wait3A_576 = tpu.memref_slice %arg4[%mul3A_572] : memref<8192xi32, #tpu.memory_space<hbm>> -> memref<256xi32, #tpu.memory_space<hbm>>
      tpu.wait_dma2 semaphore(%run_scoped3A : memref<!tpu.dma_semaphore, #tpu.memory_space<semaphore_mem>>) src(%arg9 : memref<256xi32, #tpu.memory_space<vmem>>) dst(%dma_wait3A_576 : memref<256xi32, #tpu.memory_space<hbm>>)
      tpu.yield
    }) : () -> ()
    %lt3A = arith.constant 16 : i32
    %lt3A_573 = arith.cmpi slt, %add3A, %lt3A : i32
    %convert_element_type3A = arith.extui %lt3A_573 : i1 to i32
    %cond3A = arith.constant 0 : i32
    %cond3A_574 = arith.cmpi ne, %convert_element_type3A, %cond3A : i32
    scf.if %cond3A_574 {
      %eq3A = vector.broadcast %add3A : i32 to vector<16xi32>
      %eq3A_575 = arith.cmpi eq, %iota3A, %eq3A : vector<16xi32>
      %jit3A_576 = arith.constant 0 : i32
      %broadcast_in_dim3A_577 = vector.broadcast %jit3A_576 : i32 to vector<16xi32>
      %select_n3A_578 = arith.select %eq3A_575, %sub3A, %broadcast_in_dim3A_577 : vector<16xi1>, vector<16xi32>
      %reduce_sum3A = arith.constant true
      %reduce_sum3A_579 = vector.broadcast %reduce_sum3A : i1 to vector<16xi1>
      %reduce_sum3A_580 = tpu.scan <sum>, %select_n3A_578 masked %reduce_sum3A_579 : vector<16xi32>, vector<16xi1> -> vector<16xi32>
      %reduce_sum3A_581 = vector.extract %reduce_sum3A_580[15] : i32 from vector<16xi32>
      %eq3A_582 = vector.broadcast %add3A : i32 to vector<16xi32>
      %eq3A_583 = arith.cmpi eq, %iota3A, %eq3A_582 : vector<16xi32>
      %jit3A_584 = arith.constant 0 : i32
      %broadcast_in_dim3A_585 = vector.broadcast %jit3A_584 : i32 to vector<16xi32>
      %select_n3A_586 = arith.select %eq3A_583, %and3A_358, %broadcast_in_dim3A_585 : vector<16xi1>, vector<16xi32>
      %reduce_sum3A_587 = arith.constant true
      %reduce_sum3A_588 = vector.broadcast %reduce_sum3A_587 : i1 to vector<16xi1>
      %reduce_sum3A_589 = tpu.scan <sum>, %select_n3A_586 masked %reduce_sum3A_588 : vector<16xi32>, vector<16xi1> -> vector<16xi32>
      %reduce_sum3A_590 = vector.extract %reduce_sum3A_589[15] : i32 from vector<16xi32>
      %shift_right_arithmetic3A = arith.constant 7 : i32
      %shift_right_arithmetic3A_591 = arith.shrsi %reduce_sum3A_590, %shift_right_arithmetic3A : i32
      %broadcast_in_dim3A_592 = vector.broadcast %add3A : i32 to vector<16xi32>
      %swap3A_593 = arith.constant 0 : index
      %swap3A_594 = tpu.vector_load %arg10[%swap3A_593] {strides = array<i32>} : memref<16xi32, #tpu.memory_space<vmem>>, vector<16xi32>,
      tpu.vector_store %arg10[%swap3A_593], %broadcast_in_dim3A_592 {strides = array<i32>} : memref<16xi32, #tpu.memory_space<vmem>>, vector<16xi32>,
      %add3A_595 = arith.constant 0 : i32
      %add3A_596 = vector.broadcast %add3A_595 : i32 to vector<16xi32>
      %add3A_597 = arith.addi %add3A_596, %iota3A : vector<16xi32>
      %lt3A_598 = vector.broadcast %shift_right_arithmetic3A_591 : i32 to vector<16xi32>
      %lt3A_599 = arith.cmpi slt, %add3A_597, %lt3A_598 : vector<16xi32>
      %shift_right_arithmetic3A_600 = arith.constant 7 : i32
      %shift_right_arithmetic3A_601 = arith.shrsi %reduce_sum3A_581, %shift_right_arithmetic3A_600 : i32
      %add3A_602 = arith.constant 0 : i32
      %add3A_603 = arith.addi %shift_right_arithmetic3A_601, %add3A_602 : i32
      %add3A_604 = vector.broadcast %add3A_603 : i32 to vector<16xi32>
      %add3A_605 = arith.addi %add3A_604, %iota3A : vector<16xi32>
      %add3A_606 = arith.constant 128 : i32
      %add3A_607 = vector.broadcast %add3A_606 : i32 to vector<16xi32>
      %add3A_608 = arith.addi %add3A_607, %iota3A : vector<16xi32>
      %select_n3A_609 = arith.select %lt3A_599, %add3A_605, %add3A_608 : vector<16xi1>, vector<16xi32>
      %dma_start3A = arith.constant 0 : i32
      %dma_start3A_610 = tpu.memref_slice %arg5[%dma_start3A] : memref<144xi32, #tpu.memory_space<hbm>> -> memref<144xi32, #tpu.memory_space<hbm>>
      tpu.enqueue_indirect_dma source(%arg10 : memref<16xi32, #tpu.memory_space<vmem>>) target(%dma_start3A_610 : memref<144xi32, #tpu.memory_space<hbm>>) offsets(%select_n3A_609 : vector<16xi32>) semaphore(%arg11 : memref<!tpu.dma_semaphore, #tpu.memory_space<semaphore_mem>>)
      %dma_wait3A = arith.constant 0 : i32
      %dma_wait3A_611 = tpu.memref_slice %arg5[%dma_wait3A] : memref<144xi32, #tpu.memory_space<hbm>> -> memref<144xi32, #tpu.memory_space<hbm>>
      tpu.wait_indirect_dma semaphore(%arg11 : memref<!tpu.dma_semaphore, #tpu.memory_space<semaphore_mem>>) src(%arg10 : memref<16xi32, #tpu.memory_space<vmem>>) dst(%dma_wait3A_611 : memref<144xi32, #tpu.memory_space<hbm>>)
      %add3A_612 = arith.constant 16 : i32
      %add3A_613 = vector.broadcast %add3A_612 : i32 to vector<16xi32>
      %add3A_614 = arith.addi %add3A_613, %iota3A : vector<16xi32>
      %lt3A_615 = vector.broadcast %shift_right_arithmetic3A_591 : i32 to vector<16xi32>
      %lt3A_616 = arith.cmpi slt, %add3A_614, %lt3A_615 : vector<16xi32>
      %shift_right_arithmetic3A_617 = arith.constant 7 : i32
      %shift_right_arithmetic3A_618 = arith.shrsi %reduce_sum3A_581, %shift_right_arithmetic3A_617 : i32
      %add3A_619 = arith.constant 16 : i32
      %add3A_620 = arith.addi %shift_right_arithmetic3A_618, %add3A_619 : i32
      %add3A_621 = vector.broadcast %add3A_620 : i32 to vector<16xi32>
      %add3A_622 = arith.addi %add3A_621, %iota3A : vector<16xi32>
      %add3A_623 = arith.constant 128 : i32
      %add3A_624 = vector.broadcast %add3A_623 : i32 to vector<16xi32>
      %add3A_625 = arith.addi %add3A_624, %iota3A : vector<16xi32>
      %select_n3A_626 = arith.select %lt3A_616, %add3A_622, %add3A_625 : vector<16xi1>, vector<16xi32>
      %dma_start3A_627 = arith.constant 0 : i32
      %dma_start3A_628 = tpu.memref_slice %arg5[%dma_start3A_627] : memref<144xi32, #tpu.memory_space<hbm>> -> memref<144xi32, #tpu.memory_space<hbm>>
      tpu.enqueue_indirect_dma source(%arg10 : memref<16xi32, #tpu.memory_space<vmem>>) target(%dma_start3A_628 : memref<144xi32, #tpu.memory_space<hbm>>) offsets(%select_n3A_626 : vector<16xi32>) semaphore(%arg11 : memref<!tpu.dma_semaphore, #tpu.memory_space<semaphore_mem>>)
      %dma_wait3A_629 = arith.constant 0 : i32
      %dma_wait3A_630 = tpu.memref_slice %arg5[%dma_wait3A_629] : memref<144xi32, #tpu.memory_space<hbm>> -> memref<144xi32, #tpu.memory_space<hbm>>
      tpu.wait_indirect_dma semaphore(%arg11 : memref<!tpu.dma_semaphore, #tpu.memory_space<semaphore_mem>>) src(%arg10 : memref<16xi32, #tpu.memory_space<vmem>>) dst(%dma_wait3A_630 : memref<144xi32, #tpu.memory_space<hbm>>)
    } else {
    }
    return
  }
}

#map = affine_map<(d0, d1) -> (0)>
module attributes {stable_mosaic.version = 14 : i64} {
  func.func @_k4(%arg0: i32, %arg1: i32, %arg2: memref<10240xf32, #tpu.memory_space<hbm>>, %arg3: memref<8192xi32, #tpu.memory_space<hbm>>, %arg4: memref<8192xf32, #tpu.memory_space<hbm>>, %arg5: memref<4096xf32, #tpu.memory_space<hbm>>, %arg6: memref<10240xf32, #tpu.memory_space<vmem>>, %arg7: memref<256xi32, #tpu.memory_space<vmem>>, %arg8: memref<256xf32, #tpu.memory_space<vmem>>, %arg9: memref<256xf32, #tpu.memory_space<vmem>>, %arg10: memref<128xf32, #tpu.memory_space<vmem>>, %arg11: memref<!tpu.dma_semaphore, #tpu.memory_space<semaphore_mem>>) attributes {dimension_semantics = [#tpu.dimension_semantics<core_parallel>, #tpu.dimension_semantics<subcore_parallel>], iteration_bounds = array<i64: 2, 16>, scalar_prefetch = 0 : i64, scratch_operands = 6 : i64, tpu.core_type = #tpu.core_type<sc_vector_subcore>, window_params = [{transform_indices = #map}, {transform_indices = #map}, {transform_indices = #map}, {transform_indices = #map}]} {
    %mul3A = arith.constant 16 : i32
    %mul3A_0 = arith.muli %arg0, %mul3A : i32
    %add3A = arith.addi %mul3A_0, %arg1 : i32
    %iota3A = tpu.iota {dimensions = array<i32: 0>} : vector<16xi32>
    "tpu.region"() ({
      %run_scoped3A = tpu.sem_alloc : memref<!tpu.dma_semaphore, #tpu.memory_space<semaphore_mem>>
      tpu.enqueue_dma source(%arg2 : memref<10240xf32, #tpu.memory_space<hbm>>) target(%arg6 : memref<10240xf32, #tpu.memory_space<vmem>>) target_semaphore(%run_scoped3A : memref<!tpu.dma_semaphore, #tpu.memory_space<semaphore_mem>>)
      tpu.wait_dma2 semaphore(%run_scoped3A : memref<!tpu.dma_semaphore, #tpu.memory_space<semaphore_mem>>) src(%arg2 : memref<10240xf32, #tpu.memory_space<hbm>>) dst(%arg6 : memref<10240xf32, #tpu.memory_space<vmem>>)
      tpu.yield
    }) : () -> ()
    %mul3A_1 = arith.constant 256 : i32
    %mul3A_2 = arith.muli %add3A, %mul3A_1 : i32
    "tpu.region"() ({
      %run_scoped3A = tpu.sem_alloc : memref<!tpu.dma_semaphore, #tpu.memory_space<semaphore_mem>>
      %dma_start3A = tpu.memref_slice %arg3[%mul3A_2] : memref<8192xi32, #tpu.memory_space<hbm>> -> memref<256xi32, #tpu.memory_space<hbm>>
      %dma_start3A_244 = tpu.memref_slice %arg3[%mul3A_2] : memref<8192xi32, #tpu.memory_space<hbm>> -> memref<256xi32, #tpu.memory_space<hbm>>
      tpu.enqueue_dma source(%dma_start3A_244 : memref<256xi32, #tpu.memory_space<hbm>>) target(%arg7 : memref<256xi32, #tpu.memory_space<vmem>>) target_semaphore(%run_scoped3A : memref<!tpu.dma_semaphore, #tpu.memory_space<semaphore_mem>>)
      %dma_wait3A = tpu.memref_slice %arg3[%mul3A_2] : memref<8192xi32, #tpu.memory_space<hbm>> -> memref<256xi32, #tpu.memory_space<hbm>>
      %dma_wait3A_245 = tpu.memref_slice %arg3[%mul3A_2] : memref<8192xi32, #tpu.memory_space<hbm>> -> memref<256xi32, #tpu.memory_space<hbm>>
      tpu.wait_dma2 semaphore(%run_scoped3A : memref<!tpu.dma_semaphore, #tpu.memory_space<semaphore_mem>>) src(%dma_wait3A_245 : memref<256xi32, #tpu.memory_space<hbm>>) dst(%arg7 : memref<256xi32, #tpu.memory_space<vmem>>)
      tpu.yield
    }) : () -> ()
    %mul3A_3 = arith.constant 256 : i32
    %mul3A_4 = arith.muli %add3A, %mul3A_3 : i32
    "tpu.region"() ({
      %run_scoped3A = tpu.sem_alloc : memref<!tpu.dma_semaphore, #tpu.memory_space<semaphore_mem>>
      %dma_start3A = tpu.memref_slice %arg4[%mul3A_4] : memref<8192xf32, #tpu.memory_space<hbm>> -> memref<256xf32, #tpu.memory_space<hbm>>
      %dma_start3A_244 = tpu.memref_slice %arg4[%mul3A_4] : memref<8192xf32, #tpu.memory_space<hbm>> -> memref<256xf32, #tpu.memory_space<hbm>>
      tpu.enqueue_dma source(%dma_start3A_244 : memref<256xf32, #tpu.memory_space<hbm>>) target(%arg8 : memref<256xf32, #tpu.memory_space<vmem>>) target_semaphore(%run_scoped3A : memref<!tpu.dma_semaphore, #tpu.memory_space<semaphore_mem>>)
      %dma_wait3A = tpu.memref_slice %arg4[%mul3A_4] : memref<8192xf32, #tpu.memory_space<hbm>> -> memref<256xf32, #tpu.memory_space<hbm>>
      %dma_wait3A_245 = tpu.memref_slice %arg4[%mul3A_4] : memref<8192xf32, #tpu.memory_space<hbm>> -> memref<256xf32, #tpu.memory_space<hbm>>
      tpu.wait_dma2 semaphore(%run_scoped3A : memref<!tpu.dma_semaphore, #tpu.memory_space<semaphore_mem>>) src(%dma_wait3A_245 : memref<256xf32, #tpu.memory_space<hbm>>) dst(%arg8 : memref<256xf32, #tpu.memory_space<vmem>>)
      tpu.yield
    }) : () -> ()
    %get3A = arith.constant 0 : index
    %get3A_5 = tpu.vector_load %arg7[%get3A] {strides = array<i32>} : memref<256xi32, #tpu.memory_space<vmem>>, vector<16xi32>,
    %gather3A = tpu.vector_load_idx %arg6[%get3A_5] : memref<10240xf32, #tpu.memory_space<vmem>>[vector<16xi32>], vector<16xf32>,
    %get3A_6 = arith.constant 0 : index
    %get3A_7 = tpu.vector_load %arg8[%get3A_6] {strides = array<i32>} : memref<256xf32, #tpu.memory_space<vmem>>, vector<16xf32>,
    %mul3A_8 = arith.mulf %gather3A, %get3A_7 : vector<16xf32>
    %swap3A = arith.constant 0 : index
    %swap3A_9 = tpu.vector_load %arg9[%swap3A] {strides = array<i32>} : memref<256xf32, #tpu.memory_space<vmem>>, vector<16xf32>,
    tpu.vector_store %arg9[%swap3A], %mul3A_8 {strides = array<i32>} : memref<256xf32, #tpu.memory_space<vmem>>, vector<16xf32>,
    %get3A_10 = arith.constant 16 : index
    %get3A_11 = tpu.vector_load %arg7[%get3A_10] {strides = array<i32>} : memref<256xi32, #tpu.memory_space<vmem>>, vector<16xi32>,
    %gather3A_12 = tpu.vector_load_idx %arg6[%get3A_11] : memref<10240xf32, #tpu.memory_space<vmem>>[vector<16xi32>], vector<16xf32>,
    %get3A_13 = arith.constant 16 : index
    %get3A_14 = tpu.vector_load %arg8[%get3A_13] {strides = array<i32>} : memref<256xf32, #tpu.memory_space<vmem>>, vector<16xf32>,
    %mul3A_15 = arith.mulf %gather3A_12, %get3A_14 : vector<16xf32>
    %swap3A_16 = arith.constant 16 : index
    %swap3A_17 = tpu.vector_load %arg9[%swap3A_16] {strides = array<i32>} : memref<256xf32, #tpu.memory_space<vmem>>, vector<16xf32>,
    tpu.vector_store %arg9[%swap3A_16], %mul3A_15 {strides = array<i32>} : memref<256xf32, #tpu.memory_space<vmem>>, vector<16xf32>,
    %get3A_18 = arith.constant 32 : index
    %get3A_19 = tpu.vector_load %arg7[%get3A_18] {strides = array<i32>} : memref<256xi32, #tpu.memory_space<vmem>>, vector<16xi32>,
    %gather3A_20 = tpu.vector_load_idx %arg6[%get3A_19] : memref<10240xf32, #tpu.memory_space<vmem>>[vector<16xi32>], vector<16xf32>,
    %get3A_21 = arith.constant 32 : index
    %get3A_22 = tpu.vector_load %arg8[%get3A_21] {strides = array<i32>} : memref<256xf32, #tpu.memory_space<vmem>>, vector<16xf32>,
    %mul3A_23 = arith.mulf %gather3A_20, %get3A_22 : vector<16xf32>
    %swap3A_24 = arith.constant 32 : index
    %swap3A_25 = tpu.vector_load %arg9[%swap3A_24] {strides = array<i32>} : memref<256xf32, #tpu.memory_space<vmem>>, vector<16xf32>,
    tpu.vector_store %arg9[%swap3A_24], %mul3A_23 {strides = array<i32>} : memref<256xf32, #tpu.memory_space<vmem>>, vector<16xf32>,
    %get3A_26 = arith.constant 48 : index
    %get3A_27 = tpu.vector_load %arg7[%get3A_26] {strides = array<i32>} : memref<256xi32, #tpu.memory_space<vmem>>, vector<16xi32>,
    %gather3A_28 = tpu.vector_load_idx %arg6[%get3A_27] : memref<10240xf32, #tpu.memory_space<vmem>>[vector<16xi32>], vector<16xf32>,
    %get3A_29 = arith.constant 48 : index
    %get3A_30 = tpu.vector_load %arg8[%get3A_29] {strides = array<i32>} : memref<256xf32, #tpu.memory_space<vmem>>, vector<16xf32>,
    %mul3A_31 = arith.mulf %gather3A_28, %get3A_30 : vector<16xf32>
    %swap3A_32 = arith.constant 48 : index
    %swap3A_33 = tpu.vector_load %arg9[%swap3A_32] {strides = array<i32>} : memref<256xf32, #tpu.memory_space<vmem>>, vector<16xf32>,
    tpu.vector_store %arg9[%swap3A_32], %mul3A_31 {strides = array<i32>} : memref<256xf32, #tpu.memory_space<vmem>>, vector<16xf32>,
    %get3A_34 = arith.constant 64 : index
    %get3A_35 = tpu.vector_load %arg7[%get3A_34] {strides = array<i32>} : memref<256xi32, #tpu.memory_space<vmem>>, vector<16xi32>,
    %gather3A_36 = tpu.vector_load_idx %arg6[%get3A_35] : memref<10240xf32, #tpu.memory_space<vmem>>[vector<16xi32>], vector<16xf32>,
    %get3A_37 = arith.constant 64 : index
    %get3A_38 = tpu.vector_load %arg8[%get3A_37] {strides = array<i32>} : memref<256xf32, #tpu.memory_space<vmem>>, vector<16xf32>,
    %mul3A_39 = arith.mulf %gather3A_36, %get3A_38 : vector<16xf32>
    %swap3A_40 = arith.constant 64 : index
    %swap3A_41 = tpu.vector_load %arg9[%swap3A_40] {strides = array<i32>} : memref<256xf32, #tpu.memory_space<vmem>>, vector<16xf32>,
    tpu.vector_store %arg9[%swap3A_40], %mul3A_39 {strides = array<i32>} : memref<256xf32, #tpu.memory_space<vmem>>, vector<16xf32>,
    %get3A_42 = arith.constant 80 : index
    %get3A_43 = tpu.vector_load %arg7[%get3A_42] {strides = array<i32>} : memref<256xi32, #tpu.memory_space<vmem>>, vector<16xi32>,
    %gather3A_44 = tpu.vector_load_idx %arg6[%get3A_43] : memref<10240xf32, #tpu.memory_space<vmem>>[vector<16xi32>], vector<16xf32>,
    %get3A_45 = arith.constant 80 : index
    %get3A_46 = tpu.vector_load %arg8[%get3A_45] {strides = array<i32>} : memref<256xf32, #tpu.memory_space<vmem>>, vector<16xf32>,
    %mul3A_47 = arith.mulf %gather3A_44, %get3A_46 : vector<16xf32>
    %swap3A_48 = arith.constant 80 : index
    %swap3A_49 = tpu.vector_load %arg9[%swap3A_48] {strides = array<i32>} : memref<256xf32, #tpu.memory_space<vmem>>, vector<16xf32>,
    tpu.vector_store %arg9[%swap3A_48], %mul3A_47 {strides = array<i32>} : memref<256xf32, #tpu.memory_space<vmem>>, vector<16xf32>,
    %get3A_50 = arith.constant 96 : index
    %get3A_51 = tpu.vector_load %arg7[%get3A_50] {strides = array<i32>} : memref<256xi32, #tpu.memory_space<vmem>>, vector<16xi32>,
    %gather3A_52 = tpu.vector_load_idx %arg6[%get3A_51] : memref<10240xf32, #tpu.memory_space<vmem>>[vector<16xi32>], vector<16xf32>,
    %get3A_53 = arith.constant 96 : index
    %get3A_54 = tpu.vector_load %arg8[%get3A_53] {strides = array<i32>} : memref<256xf32, #tpu.memory_space<vmem>>, vector<16xf32>,
    %mul3A_55 = arith.mulf %gather3A_52, %get3A_54 : vector<16xf32>
    %swap3A_56 = arith.constant 96 : index
    %swap3A_57 = tpu.vector_load %arg9[%swap3A_56] {strides = array<i32>} : memref<256xf32, #tpu.memory_space<vmem>>, vector<16xf32>,
    tpu.vector_store %arg9[%swap3A_56], %mul3A_55 {strides = array<i32>} : memref<256xf32, #tpu.memory_space<vmem>>, vector<16xf32>,
    %get3A_58 = arith.constant 112 : index
    %get3A_59 = tpu.vector_load %arg7[%get3A_58] {strides = array<i32>} : memref<256xi32, #tpu.memory_space<vmem>>, vector<16xi32>,
    %gather3A_60 = tpu.vector_load_idx %arg6[%get3A_59] : memref<10240xf32, #tpu.memory_space<vmem>>[vector<16xi32>], vector<16xf32>,
    %get3A_61 = arith.constant 112 : index
    %get3A_62 = tpu.vector_load %arg8[%get3A_61] {strides = array<i32>} : memref<256xf32, #tpu.memory_space<vmem>>, vector<16xf32>,
    %mul3A_63 = arith.mulf %gather3A_60, %get3A_62 : vector<16xf32>
    %swap3A_64 = arith.constant 112 : index
    %swap3A_65 = tpu.vector_load %arg9[%swap3A_64] {strides = array<i32>} : memref<256xf32, #tpu.memory_space<vmem>>, vector<16xf32>,
    tpu.vector_store %arg9[%swap3A_64], %mul3A_63 {strides = array<i32>} : memref<256xf32, #tpu.memory_space<vmem>>, vector<16xf32>,
    %get3A_66 = arith.constant 128 : index
    %get3A_67 = tpu.vector_load %arg7[%get3A_66] {strides = array<i32>} : memref<256xi32, #tpu.memory_space<vmem>>, vector<16xi32>,
    %gather3A_68 = tpu.vector_load_idx %arg6[%get3A_67] : memref<10240xf32, #tpu.memory_space<vmem>>[vector<16xi32>], vector<16xf32>,
    %get3A_69 = arith.constant 128 : index
    %get3A_70 = tpu.vector_load %arg8[%get3A_69] {strides = array<i32>} : memref<256xf32, #tpu.memory_space<vmem>>, vector<16xf32>,
    %mul3A_71 = arith.mulf %gather3A_68, %get3A_70 : vector<16xf32>
    %swap3A_72 = arith.constant 128 : index
    %swap3A_73 = tpu.vector_load %arg9[%swap3A_72] {strides = array<i32>} : memref<256xf32, #tpu.memory_space<vmem>>, vector<16xf32>,
    tpu.vector_store %arg9[%swap3A_72], %mul3A_71 {strides = array<i32>} : memref<256xf32, #tpu.memory_space<vmem>>, vector<16xf32>,
    %get3A_74 = arith.constant 144 : index
    %get3A_75 = tpu.vector_load %arg7[%get3A_74] {strides = array<i32>} : memref<256xi32, #tpu.memory_space<vmem>>, vector<16xi32>,
    %gather3A_76 = tpu.vector_load_idx %arg6[%get3A_75] : memref<10240xf32, #tpu.memory_space<vmem>>[vector<16xi32>], vector<16xf32>,
    %get3A_77 = arith.constant 144 : index
    %get3A_78 = tpu.vector_load %arg8[%get3A_77] {strides = array<i32>} : memref<256xf32, #tpu.memory_space<vmem>>, vector<16xf32>,
    %mul3A_79 = arith.mulf %gather3A_76, %get3A_78 : vector<16xf32>
    %swap3A_80 = arith.constant 144 : index
    %swap3A_81 = tpu.vector_load %arg9[%swap3A_80] {strides = array<i32>} : memref<256xf32, #tpu.memory_space<vmem>>, vector<16xf32>,
    tpu.vector_store %arg9[%swap3A_80], %mul3A_79 {strides = array<i32>} : memref<256xf32, #tpu.memory_space<vmem>>, vector<16xf32>,
    %get3A_82 = arith.constant 160 : index
    %get3A_83 = tpu.vector_load %arg7[%get3A_82] {strides = array<i32>} : memref<256xi32, #tpu.memory_space<vmem>>, vector<16xi32>,
    %gather3A_84 = tpu.vector_load_idx %arg6[%get3A_83] : memref<10240xf32, #tpu.memory_space<vmem>>[vector<16xi32>], vector<16xf32>,
    %get3A_85 = arith.constant 160 : index
    %get3A_86 = tpu.vector_load %arg8[%get3A_85] {strides = array<i32>} : memref<256xf32, #tpu.memory_space<vmem>>, vector<16xf32>,
    %mul3A_87 = arith.mulf %gather3A_84, %get3A_86 : vector<16xf32>
    %swap3A_88 = arith.constant 160 : index
    %swap3A_89 = tpu.vector_load %arg9[%swap3A_88] {strides = array<i32>} : memref<256xf32, #tpu.memory_space<vmem>>, vector<16xf32>,
    tpu.vector_store %arg9[%swap3A_88], %mul3A_87 {strides = array<i32>} : memref<256xf32, #tpu.memory_space<vmem>>, vector<16xf32>,
    %get3A_90 = arith.constant 176 : index
    %get3A_91 = tpu.vector_load %arg7[%get3A_90] {strides = array<i32>} : memref<256xi32, #tpu.memory_space<vmem>>, vector<16xi32>,
    %gather3A_92 = tpu.vector_load_idx %arg6[%get3A_91] : memref<10240xf32, #tpu.memory_space<vmem>>[vector<16xi32>], vector<16xf32>,
    %get3A_93 = arith.constant 176 : index
    %get3A_94 = tpu.vector_load %arg8[%get3A_93] {strides = array<i32>} : memref<256xf32, #tpu.memory_space<vmem>>, vector<16xf32>,
    %mul3A_95 = arith.mulf %gather3A_92, %get3A_94 : vector<16xf32>
    %swap3A_96 = arith.constant 176 : index
    %swap3A_97 = tpu.vector_load %arg9[%swap3A_96] {strides = array<i32>} : memref<256xf32, #tpu.memory_space<vmem>>, vector<16xf32>,
    tpu.vector_store %arg9[%swap3A_96], %mul3A_95 {strides = array<i32>} : memref<256xf32, #tpu.memory_space<vmem>>, vector<16xf32>,
    %get3A_98 = arith.constant 192 : index
    %get3A_99 = tpu.vector_load %arg7[%get3A_98] {strides = array<i32>} : memref<256xi32, #tpu.memory_space<vmem>>, vector<16xi32>,
    %gather3A_100 = tpu.vector_load_idx %arg6[%get3A_99] : memref<10240xf32, #tpu.memory_space<vmem>>[vector<16xi32>], vector<16xf32>,
    %get3A_101 = arith.constant 192 : index
    %get3A_102 = tpu.vector_load %arg8[%get3A_101] {strides = array<i32>} : memref<256xf32, #tpu.memory_space<vmem>>, vector<16xf32>,
    %mul3A_103 = arith.mulf %gather3A_100, %get3A_102 : vector<16xf32>
    %swap3A_104 = arith.constant 192 : index
    %swap3A_105 = tpu.vector_load %arg9[%swap3A_104] {strides = array<i32>} : memref<256xf32, #tpu.memory_space<vmem>>, vector<16xf32>,
    tpu.vector_store %arg9[%swap3A_104], %mul3A_103 {strides = array<i32>} : memref<256xf32, #tpu.memory_space<vmem>>, vector<16xf32>,
    %get3A_106 = arith.constant 208 : index
    %get3A_107 = tpu.vector_load %arg7[%get3A_106] {strides = array<i32>} : memref<256xi32, #tpu.memory_space<vmem>>, vector<16xi32>,
    %gather3A_108 = tpu.vector_load_idx %arg6[%get3A_107] : memref<10240xf32, #tpu.memory_space<vmem>>[vector<16xi32>], vector<16xf32>,
    %get3A_109 = arith.constant 208 : index
    %get3A_110 = tpu.vector_load %arg8[%get3A_109] {strides = array<i32>} : memref<256xf32, #tpu.memory_space<vmem>>, vector<16xf32>,
    %mul3A_111 = arith.mulf %gather3A_108, %get3A_110 : vector<16xf32>
    %swap3A_112 = arith.constant 208 : index
    %swap3A_113 = tpu.vector_load %arg9[%swap3A_112] {strides = array<i32>} : memref<256xf32, #tpu.memory_space<vmem>>, vector<16xf32>,
    tpu.vector_store %arg9[%swap3A_112], %mul3A_111 {strides = array<i32>} : memref<256xf32, #tpu.memory_space<vmem>>, vector<16xf32>,
    %get3A_114 = arith.constant 224 : index
    %get3A_115 = tpu.vector_load %arg7[%get3A_114] {strides = array<i32>} : memref<256xi32, #tpu.memory_space<vmem>>, vector<16xi32>,
    %gather3A_116 = tpu.vector_load_idx %arg6[%get3A_115] : memref<10240xf32, #tpu.memory_space<vmem>>[vector<16xi32>], vector<16xf32>,
    %get3A_117 = arith.constant 224 : index
    %get3A_118 = tpu.vector_load %arg8[%get3A_117] {strides = array<i32>} : memref<256xf32, #tpu.memory_space<vmem>>, vector<16xf32>,
    %mul3A_119 = arith.mulf %gather3A_116, %get3A_118 : vector<16xf32>
    %swap3A_120 = arith.constant 224 : index
    %swap3A_121 = tpu.vector_load %arg9[%swap3A_120] {strides = array<i32>} : memref<256xf32, #tpu.memory_space<vmem>>, vector<16xf32>,
    tpu.vector_store %arg9[%swap3A_120], %mul3A_119 {strides = array<i32>} : memref<256xf32, #tpu.memory_space<vmem>>, vector<16xf32>,
    %get3A_122 = arith.constant 240 : index
    %get3A_123 = tpu.vector_load %arg7[%get3A_122] {strides = array<i32>} : memref<256xi32, #tpu.memory_space<vmem>>, vector<16xi32>,
    %gather3A_124 = tpu.vector_load_idx %arg6[%get3A_123] : memref<10240xf32, #tpu.memory_space<vmem>>[vector<16xi32>], vector<16xf32>,
    %get3A_125 = arith.constant 240 : index
    %get3A_126 = tpu.vector_load %arg8[%get3A_125] {strides = array<i32>} : memref<256xf32, #tpu.memory_space<vmem>>, vector<16xf32>,
    %mul3A_127 = arith.mulf %gather3A_124, %get3A_126 : vector<16xf32>
    %swap3A_128 = arith.constant 240 : index
    %swap3A_129 = tpu.vector_load %arg9[%swap3A_128] {strides = array<i32>} : memref<256xf32, #tpu.memory_space<vmem>>, vector<16xf32>,
    tpu.vector_store %arg9[%swap3A_128], %mul3A_127 {strides = array<i32>} : memref<256xf32, #tpu.memory_space<vmem>>, vector<16xf32>,
    %mul3A_130 = arith.constant 2 : i32
    %mul3A_131 = vector.broadcast %mul3A_130 : i32 to vector<16xi32>
    %mul3A_132 = arith.muli %mul3A_131, %iota3A : vector<16xi32>
    %add3A_133 = arith.constant 0 : i32
    %add3A_134 = vector.broadcast %add3A_133 : i32 to vector<16xi32>
    %add3A_135 = arith.addi %add3A_134, %mul3A_132 : vector<16xi32>
    %gather3A_136 = tpu.vector_load_idx %arg9[%add3A_135] : memref<256xf32, #tpu.memory_space<vmem>>[vector<16xi32>], vector<16xf32>,
    %add3A_137 = arith.constant 1 : i32
    %add3A_138 = vector.broadcast %add3A_137 : i32 to vector<16xi32>
    %add3A_139 = arith.addi %add3A_135, %add3A_138 : vector<16xi32>
    %gather3A_140 = tpu.vector_load_idx %arg9[%add3A_139] : memref<256xf32, #tpu.memory_space<vmem>>[vector<16xi32>], vector<16xf32>,
    %add3A_141 = arith.addf %gather3A_136, %gather3A_140 : vector<16xf32>
    %swap3A_142 = arith.constant 0 : index
    %swap3A_143 = tpu.vector_load %arg10[%swap3A_142] {strides = array<i32>} : memref<128xf32, #tpu.memory_space<vmem>>, vector<16xf32>,
    tpu.vector_store %arg10[%swap3A_142], %add3A_141 {strides = array<i32>} : memref<128xf32, #tpu.memory_space<vmem>>, vector<16xf32>,
    %mul3A_144 = arith.constant 2 : i32
    %mul3A_145 = vector.broadcast %mul3A_144 : i32 to vector<16xi32>
    %mul3A_146 = arith.muli %mul3A_145, %iota3A : vector<16xi32>
    %add3A_147 = arith.constant 32 : i32
    %add3A_148 = vector.broadcast %add3A_147 : i32 to vector<16xi32>
    %add3A_149 = arith.addi %add3A_148, %mul3A_146 : vector<16xi32>
    %gather3A_150 = tpu.vector_load_idx %arg9[%add3A_149] : memref<256xf32, #tpu.memory_space<vmem>>[vector<16xi32>], vector<16xf32>,
    %add3A_151 = arith.constant 1 : i32
    %add3A_152 = vector.broadcast %add3A_151 : i32 to vector<16xi32>
    %add3A_153 = arith.addi %add3A_149, %add3A_152 : vector<16xi32>
    %gather3A_154 = tpu.vector_load_idx %arg9[%add3A_153] : memref<256xf32, #tpu.memory_space<vmem>>[vector<16xi32>], vector<16xf32>,
    %add3A_155 = arith.addf %gather3A_150, %gather3A_154 : vector<16xf32>
    %swap3A_156 = arith.constant 16 : index
    %swap3A_157 = tpu.vector_load %arg10[%swap3A_156] {strides = array<i32>} : memref<128xf32, #tpu.memory_space<vmem>>, vector<16xf32>,
    tpu.vector_store %arg10[%swap3A_156], %add3A_155 {strides = array<i32>} : memref<128xf32, #tpu.memory_space<vmem>>, vector<16xf32>,
    %mul3A_158 = arith.constant 2 : i32
    %mul3A_159 = vector.broadcast %mul3A_158 : i32 to vector<16xi32>
    %mul3A_160 = arith.muli %mul3A_159, %iota3A : vector<16xi32>
    %add3A_161 = arith.constant 64 : i32
    %add3A_162 = vector.broadcast %add3A_161 : i32 to vector<16xi32>
    %add3A_163 = arith.addi %add3A_162, %mul3A_160 : vector<16xi32>
    %gather3A_164 = tpu.vector_load_idx %arg9[%add3A_163] : memref<256xf32, #tpu.memory_space<vmem>>[vector<16xi32>], vector<16xf32>,
    %add3A_165 = arith.constant 1 : i32
    %add3A_166 = vector.broadcast %add3A_165 : i32 to vector<16xi32>
    %add3A_167 = arith.addi %add3A_163, %add3A_166 : vector<16xi32>
    %gather3A_168 = tpu.vector_load_idx %arg9[%add3A_167] : memref<256xf32, #tpu.memory_space<vmem>>[vector<16xi32>], vector<16xf32>,
    %add3A_169 = arith.addf %gather3A_164, %gather3A_168 : vector<16xf32>
    %swap3A_170 = arith.constant 32 : index
    %swap3A_171 = tpu.vector_load %arg10[%swap3A_170] {strides = array<i32>} : memref<128xf32, #tpu.memory_space<vmem>>, vector<16xf32>,
    tpu.vector_store %arg10[%swap3A_170], %add3A_169 {strides = array<i32>} : memref<128xf32, #tpu.memory_space<vmem>>, vector<16xf32>,
    %mul3A_172 = arith.constant 2 : i32
    %mul3A_173 = vector.broadcast %mul3A_172 : i32 to vector<16xi32>
    %mul3A_174 = arith.muli %mul3A_173, %iota3A : vector<16xi32>
    %add3A_175 = arith.constant 96 : i32
    %add3A_176 = vector.broadcast %add3A_175 : i32 to vector<16xi32>
    %add3A_177 = arith.addi %add3A_176, %mul3A_174 : vector<16xi32>
    %gather3A_178 = tpu.vector_load_idx %arg9[%add3A_177] : memref<256xf32, #tpu.memory_space<vmem>>[vector<16xi32>], vector<16xf32>,
    %add3A_179 = arith.constant 1 : i32
    %add3A_180 = vector.broadcast %add3A_179 : i32 to vector<16xi32>
    %add3A_181 = arith.addi %add3A_177, %add3A_180 : vector<16xi32>
    %gather3A_182 = tpu.vector_load_idx %arg9[%add3A_181] : memref<256xf32, #tpu.memory_space<vmem>>[vector<16xi32>], vector<16xf32>,
    %add3A_183 = arith.addf %gather3A_178, %gather3A_182 : vector<16xf32>
    %swap3A_184 = arith.constant 48 : index
    %swap3A_185 = tpu.vector_load %arg10[%swap3A_184] {strides = array<i32>} : memref<128xf32, #tpu.memory_space<vmem>>, vector<16xf32>,
    tpu.vector_store %arg10[%swap3A_184], %add3A_183 {strides = array<i32>} : memref<128xf32, #tpu.memory_space<vmem>>, vector<16xf32>,
    %mul3A_186 = arith.constant 2 : i32
    %mul3A_187 = vector.broadcast %mul3A_186 : i32 to vector<16xi32>
    %mul3A_188 = arith.muli %mul3A_187, %iota3A : vector<16xi32>
    %add3A_189 = arith.constant 128 : i32
    %add3A_190 = vector.broadcast %add3A_189 : i32 to vector<16xi32>
    %add3A_191 = arith.addi %add3A_190, %mul3A_188 : vector<16xi32>
    %gather3A_192 = tpu.vector_load_idx %arg9[%add3A_191] : memref<256xf32, #tpu.memory_space<vmem>>[vector<16xi32>], vector<16xf32>,
    %add3A_193 = arith.constant 1 : i32
    %add3A_194 = vector.broadcast %add3A_193 : i32 to vector<16xi32>
    %add3A_195 = arith.addi %add3A_191, %add3A_194 : vector<16xi32>
    %gather3A_196 = tpu.vector_load_idx %arg9[%add3A_195] : memref<256xf32, #tpu.memory_space<vmem>>[vector<16xi32>], vector<16xf32>,
    %add3A_197 = arith.addf %gather3A_192, %gather3A_196 : vector<16xf32>
    %swap3A_198 = arith.constant 64 : index
    %swap3A_199 = tpu.vector_load %arg10[%swap3A_198] {strides = array<i32>} : memref<128xf32, #tpu.memory_space<vmem>>, vector<16xf32>,
    tpu.vector_store %arg10[%swap3A_198], %add3A_197 {strides = array<i32>} : memref<128xf32, #tpu.memory_space<vmem>>, vector<16xf32>,
    %mul3A_200 = arith.constant 2 : i32
    %mul3A_201 = vector.broadcast %mul3A_200 : i32 to vector<16xi32>
    %mul3A_202 = arith.muli %mul3A_201, %iota3A : vector<16xi32>
    %add3A_203 = arith.constant 160 : i32
    %add3A_204 = vector.broadcast %add3A_203 : i32 to vector<16xi32>
    %add3A_205 = arith.addi %add3A_204, %mul3A_202 : vector<16xi32>
    %gather3A_206 = tpu.vector_load_idx %arg9[%add3A_205] : memref<256xf32, #tpu.memory_space<vmem>>[vector<16xi32>], vector<16xf32>,
    %add3A_207 = arith.constant 1 : i32
    %add3A_208 = vector.broadcast %add3A_207 : i32 to vector<16xi32>
    %add3A_209 = arith.addi %add3A_205, %add3A_208 : vector<16xi32>
    %gather3A_210 = tpu.vector_load_idx %arg9[%add3A_209] : memref<256xf32, #tpu.memory_space<vmem>>[vector<16xi32>], vector<16xf32>,
    %add3A_211 = arith.addf %gather3A_206, %gather3A_210 : vector<16xf32>
    %swap3A_212 = arith.constant 80 : index
    %swap3A_213 = tpu.vector_load %arg10[%swap3A_212] {strides = array<i32>} : memref<128xf32, #tpu.memory_space<vmem>>, vector<16xf32>,
    tpu.vector_store %arg10[%swap3A_212], %add3A_211 {strides = array<i32>} : memref<128xf32, #tpu.memory_space<vmem>>, vector<16xf32>,
    %mul3A_214 = arith.constant 2 : i32
    %mul3A_215 = vector.broadcast %mul3A_214 : i32 to vector<16xi32>
    %mul3A_216 = arith.muli %mul3A_215, %iota3A : vector<16xi32>
    %add3A_217 = arith.constant 192 : i32
    %add3A_218 = vector.broadcast %add3A_217 : i32 to vector<16xi32>
    %add3A_219 = arith.addi %add3A_218, %mul3A_216 : vector<16xi32>
    %gather3A_220 = tpu.vector_load_idx %arg9[%add3A_219] : memref<256xf32, #tpu.memory_space<vmem>>[vector<16xi32>], vector<16xf32>,
    %add3A_221 = arith.constant 1 : i32
    %add3A_222 = vector.broadcast %add3A_221 : i32 to vector<16xi32>
    %add3A_223 = arith.addi %add3A_219, %add3A_222 : vector<16xi32>
    %gather3A_224 = tpu.vector_load_idx %arg9[%add3A_223] : memref<256xf32, #tpu.memory_space<vmem>>[vector<16xi32>], vector<16xf32>,
    %add3A_225 = arith.addf %gather3A_220, %gather3A_224 : vector<16xf32>
    %swap3A_226 = arith.constant 96 : index
    %swap3A_227 = tpu.vector_load %arg10[%swap3A_226] {strides = array<i32>} : memref<128xf32, #tpu.memory_space<vmem>>, vector<16xf32>,
    tpu.vector_store %arg10[%swap3A_226], %add3A_225 {strides = array<i32>} : memref<128xf32, #tpu.memory_space<vmem>>, vector<16xf32>,
    %mul3A_228 = arith.constant 2 : i32
    %mul3A_229 = vector.broadcast %mul3A_228 : i32 to vector<16xi32>
    %mul3A_230 = arith.muli %mul3A_229, %iota3A : vector<16xi32>
    %add3A_231 = arith.constant 224 : i32
    %add3A_232 = vector.broadcast %add3A_231 : i32 to vector<16xi32>
    %add3A_233 = arith.addi %add3A_232, %mul3A_230 : vector<16xi32>
    %gather3A_234 = tpu.vector_load_idx %arg9[%add3A_233] : memref<256xf32, #tpu.memory_space<vmem>>[vector<16xi32>], vector<16xf32>,
    %add3A_235 = arith.constant 1 : i32
    %add3A_236 = vector.broadcast %add3A_235 : i32 to vector<16xi32>
    %add3A_237 = arith.addi %add3A_233, %add3A_236 : vector<16xi32>
    %gather3A_238 = tpu.vector_load_idx %arg9[%add3A_237] : memref<256xf32, #tpu.memory_space<vmem>>[vector<16xi32>], vector<16xf32>,
    %add3A_239 = arith.addf %gather3A_234, %gather3A_238 : vector<16xf32>
    %swap3A_240 = arith.constant 112 : index
    %swap3A_241 = tpu.vector_load %arg10[%swap3A_240] {strides = array<i32>} : memref<128xf32, #tpu.memory_space<vmem>>, vector<16xf32>,
    tpu.vector_store %arg10[%swap3A_240], %add3A_239 {strides = array<i32>} : memref<128xf32, #tpu.memory_space<vmem>>, vector<16xf32>,
    %mul3A_242 = arith.constant 128 : i32
    %mul3A_243 = arith.muli %add3A, %mul3A_242 : i32
    "tpu.region"() ({
      %run_scoped3A = tpu.sem_alloc : memref<!tpu.dma_semaphore, #tpu.memory_space<semaphore_mem>>
      %dma_start3A = tpu.memref_slice %arg5[%mul3A_243] : memref<4096xf32, #tpu.memory_space<hbm>> -> memref<128xf32, #tpu.memory_space<hbm>>
      %dma_start3A_244 = tpu.memref_slice %arg5[%mul3A_243] : memref<4096xf32, #tpu.memory_space<hbm>> -> memref<128xf32, #tpu.memory_space<hbm>>
      tpu.enqueue_dma source(%arg10 : memref<128xf32, #tpu.memory_space<vmem>>) target(%dma_start3A_244 : memref<128xf32, #tpu.memory_space<hbm>>) target_semaphore(%run_scoped3A : memref<!tpu.dma_semaphore, #tpu.memory_space<semaphore_mem>>)
      %dma_wait3A = tpu.memref_slice %arg5[%mul3A_243] : memref<4096xf32, #tpu.memory_space<hbm>> -> memref<128xf32, #tpu.memory_space<hbm>>
      %dma_wait3A_245 = tpu.memref_slice %arg5[%mul3A_243] : memref<4096xf32, #tpu.memory_space<hbm>> -> memref<128xf32, #tpu.memory_space<hbm>>
      tpu.wait_dma2 semaphore(%run_scoped3A : memref<!tpu.dma_semaphore, #tpu.memory_space<semaphore_mem>>) src(%arg10 : memref<128xf32, #tpu.memory_space<vmem>>) dst(%dma_wait3A_245 : memref<128xf32, #tpu.memory_space<hbm>>)
      tpu.yield
    }) : () -> ()
    return
  }
}

module attributes {stable_mosaic.version = 14 : i64} {
  func.func @_k1_body(%arg0: i32, %arg1: memref<256x640xf32, #tpu.memory_space<vmem>>, %arg2: memref<640x16xf32, #tpu.memory_space<vmem>>, %arg3: memref<1x16xf32, #tpu.memory_space<vmem>>, %arg4: memref<256x2xi32, #tpu.memory_space<vmem>>, %arg5: memref<256x2xf32, #tpu.memory_space<vmem>>, %arg6: memref<1x2x16xi32, #tpu.memory_space<vmem>>) attributes {dimension_semantics = [#tpu.dimension_semantics<arbitrary>], iteration_bounds = array<i64: 16>, scalar_prefetch = 0 : i64, scratch_operands = 0 : i64, tpu.core_type = #tpu.core_type<tc>, window_params = [{transform_indices = @transform_0, window_bounds = array<i64: 256, 640>}, {pipeline_mode = #tpu.pipeline_mode<synchronous>, transform_indices = @transform_1, window_bounds = array<i64: 640, 16>}, {pipeline_mode = #tpu.pipeline_mode<synchronous>, transform_indices = @transform_2, window_bounds = array<i64: 1, 16>}, {transform_indices = @transform_3, window_bounds = array<i64: 256, 2>}, {transform_indices = @transform_4, window_bounds = array<i64: 256, 2>}, {transform_indices = @transform_5, window_bounds = array<i64: 1, 2, 16>}]} {
    %get3A = arith.constant 0 : index
    %get3A_0 = arith.constant 0 : index
    %get3A_1 = vector.load %arg1[%get3A, %get3A_0] : memref<256x640xf32, #tpu.memory_space<vmem>>, vector<256x640xf32>
    %get3A_2 = arith.constant 0 : index
    %get3A_3 = arith.constant 0 : index
    %get3A_4 = vector.load %arg2[%get3A_2, %get3A_3] : memref<640x16xf32, #tpu.memory_space<vmem>>, vector<640x16xf32>
    %dot_general3A = arith.constant dense<0.000000e+00> : vector<256x16xf32>
    %dot_general3A_5 = tpu.matmul %get3A_1, %get3A_4, %dot_general3A {dimension_numbers = #tpu.dot_dimension_numbers<[1], [0], [0], [1], [0, 0, 1, 1], [], []>, transpose_lhs_hint = false} : vector<256x640xf32>, vector<640x16xf32>, vector<256x16xf32> -> vector<256x16xf32>
    %get3A_6 = arith.constant 0 : index
    %get3A_7 = arith.constant 0 : index
    %get3A_8 = vector.load %arg3[%get3A_6, %get3A_7] : memref<1x16xf32, #tpu.memory_space<vmem>>, vector<1x16xf32>
    %add3A = vector.broadcast %get3A_8 : vector<1x16xf32> to vector<256x16xf32>
    %add3A_9 = arith.addf %dot_general3A_5, %add3A : vector<256x16xf32>
    %reduce_max3A = arith.constant dense<0xFF800000> : vector<256xf32>
    %reduce_max3A_10 = vector.multi_reduction <maximumf>, %add3A_9, %reduce_max3A [1] : vector<256x16xf32> to vector<256xf32>
    %broadcast_in_dim3A = vector.shape_cast %reduce_max3A_10 : vector<256xf32> to vector<256x1xf32>
    %sub3A = vector.broadcast %broadcast_in_dim3A : vector<256x1xf32> to vector<256x16xf32>
    %sub3A_11 = arith.subf %add3A_9, %sub3A : vector<256x16xf32>
    %exp3A = math.exp %sub3A_11 : vector<256x16xf32>
    %reduce_sum3A = arith.constant dense<0.000000e+00> : vector<256xf32>
    %reduce_sum3A_12 = vector.multi_reduction <add>, %exp3A, %reduce_sum3A [1] : vector<256x16xf32> to vector<256xf32>
    %broadcast_in_dim3A_13 = vector.shape_cast %reduce_sum3A_12 : vector<256xf32> to vector<256x1xf32>
    %div3A = vector.broadcast %broadcast_in_dim3A_13 : vector<256x1xf32> to vector<256x16xf32>
    %div3A_14 = arith.divf %exp3A, %div3A : vector<256x16xf32>
    %iota3A = tpu.iota {dimensions = array<i32: 1>} : vector<256x16xi32>
    %reduce_max3A_15 = arith.constant dense<0xFF800000> : vector<256xf32>
    %reduce_max3A_16 = vector.multi_reduction <maximumf>, %div3A_14, %reduce_max3A_15 [1] : vector<256x16xf32> to vector<256xf32>
    %broadcast_in_dim3A_17 = vector.shape_cast %reduce_max3A_16 : vector<256xf32> to vector<256x1xf32>
    %eq3A = vector.broadcast %broadcast_in_dim3A_17 : vector<256x1xf32> to vector<256x16xf32>
    %eq3A_18 = arith.cmpf oeq, %div3A_14, %eq3A : vector<256x16xf32>
    %jit3A = arith.constant 16 : i32
    %broadcast_in_dim3A_19 = vector.broadcast %jit3A : i32 to vector<256x16xi32>
    %select_n3A = arith.select %eq3A_18, %iota3A, %broadcast_in_dim3A_19 : vector<256x16xi1>, vector<256x16xi32>
    %reduce_min3A = arith.constant dense<2147483647> : vector<256xi32>
    %reduce_min3A_20 = vector.multi_reduction <minsi>, %select_n3A, %reduce_min3A [1] : vector<256x16xi32> to vector<256xi32>
    %broadcast_in_dim3A_21 = vector.shape_cast %reduce_min3A_20 : vector<256xi32> to vector<256x1xi32>
    %eq3A_22 = vector.broadcast %broadcast_in_dim3A_21 : vector<256x1xi32> to vector<256x16xi32>
    %eq3A_23 = arith.cmpi eq, %iota3A, %eq3A_22 : vector<256x16xi32>
    %jit3A_24 = arith.constant -1.000000e+00 : f32
    %broadcast_in_dim3A_25 = vector.broadcast %jit3A_24 : f32 to vector<256x16xf32>
    %select_n3A_26 = arith.select %eq3A_23, %broadcast_in_dim3A_25, %div3A_14 : vector<256x16xi1>, vector<256x16xf32>
    %reduce_max3A_27 = arith.constant dense<0xFF800000> : vector<256xf32>
    %reduce_max3A_28 = vector.multi_reduction <maximumf>, %select_n3A_26, %reduce_max3A_27 [1] : vector<256x16xf32> to vector<256xf32>
    %broadcast_in_dim3A_29 = vector.shape_cast %reduce_max3A_28 : vector<256xf32> to vector<256x1xf32>
    %eq3A_30 = vector.broadcast %broadcast_in_dim3A_29 : vector<256x1xf32> to vector<256x16xf32>
    %eq3A_31 = arith.cmpf oeq, %select_n3A_26, %eq3A_30 : vector<256x16xf32>
    %jit3A_32 = arith.constant 16 : i32
    %broadcast_in_dim3A_33 = vector.broadcast %jit3A_32 : i32 to vector<256x16xi32>
    %select_n3A_34 = arith.select %eq3A_31, %iota3A, %broadcast_in_dim3A_33 : vector<256x16xi1>, vector<256x16xi32>
    %reduce_min3A_35 = arith.constant dense<2147483647> : vector<256xi32>
    %reduce_min3A_36 = vector.multi_reduction <minsi>, %select_n3A_34, %reduce_min3A_35 [1] : vector<256x16xi32> to vector<256xi32>
    %broadcast_in_dim3A_37 = vector.shape_cast %reduce_min3A_36 : vector<256xi32> to vector<256x1xi32>
    %add3A_38 = arith.addf %broadcast_in_dim3A_17, %broadcast_in_dim3A_29 : vector<256x1xf32>
    %concatenate3A = tpu.concatenate %broadcast_in_dim3A_21, %broadcast_in_dim3A_37 in 1 : vector<256x1xi32>, vector<256x1xi32> -> vector<256x2xi32>
    %swap3A = arith.constant 0 : index
    %swap3A_39 = arith.constant 0 : index
    %swap3A_40 = vector.load %arg4[%swap3A, %swap3A_39] : memref<256x2xi32, #tpu.memory_space<vmem>>, vector<256x2xi32>
    tpu.vector_store %arg4[%swap3A, %swap3A_39], %concatenate3A {strides = array<i32>} : memref<256x2xi32, #tpu.memory_space<vmem>>, vector<256x2xi32>,
    %div3A_41 = arith.divf %broadcast_in_dim3A_17, %add3A_38 : vector<256x1xf32>
    %div3A_42 = arith.divf %broadcast_in_dim3A_29, %add3A_38 : vector<256x1xf32>
    %concatenate3A_43 = tpu.concatenate %div3A_41, %div3A_42 in 1 : vector<256x1xf32>, vector<256x1xf32> -> vector<256x2xf32>
    %swap3A_44 = arith.constant 0 : index
    %swap3A_45 = arith.constant 0 : index
    %swap3A_46 = vector.load %arg5[%swap3A_44, %swap3A_45] : memref<256x2xf32, #tpu.memory_space<vmem>>, vector<256x2xf32>
    tpu.vector_store %arg5[%swap3A_44, %swap3A_45], %concatenate3A_43 {strides = array<i32>} : memref<256x2xf32, #tpu.memory_space<vmem>>, vector<256x2xf32>,
    %eq3A_47 = vector.broadcast %broadcast_in_dim3A_21 : vector<256x1xi32> to vector<256x16xi32>
    %eq3A_48 = arith.cmpi eq, %iota3A, %eq3A_47 : vector<256x16xi32>
    %convert_element_type3A = arith.extui %eq3A_48 : vector<256x16xi1> to vector<256x16xi32>
    %eq3A_49 = vector.broadcast %broadcast_in_dim3A_37 : vector<256x1xi32> to vector<256x16xi32>
    %eq3A_50 = arith.cmpi eq, %iota3A, %eq3A_49 : vector<256x16xi32>
    %convert_element_type3A_51 = arith.extui %eq3A_50 : vector<256x16xi1> to vector<256x16xi32>
    %add3A_52 = arith.addi %convert_element_type3A, %convert_element_type3A_51 : vector<256x16xi32>
    %slice3A = vector.extract_strided_slice %add3A_52 {offsets = [0, 0], sizes = [128, 16], strides = [1, 1]} : vector<256x16xi32> to vector<128x16xi32>
    %reduce_sum3A_53 = arith.constant dense<0> : vector<16xi32>
    %reduce_sum3A_54 = vector.multi_reduction <add>, %slice3A, %reduce_sum3A_53 [0] : vector<128x16xi32> to vector<16xi32>
    %broadcast_in_dim3A_55 = vector.shape_cast %reduce_sum3A_54 : vector<16xi32> to vector<1x16xi32>
    %slice3A_56 = vector.extract_strided_slice %add3A_52 {offsets = [128, 0], sizes = [128, 16], strides = [1, 1]} : vector<256x16xi32> to vector<128x16xi32>
    %reduce_sum3A_57 = arith.constant dense<0> : vector<16xi32>
    %reduce_sum3A_58 = vector.multi_reduction <add>, %slice3A_56, %reduce_sum3A_57 [0] : vector<128x16xi32> to vector<16xi32>
    %broadcast_in_dim3A_59 = vector.shape_cast %reduce_sum3A_58 : vector<16xi32> to vector<1x16xi32>
    %concatenate3A_60 = tpu.concatenate %broadcast_in_dim3A_55, %broadcast_in_dim3A_59 in 0 : vector<1x16xi32>, vector<1x16xi32> -> vector<2x16xi32>
    %broadcast_in_dim3A_61 = vector.shape_cast %concatenate3A_60 : vector<2x16xi32> to vector<1x2x16xi32>
    %swap3A_62 = arith.constant 0 : index
    %swap3A_63 = arith.constant 0 : index
    %swap3A_64 = arith.constant 0 : index
    %swap3A_65 = vector.load %arg6[%swap3A_62, %swap3A_63, %swap3A_64] : memref<1x2x16xi32, #tpu.memory_space<vmem>>, vector<1x2x16xi32>
    tpu.vector_store %arg6[%swap3A_62, %swap3A_63, %swap3A_64], %broadcast_in_dim3A_61 {strides = array<i32>} : memref<1x2x16xi32, #tpu.memory_space<vmem>>, vector<1x2x16xi32>,
    return
  }
  func.func @transform_0(%arg0: i32) -> (i32, i32) {
    %c0_i32 = arith.constant 0 : i32
    %c0_i32_0 = arith.constant 0 : i32
    return %arg0, %c0_i32 : i32, i32
  }
  func.func @transform_1(%arg0: i32) -> (i32, i32) {
    %c0_i32 = arith.constant 0 : i32
    %c0_i32_0 = arith.constant 0 : i32
    %c0_i32_1 = arith.constant 0 : i32
    return %c0_i32, %c0_i32_0 : i32, i32
  }
  func.func @transform_2(%arg0: i32) -> (i32, i32) {
    %c0_i32 = arith.constant 0 : i32
    %c0_i32_0 = arith.constant 0 : i32
    %c0_i32_1 = arith.constant 0 : i32
    return %c0_i32, %c0_i32_0 : i32, i32
  }
  func.func @transform_3(%arg0: i32) -> (i32, i32) {
    %c0_i32 = arith.constant 0 : i32
    %c0_i32_0 = arith.constant 0 : i32
    return %arg0, %c0_i32 : i32, i32
  }
  func.func @transform_4(%arg0: i32) -> (i32, i32) {
    %c0_i32 = arith.constant 0 : i32
    %c0_i32_0 = arith.constant 0 : i32
    return %arg0, %c0_i32 : i32, i32
  }
  func.func @transform_5(%arg0: i32) -> (i32, i32, i32) {
    %c0_i32 = arith.constant 0 : i32
    %c0_i32_0 = arith.constant 0 : i32
    %c0_i32_1 = arith.constant 0 : i32
    return %arg0, %c0_i32, %c0_i32_0 : i32, i32, i32
  }
}

module attributes {stable_mosaic.version = 14 : i64} {
  func.func @_k3_body(%arg0: i32, %arg1: memref<144xi32, #tpu.memory_space<smem>>, %arg2: memref<128x640xf32, #tpu.memory_space<vmem>>, %arg3: memref<16x640x256xf32, #tpu.memory_space<vmem>>, %arg4: memref<16x1x256xf32, #tpu.memory_space<vmem>>, %arg5: memref<16x256x256xf32, #tpu.memory_space<vmem>>, %arg6: memref<16x1x256xf32, #tpu.memory_space<vmem>>, %arg7: memref<256x1xf32, #tpu.memory_space<vmem>>, %arg8: memref<1x1xf32, #tpu.memory_space<vmem>>, %arg9: memref<128x1xf32, #tpu.memory_space<vmem>>) attributes {dimension_semantics = [#tpu.dimension_semantics<arbitrary>], iteration_bounds = array<i64: 80>, scalar_prefetch = 0 : i64, scratch_operands = 0 : i64, tpu.core_type = #tpu.core_type<tc>, window_params = [{transform_indices = @transform_0, window_bounds = array<i64: 144>}, {transform_indices = @transform_1, window_bounds = array<i64: 128, 640>}, {pipeline_mode = #tpu.pipeline_mode<synchronous>, transform_indices = @transform_2, window_bounds = array<i64: 16, 640, 256>}, {pipeline_mode = #tpu.pipeline_mode<synchronous>, transform_indices = @transform_3, window_bounds = array<i64: 16, 1, 256>}, {pipeline_mode = #tpu.pipeline_mode<synchronous>, transform_indices = @transform_4, window_bounds = array<i64: 16, 256, 256>}, {pipeline_mode = #tpu.pipeline_mode<synchronous>, transform_indices = @transform_5, window_bounds = array<i64: 16, 1, 256>}, {pipeline_mode = #tpu.pipeline_mode<synchronous>, transform_indices = @transform_6, window_bounds = array<i64: 256, 1>}, {pipeline_mode = #tpu.pipeline_mode<synchronous>, transform_indices = @transform_7, window_bounds = array<i64: 1, 1>}, {transform_indices = @transform_8, window_bounds = array<i64: 128, 1>}]} {
    %get3A = arith.index_cast %arg0 : i32 to index
    %get3A_0 = memref.load %arg1[%get3A] : memref<144xi32, #tpu.memory_space<smem>>
    %and3A = arith.constant 15 : i32
    %and3A_1 = arith.andi %get3A_0, %and3A : i32
    %get3A_2 = arith.constant 0 : index
    %get3A_3 = arith.constant 0 : index
    %get3A_4 = vector.load %arg2[%get3A_2, %get3A_3] : memref<128x640xf32, #tpu.memory_space<vmem>>, vector<128x640xf32>
    %get3A_5 = arith.index_cast %and3A_1 : i32 to index
    %get3A_6 = arith.constant 0 : index
    %get3A_7 = arith.constant 0 : index
    %get3A_8 = vector.load %arg3[%get3A_5, %get3A_6, %get3A_7] : memref<16x640x256xf32, #tpu.memory_space<vmem>>, vector<1x640x256xf32>
    %get3A_9 = vector.shape_cast %get3A_8 : vector<1x640x256xf32> to vector<640x256xf32>
    %dot_general3A = arith.constant dense<0.000000e+00> : vector<128x256xf32>
    %dot_general3A_10 = tpu.matmul %get3A_4, %get3A_9, %dot_general3A {dimension_numbers = #tpu.dot_dimension_numbers<[1], [0], [0], [1], [0, 0, 1, 1], [], []>, transpose_lhs_hint = false} : vector<128x640xf32>, vector<640x256xf32>, vector<128x256xf32> -> vector<128x256xf32>
    %get3A_11 = arith.index_cast %and3A_1 : i32 to index
    %get3A_12 = arith.constant 0 : index
    %get3A_13 = arith.constant 0 : index
    %get3A_14 = vector.load %arg4[%get3A_11, %get3A_12, %get3A_13] : memref<16x1x256xf32, #tpu.memory_space<vmem>>, vector<1x1x256xf32>
    %get3A_15 = vector.shape_cast %get3A_14 : vector<1x1x256xf32> to vector<1x256xf32>
    %add3A = vector.broadcast %get3A_15 : vector<1x256xf32> to vector<128x256xf32>
    %add3A_16 = arith.addf %dot_general3A_10, %add3A : vector<128x256xf32>
    %max3A = arith.constant 0.000000e+00 : f32
    %max3A_17 = vector.broadcast %max3A : f32 to vector<128x256xf32>
    %max3A_18 = arith.maximumf %add3A_16, %max3A_17 : vector<128x256xf32>
    %get3A_19 = arith.index_cast %and3A_1 : i32 to index
    %get3A_20 = arith.constant 0 : index
    %get3A_21 = arith.constant 0 : index
    %get3A_22 = vector.load %arg5[%get3A_19, %get3A_20, %get3A_21] : memref<16x256x256xf32, #tpu.memory_space<vmem>>, vector<1x256x256xf32>
    %get3A_23 = vector.shape_cast %get3A_22 : vector<1x256x256xf32> to vector<256x256xf32>
    %dot_general3A_24 = arith.constant dense<0.000000e+00> : vector<128x256xf32>
    %dot_general3A_25 = tpu.matmul %max3A_18, %get3A_23, %dot_general3A_24 {dimension_numbers = #tpu.dot_dimension_numbers<[1], [0], [0], [1], [0, 0, 1, 1], [], []>, transpose_lhs_hint = false} : vector<128x256xf32>, vector<256x256xf32>, vector<128x256xf32> -> vector<128x256xf32>
    %get3A_26 = arith.index_cast %and3A_1 : i32 to index
    %get3A_27 = arith.constant 0 : index
    %get3A_28 = arith.constant 0 : index
    %get3A_29 = vector.load %arg6[%get3A_26, %get3A_27, %get3A_28] : memref<16x1x256xf32, #tpu.memory_space<vmem>>, vector<1x1x256xf32>
    %get3A_30 = vector.shape_cast %get3A_29 : vector<1x1x256xf32> to vector<1x256xf32>
    %add3A_31 = vector.broadcast %get3A_30 : vector<1x256xf32> to vector<128x256xf32>
    %add3A_32 = arith.addf %dot_general3A_25, %add3A_31 : vector<128x256xf32>
    %max3A_33 = arith.constant 0.000000e+00 : f32
    %max3A_34 = vector.broadcast %max3A_33 : f32 to vector<128x256xf32>
    %max3A_35 = arith.maximumf %add3A_32, %max3A_34 : vector<128x256xf32>
    %get3A_36 = arith.constant 0 : index
    %get3A_37 = arith.constant 0 : index
    %get3A_38 = vector.load %arg7[%get3A_36, %get3A_37] : memref<256x1xf32, #tpu.memory_space<vmem>>, vector<256x1xf32>
    %dot_general3A_39 = arith.constant dense<0.000000e+00> : vector<128x1xf32>
    %dot_general3A_40 = tpu.matmul %max3A_35, %get3A_38, %dot_general3A_39 {dimension_numbers = #tpu.dot_dimension_numbers<[1], [0], [0], [1], [0, 0, 1, 1], [], []>, transpose_lhs_hint = false} : vector<128x256xf32>, vector<256x1xf32>, vector<128x1xf32> -> vector<128x1xf32>
    %get3A_41 = arith.constant 0 : index
    %get3A_42 = arith.constant 0 : index
    %get3A_43 = vector.load %arg8[%get3A_41, %get3A_42] : memref<1x1xf32, #tpu.memory_space<vmem>>, vector<1x1xf32>
    %add3A_44 = vector.broadcast %get3A_43 : vector<1x1xf32> to vector<128x1xf32>
    %add3A_45 = arith.addf %dot_general3A_40, %add3A_44 : vector<128x1xf32>
    %swap3A = arith.constant 0 : index
    %swap3A_46 = arith.constant 0 : index
    %swap3A_47 = vector.load %arg9[%swap3A, %swap3A_46] : memref<128x1xf32, #tpu.memory_space<vmem>>, vector<128x1xf32>
    tpu.vector_store %arg9[%swap3A, %swap3A_46], %add3A_45 {strides = array<i32>} : memref<128x1xf32, #tpu.memory_space<vmem>>, vector<128x1xf32>,
    return
  }
  func.func @transform_0(%arg0: i32) -> i32 {
    %c0_i32 = arith.constant 0 : i32
    %c0_i32_0 = arith.constant 0 : i32
    return %c0_i32 : i32
  }
  func.func @transform_1(%arg0: i32) -> (i32, i32) {
    %c0_i32 = arith.constant 0 : i32
    %c0_i32_0 = arith.constant 0 : i32
    return %arg0, %c0_i32 : i32, i32
  }
  func.func @transform_2(%arg0: i32) -> (i32, i32, i32) {
    %c0_i32 = arith.constant 0 : i32
    %c0_i32_0 = arith.constant 0 : i32
    %c0_i32_1 = arith.constant 0 : i32
    %c0_i32_2 = arith.constant 0 : i32
    return %c0_i32, %c0_i32_0, %c0_i32_1 : i32, i32, i32
  }
  func.func @transform_3(%arg0: i32) -> (i32, i32, i32) {
    %c0_i32 = arith.constant 0 : i32
    %c0_i32_0 = arith.constant 0 : i32
    %c0_i32_1 = arith.constant 0 : i32
    %c0_i32_2 = arith.constant 0 : i32
    return %c0_i32, %c0_i32_0, %c0_i32_1 : i32, i32, i32
  }
  func.func @transform_4(%arg0: i32) -> (i32, i32, i32) {
    %c0_i32 = arith.constant 0 : i32
    %c0_i32_0 = arith.constant 0 : i32
    %c0_i32_1 = arith.constant 0 : i32
    %c0_i32_2 = arith.constant 0 : i32
    return %c0_i32, %c0_i32_0, %c0_i32_1 : i32, i32, i32
  }
  func.func @transform_5(%arg0: i32) -> (i32, i32, i32) {
    %c0_i32 = arith.constant 0 : i32
    %c0_i32_0 = arith.constant 0 : i32
    %c0_i32_1 = arith.constant 0 : i32
    %c0_i32_2 = arith.constant 0 : i32
    return %c0_i32, %c0_i32_0, %c0_i32_1 : i32, i32, i32
  }
  func.func @transform_6(%arg0: i32) -> (i32, i32) {
    %c0_i32 = arith.constant 0 : i32
    %c0_i32_0 = arith.constant 0 : i32
    %c0_i32_1 = arith.constant 0 : i32
    return %c0_i32, %c0_i32_0 : i32, i32
  }
  func.func @transform_7(%arg0: i32) -> (i32, i32) {
    %c0_i32 = arith.constant 0 : i32
    %c0_i32_0 = arith.constant 0 : i32
    %c0_i32_1 = arith.constant 0 : i32
    return %c0_i32, %c0_i32_0 : i32, i32
  }
  func.func @transform_8(%arg0: i32) -> (i32, i32) {
    %c0_i32 = arith.constant 0 : i32
    %c0_i32_0 = arith.constant 0 : i32
    return %arg0, %c0_i32 : i32, i32
  }
}

</mosaic_0001>

<sc_bundles>
// kernel: _moe_sparse.10.cloned.1.call-start
scs
__scs_entry_jumppad:
0x0: {  	(pc) =	sbr.rel $0x88, $3  }
0x1: {  	(tag) =	ssettag $0x0;
	lr =	simm.s32 $0x1  }
0x2: {  	[smem:$0x3F97] =	sst lr;
	_ =	strace $0xD0000000  }
0x3: {  	_ = 	snop  }
0x4: {  	_ = 	snop  }
0x5: {  	_ = 	snop  }
0x6: {  	_ = 	snop  }
0x7: {  	_ = 	snop  }
__scs_overlays_trampoline_lowered:
0x8: {  	[smem:$0x3FA6] =	sst s0  }
0x9: {  	[smem:$0x3FA7] =	sst s1  }
0xa: {  	[smem:$0x3FA8] =	sst s2  }
0xb: {  	[smem:$0x3FA9] =	sst s3  }
0xc: {  	[smem:$0x3FAA] =	sst s4  }
0xd: {  	[smem:$0x3FAB] =	sst s5  }
0xe: {  	[smem:$0x3FAC] =	sst s6  }
0xf: {  	[smem:$0x3FAD] =	sst s7  }
0x10: {  	[smem:$0x3FAE] =	sst s8  }
0x11: {  	[smem:$0x3FAF] =	sst s9;
	s0 =	simm.s32 @!p0 $0x0  }
0x12: {  	s1 =	sld [smem:$0x3F95];
	s0 =	simm.s32 @p0 $0x1  }
0x13: {  	[smem:$0x3FB0] =	sst s0;
	s0 =	simm.s32 @!p1 $0x0  }
0x14: {  	s2 =	sld [smem:$0x3F94];
	s0 =	simm.s32 @p1 $0x1  }
0x15: {  	[smem:$0x3FB1] =	sst s0;
	s0 =	simm.s32 @!p2 $0x0  }
0x16: {  	s3 =	sld [smem:$0x3FDB];
	s0 =	simm.s32 @p2 $0x1  }
0x17: {  	s4 =	simm.s32 $0x1BF5;
	[smem:$0x3FB3] =	sst s0  }
0x18: {  	s0 =	sld [smem:$0x3F96];
	_ =	swait.ge [sflag:s4], $0x0  }
0x19: {  	s7 =	sld [smem:$0x3F97]  }
0x1a: {  	s8 =	sadd.s32 $0xFFFFE003, lr  }
0x1b: {  	s9 =	sadd.s32 $0xFFFFFEF7, lr;
	s5 =	simm.s32 $0xFFFFFFFF;
	p2 =	slt.u32 s8, $0xFFFFF086  }
0x1c: {  	p1 =	slt.u32 s9, $0xF7A;
	s5 =	simm.s32 @!p2 $0x0  }
0x1d: {  	s5 =	simm.s32 @p1 $0x1;
	p0 =	seq.s32 s7, s2  }
0x1e: {  	s7 =	smul.u32 @!p0 $0xF7A, s2;
	p2 =	seq.s32 @!p0 s5, $0x0  }
0x1f: {  	s9 =	smul.u32 $0xF7A, s1;
	s8 =	simm.s32 @!p0 $0x1BF5;
	p2 =	por !p2, p0  }
0x20: {  	[sflag:s8] =	ssyncset.s32 @!p0 $0xFFFFF086;
	s6 =	sadd.s32 @!p0 s3, s7;
	s7 =	simm.s32 @!p0 $0x108  }
0x21: {  	s3 =	sadd.s32 s3, s9;
	s6 =	sadd.s32 @!p0 $0x88, s6;
	s7 =	simm.s32 @p2 $0x1082  }
0x22: {  	[simem:s7], [sflag:s8] =	dma.local @!p0 [hbm:s6], $0xF7A  }
0x23: {  	s9 =	sor.u32 $0xD0000000, s2;
	s6 =	simm.s32 $0x108;
	_ =	swait.ge @!p0 [sflag:s8], $0x0  }
0x24: {  	s3 =	sadd.s32 $0x88, s3;
	s6 =	simm.s32 @!p1 $0x1082;
	[sflag:s4] =	ssyncset.s32 $0xFFFFF086  }
0x25: {  	[simem:s6], [sflag:s4] =	dma.local [hbm:s3], $0xF7A  }
0x26: {  	[smem:$0x3F97] =	sst s1;
	(tag) =	ssettag s2;
	_ =	strace s9  }
0x27: {  	s1 =	sld [smem:$0x3FA7]  }
0x28: {  	s2 =	sld [smem:$0x3FA8]  }
0x29: {  	s4 =	sld [smem:$0x3FAA]  }
0x2a: {  	p0 =	seq.s32 s5, $0x0;
	s5 =	sld [smem:$0x3FAB]  }
0x2b: {  	s6 =	sld [smem:$0x3FAC]  }
0x2c: {  	s7 =	sld [smem:$0x3FAD]  }
0x2d: {  	s3 =	simm.s32 $0x108;
	s8 =	sld [smem:$0x3FAE]  }
0x2e: {  	s3 =	simm.s32 @!p0 $0x1082;
	s9 =	sld [smem:$0x3FAF]  }
0x2f: {  	lr =	sadd.s32 s0, s3;
	s0 =	sld [smem:$0x3FA6]  }
0x30: {  	s3 =	sld [smem:$0x3FA9]  }
0x31: {  	[smem:$0x3FB2] =	sst s10  }
0x32: {  	s10 =	sld [smem:$0x3FB0];
	_ =	sdelay $0x3  }
0x33: {  	p0 =	seq.s32 s10, $0x1;
	s10 =	sld [smem:$0x3FB2];
	_ =	sdelay $0x3  }
0x34: {  	[smem:$0x3FB2] =	sst s10  }
0x35: {  	s10 =	sld [smem:$0x3FB1];
	_ =	sdelay $0x3  }
0x36: {  	p1 =	seq.s32 s10, $0x1;
	s10 =	sld [smem:$0x3FB2];
	_ =	sdelay $0x3  }
0x37: {  	[smem:$0x3FB2] =	sst s10  }
0x38: {  	s10 =	sld [smem:$0x3FB3]  }
0x39: {  	_ = 	snop;
	(pc) =	sbr.ind lr, $3  }
0x3a: {  	_ = 	snop  }
0x3b: {  	_ = 	snop  }
0x3c: {  	p2 =	seq.s32 s10, $0x1;
	s10 =	sld [smem:$0x3FB2]  }
0x3d: {  	_ =	shalt  }
0x3e: {  	_ =	shalt  }
0x3f: {  	_ =	shalt  }
0x40: {  	_ =	shalt  }
0x41: {  	_ =	shalt  }
0x42: {  	_ =	shalt  }
0x43: {  	_ =	shalt  }
0x44: {  	_ =	shalt  }
0x45: {  	_ =	shalt  }
0x46: {  	_ =	shalt  }
0x47: {  	_ =	shalt  }
0x48: {  	_ =	shalt  }
0x49: {  	_ =	shalt  }
0x4a: {  	_ =	shalt  }
0x4b: {  	_ =	shalt  }
0x4c: {  	_ =	shalt  }
0x4d: {  	_ =	shalt  }
0x4e: {  	_ =	shalt  }
0x4f: {  	_ =	shalt  }
0x50: {  	_ =	shalt  }
0x51: {  	_ =	shalt  }
0x52: {  	_ =	shalt  }
0x53: {  	_ =	shalt  }
0x54: {  	_ =	shalt  }
0x55: {  	_ =	shalt  }
0x56: {  	_ =	shalt  }
0x57: {  	_ =	shalt  }
0x58: {  	_ =	shalt  }
0x59: {  	_ =	shalt  }
0x5a: {  	_ =	shalt  }
0x5b: {  	_ =	shalt  }
0x5c: {  	_ =	shalt  }
0x5d: {  	_ =	shalt  }
0x5e: {  	_ =	shalt  }
0x5f: {  	_ =	shalt  }
0x60: {  	_ =	shalt  }
0x61: {  	_ =	shalt  }
0x62: {  	_ =	shalt  }
0x63: {  	_ =	shalt  }
0x64: {  	_ =	shalt  }
0x65: {  	_ =	shalt  }
0x66: {  	_ =	shalt  }
0x67: {  	_ =	shalt  }
0x68: {  	_ =	shalt  }
0x69: {  	_ =	shalt  }
0x6a: {  	_ =	shalt  }
0x6b: {  	_ =	shalt  }
0x6c: {  	_ =	shalt  }
0x6d: {  	_ =	shalt  }
0x6e: {  	_ =	shalt  }
0x6f: {  	_ =	shalt  }
0x70: {  	_ =	shalt  }
0x71: {  	_ =	shalt  }
0x72: {  	_ =	shalt  }
0x73: {  	_ =	shalt  }
0x74: {  	_ =	shalt  }
0x75: {  	_ =	shalt  }
0x76: {  	_ =	shalt  }
0x77: {  	_ =	shalt  }
0x78: {  	_ =	shalt  }
0x79: {  	_ =	shalt  }
0x7a: {  	_ =	shalt  }
0x7b: {  	_ =	shalt  }
0x7c: {  	_ =	shalt  }
0x7d: {  	_ =	shalt  }
0x7e: {  	_ =	shalt  }
0x7f: {  	_ =	shalt  }
0x80: {  	_ =	shalt  }
0x81: {  	_ =	shalt  }
0x82: {  	_ =	shalt  }
0x83: {  	_ =	shalt  }
0x84: {  	_ =	shalt  }
0x85: {  	_ =	shalt  }
0x86: {  	_ =	shalt  }
0x87: {  	_ =	shalt  }
.Lfunc_end0:
.L_simem_size_0:
called_computation.1_lowered:
.L_overlay_start_0:
0x88: {  	s2 =	sld [smem:$0x3FD9]  }
0x89: {  	s3 =	sld [smem:$0x3FFE];
	_ =	sdelay $0x1  }
0x8a: {  	s1 =	srdreg.scid  }
0x8b: {  	s0 =	sand.u32 $0x1, s1  }
0x8c: {  	s16 =	sshll.u32 s0, $0xA;
	s2 =	sadd.s32 s3, s2  }
0x8d: {  	s2 =	sadd.s32 s2, s16  }
0x8e: {  	[smem:$0x3FBE] =	sst s2  }
0x8f: {  	_ = 	snop  }
0x90: {  	(tm) =	ssettm $0x1  }
0x91: {  	s17 =	sld [smem:$0x3FFB];
	_ =	sdelay $0x3  }
0x92: {  	_ =	strace s17  }
0x93: {  	s2 =	sld [smem:$0x3FFC];
	_ =	sdelay $0x3  }
0x94: {  	_ =	strace s2  }
0x95: {  	s2 =	sld [smem:$0x3FFD];
	_ =	sdelay $0x3  }
0x96: {  	_ =	strace s2  }
0x97: {  	_ =	strace $0x8FFFFFFF  }
0x98: {  	s18 =	sld [smem:$0x3FDB];
	_ =	sdelay $0x1  }
0x99: {  	s19 =	simm.s32 $_scs_section_size  }
0x9a: {  	s4 =	simm.s32 $_size__tile_overlayer_lowered;
	s5 =	simm.s32 $_tile_overlayer_lowered  }
0x9b: {  	s22 =	simm.s32 $0x1BFF;
	s21 =	sshll.u32 s5, $0x1;
	s2 =	sadd.s32 s19, s18  }
0x9c: {  	s6 =	simm.s32 $0x0;
	s20 =	sshll.u32 s4, $0x1;
	s4 =	sadd.s32 s21, s2  }
0x9d: {  	[timem:s6], [sflag:s22] =	dma.local [hbm:s4], s20  }
0x9e: {  	_ =	swait.ge [sflag:s22], s20  }
0x9f: {  	s3 =	ssub.s32 $0x0, s20;
	[sflag:s22] =	ssyncset.done $0x0  }
0xa0: {  	[sflag:s22] =	ssyncadd.s32 s3;
	_ =	sdelay $0x1  }
0xa1: {  	s23 =	simm.s32 $0x1B8B  }
0xa2: {  	_ =	swait.ge [sflag:s23], $0x1  }
0xa3: {  	[sflag:s23] =	ssyncset.done $0x0  }
0xa4: {  	s25 =	simm.s32 $0x1B8E;
	s24 =	sld [smem:$0x3FFE];
	[sflag:s23] =	ssyncadd.s32 $0xFFFFFFFF  }
0xa5: {  	s26 =	simm.s32 $execute0_lowered;
	[smem:$0x3FD2] =	sst s25  }
0xa6: {  	s4 =	sshll.u32 s26, $0x1;
	_ =	strace $0x80000049;
	[dreg:$0x1] =	wrdreg $0xFFFFFFFF  }
0xa7: {  	s28 =	simm.s32 $_size_execute0_lowered;
	s2 =	sadd.s32 s2, s4;
	[dreg:$0x0] =	wrdreg $0x0  }
0xa8: {  	s4 =	sshll.u32 s28, $0x1;
	[dreg:$0x2] =	wrdreg s2  }
0xa9: {  	[dreg:$0x3] =	wrdreg s4  }
0xaa: {  	[dreg:$0x4] =	wrdreg $0xC0  }
0xab: {  	_ =	task [dreg:s6], $0x5FFFF  }
0xac: {  	[dreg:$0x1] =	wrdreg $0xFFFFFFFF  }
0xad: {  	[dreg:$0x0] =	wrdreg $0x60  }
0xae: {  	[dreg:$0x2] =	wrdreg s24  }
0xaf: {  	[dreg:$0x3] =	wrdreg $0x9  }
0xb0: {  	_ =	task.clear_ibuf [dreg:s6], $0x4FFFF;
	_ =	strace $0x90000049  }
0xb1: {  	s29 =	simm.s32 $0x9;
	_ =	strace $0x8000004B  }
0xb2: {  	_ =	swait.ge [sflag:s29], $0x1  }
0xb3: {  	[sflag:s29] =	ssyncadd.s32 $0xFFFFFFFF  }
0xb4: {  	_ =	strace $0x9000004B  }
0xb5: {  	_ =	sfence  }
0xb6: {  	s30 =	sld [smem:$0x0];
	_ =	sdelay $0x2  }
0xb7: {  	s31 =	sshll.u32 s1, $0xD;
	s1 =	sshrl.u32 s1, $0x2  }
0xb8: {  	s3 =	sand.u32 $0x4000, s31;
	s1 =	sadd.s32 s1, s30  }
0xb9: {  	s0 =	sor.u32 s3, s0;
	s1 =	sshll.u32 s1, $0x11  }
0xba: {  	s0 =	sor.u32 s1, s0  }
0xbb: {  	s0 =	sadd.s32 $0x8F2B, s0  }
0xbc: {  	[sflag:s0] =	ssyncadd.remote.s32 $0x1  }
0xbd: {  	_ =	sfence.sel $0xFFFF  }
0xbe: {  	[dreg:$0x0] =	wrdreg $0xFFFFFFFF;
	(pc) =	sbr.abs _section_cstart, $3  }
0xbf: {  	[dreg:$0x1] =	wrdreg $0xFFFFFFFF  }
0xc0: {  	_ =	task.clear_ibuf [dreg:s6], $0x2FFFF;
	_ =	strace $0x9FFFFFFF  }
0xc1: {  	(tm) =	ssettm $0x7FFFFFFF  }
tec
execute0_lowered:
.L_overlay_start_1:
0x0: {  	(tag) =	ssettag $0x1  }
0x1: {  	s0 =	srdreg.scid;
	s2 =	stileid.u32  }
0x2: {  	s5 =	rddreg [dreg:$0x0];
	s8 =	simm.s32 $0x14000;
	s11 =	simm.s32 $0x1000  }
0x3: {  	s12 =	simm.s32 $0x1400;
	s13 =	simm.s32 $0x1C00;
	s14 =	simm.s32 $0x2400  }
0x4: {  	s15 =	simm.s32 $0x2800;
	s16 =	simm.s32 $0x3000;
	s17 =	simm.s32 $0x3800  }
0x5: {  	s18 =	simm.s32 $0x3C00;
	s19 =	simm.s32 $0x4400;
	s20 =	simm.s32 $0x4C00  }
0x6: {  	s21 =	simm.s32 $0x5000;
	s22 =	simm.s32 $0x5800;
	s23 =	simm.s32 $0x6000  }
0x7: {  	s24 =	simm.s32 $0x6400;
	s25 =	simm.s32 $0x6C00;
	s26 =	simm.s32 $0x7400  }
0x8: {  	s28 =	simm.s32 $0x7800;
	s29 =	simm.s32 $0x8000;
	s30 =	simm.s32 $0x8800  }
0x9: {  	v18 =	vlaneseq.u32;
	vm0 =	vmmov $0xffff;
	s31 =	simm.s32 $0x8C00;
	s9 =	simm.s32 $0xA000;
	s0 =	sand.u32 $0x1, s0  }
0xa: {  	vm1 =	vmmov $0xff;
	s7 =	simm.s32 $0xA800;
	v0 =	vmul.u32 $0x2, v18;
	v17 =	vshrl.u32 v18, $0x3;
	s1 =	sshll.u32 s0, $0x4;
	s0 =	ssub.s32 $0x2, s0  }
0xb: {  	v16 =	vand.u32 $0x7, v18;
	v18 =	vor.u32 $0x8, v18;
	v17 =	vmul.u32 $0x8, v17;
	s1 =	sor.u32 s2, s1;
	s2 =	simm.s32 $0x0;
	s4 =	sshrl.u32 s0, $0x1  }
0xc: {  	v1 =	vor.u32 $0x1, v0;
	v2 =	vor.u32 $0x20, v0;
	v3 =	vor.u32 $0x21, v0;
	s3 =	smul.u32 $0x2800, s1;
	[smem:$0x7FF] =	sst s2;
	s1 =	sshll.u32 s1, $0x5  }
0xd: {  	v4 =	vor.u32 $0x40, v0;
	v5 =	vor.u32 $0x41, v0;
	v6 =	vor.u32 $0x60, v0;
	s0 =	ssub.s32 s0, s4;
	s4 =	sadd.s32 $0x53900, s5;
	s1 =	sadd.s32 s1, s5  }
0xe: {  	v7 =	vor.u32 $0x61, v0;
	v8 =	vor.u32 $0x80, v0;
	v9 =	vor.u32 $0x81, v0;
	_ =	strace $0x8000004A;
	s3 =	sadd.s32 s3, s5;
	s1 =	sadd.s32 $0x53400, s1  }
0xf: {  	v10 =	vor.u32 $0xA0, v0;
	v11 =	vor.u32 $0xA1, v0;
	v12 =	vor.u32 $0xC0, v0;
	s6 =	smax.u32 s0, $0x1;
	s3 =	sadd.s32 $0x2E00, s3;
	[dreg:$0x3] =	wrdreg s1  }
0x10: {  	v13 =	vor.u32 $0xC1, v0;
	v14 =	vor.u32 $0xE0, v0;
	v15 =	vor.u32 $0xE1, v0;
	[dreg:$0x2] =	wrdreg s3;
	s3 =	sadd.s32 $0x53800, s5;
	s5 =	sadd.s32 $0x53A00, s5  }
.LBB2_1:
0x11: {  	s10 =	rddreg [dreg:$0x2];
	s0 =	simm.s32 $0x3  }
0x12: {  	[tilespmem:s2], [sflag:$0x3] =	stream.linear.gather [hbm4b:s10+s2], $0x14000, $0x38;
	[tilespmem:$0x14200] =	vst v63  }
0x13: {  	_ =	swait.ge [sflag:s0], $0x14000  }
0x14: {  	[sflag:s0] =	ssyncset.done $0x0  }
0x15: {  	s1 =	rddreg [dreg:$0x3];
	[sflag:s0] =	ssyncadd.s32 $0xFFFEC000  }
0x16: {  	[tilespmem:s8], [sflag:$0x3] =	stream.linear.gather [hbm4b:s1+s2], $0x100, $0x38;
	[tilespmem:$0x14200] =	vst v63  }
0x17: {  	_ =	swait.ge [sflag:s0], $0x100  }
0x18: {  	[sflag:s0] =	ssyncset.done $0x0  }
0x19: {  	[sflag:s0] =	ssyncadd.s32 $0xFFFFFF00  }
0x1a: {  	v19 =	vld.idx.msk [tilespmem:v0+s8+$0x0], $0xffff;
	_ =	sdelay $0x4  }
0x1b: {  	[tilespmem:$0x14100] =	vst v19  }
0x1c: {  	v19 =	vld.idx.msk [tilespmem:v1+s8+$0x0], $0xffff;
	_ =	sdelay $0x4  }
0x1d: {  	[tilespmem:$0x14180] =	vst v19  }
0x1e: {  	v19 =	vld.idx.msk [tilespmem:v2+s8+$0x0], $0xffff;
	_ =	sdelay $0x4  }
0x1f: {  	[tilespmem:$0x14110] =	vst v19  }
0x20: {  	v19 =	vld.idx.msk [tilespmem:v3+s8+$0x0], $0xffff;
	_ =	sdelay $0x4  }
0x21: {  	[tilespmem:$0x14190] =	vst v19  }
0x22: {  	v19 =	vld.idx.msk [tilespmem:v4+s8+$0x0], $0xffff;
	_ =	sdelay $0x4  }
0x23: {  	[tilespmem:$0x14120] =	vst v19  }
0x24: {  	v19 =	vld.idx.msk [tilespmem:v5+s8+$0x0], $0xffff;
	_ =	sdelay $0x4  }
0x25: {  	[tilespmem:$0x141A0] =	vst v19  }
0x26: {  	v19 =	vld.idx.msk [tilespmem:v6+s8+$0x0], $0xffff;
	_ =	sdelay $0x4  }
0x27: {  	[tilespmem:$0x14130] =	vst v19  }
0x28: {  	v19 =	vld.idx.msk [tilespmem:v7+s8+$0x0], $0xffff;
	_ =	sdelay $0x4  }
0x29: {  	[tilespmem:$0x141B0] =	vst v19  }
0x2a: {  	v19 =	vld.idx.msk [tilespmem:v8+s8+$0x0], $0xffff;
	_ =	sdelay $0x4  }
0x2b: {  	[tilespmem:$0x14140] =	vst v19  }
0x2c: {  	v19 =	vld.idx.msk [tilespmem:v9+s8+$0x0], $0xffff;
	_ =	sdelay $0x4  }
0x2d: {  	[tilespmem:$0x141C0] =	vst v19  }
0x2e: {  	v19 =	vld.idx.msk [tilespmem:v10+s8+$0x0], $0xffff;
	_ =	sdelay $0x4  }
0x2f: {  	[tilespmem:$0x14150] =	vst v19  }
0x30: {  	v19 =	vld.idx.msk [tilespmem:v11+s8+$0x0], $0xffff;
	_ =	sdelay $0x4  }
0x31: {  	[tilespmem:$0x141D0] =	vst v19  }
0x32: {  	v19 =	vld.idx.msk [tilespmem:v12+s8+$0x0], $0xffff;
	_ =	sdelay $0x4  }
0x33: {  	[tilespmem:$0x14160] =	vst v19  }
0x34: {  	v19 =	vld.idx.msk [tilespmem:v13+s8+$0x0], $0xffff;
	_ =	sdelay $0x1  }
0x35: {  	v20 =	vld [tilespmem:$0x14100];
	_ =	sdelay $0x2  }
0x36: {  	[tilespmem:$0x141E0] =	vst v19  }
0x37: {  	v19 =	vld.idx.msk [tilespmem:v14+s8+$0x0], $0xffff  }
0x38: {  	v21 =	vshrl.u32 v20, $0x3  }
0x39: {  	v21 =	vmul.u32 $0x28, v21  }
0x3a: {  	v20 =	vand.u32 $0x7, v20  }
0x3b: {  	v20 =	vor.u32 v20, v21  }
0x3c: {  	[tilespmem:$0x14170] =	vst v19;
	v19 =	vperm.xlane v20, v16  }
0x3d: {  	v63 =	vld.idx.msk [tilespmem:v15+s8+$0x0], $0xffff  }
0x3e: {  	v19 =	vadd.s32 v17, v19;
	_ =	sdelay $0x3  }
0x3f: {  	v20 =	vperm.xlane v20, v18;
	[tilespmem:$0x141F0] =	vst v63  }
0x40: {  	[hbm4b:s3+s2] =	stream.indirect_vreg.scatter [tilespmem:s2], [sflag:$0x1], $0x80, v19, vm0, $0xb8;
	[tilespmem:$0x14200] =	vst v63  }
0x41: {  	s10 =	simm.s32 $0x800;
	v20 =	vadd.s32 v17, v20  }
0x42: {  	[hbm4b:s4+s2] =	stream.indirect_vreg.scatter [tilespmem:s10], [sflag:$0x1], $0x80, v19, vm0, $0xb8;
	[tilespmem:$0x14200] =	vst v63  }
0x43: {  	_ = 	snop  }
0x44: {  	[hbm4b:s5+s2] =	stream.indirect_vreg.scatter [tilespmem:s11], [sflag:$0x1], $0x80, v19, vm1, $0xb8;
	[tilespmem:$0x14200] =	vst v63  }
0x45: {  	_ = 	snop  }
0x46: {  	[hbm4b:s3+s2] =	stream.indirect_vreg.scatter [tilespmem:s12], [sflag:$0x1], $0x80, v20, vm0, $0xb8;
	[tilespmem:$0x14200] =	vst v63  }
0x47: {  	_ = 	snop  }
0x48: {  	[hbm4b:s4+s2] =	stream.indirect_vreg.scatter [tilespmem:s13], [sflag:$0x1], $0x80, v20, vm0, $0xb8;
	[tilespmem:$0x14200] =	vst v63  }
0x49: {  	_ = 	snop  }
0x4a: {  	[hbm4b:s5+s2] =	stream.indirect_vreg.scatter [tilespmem:s14], [sflag:$0x1], $0x80, v20, vm1, $0xb8;
	[tilespmem:$0x14200] =	vst v63  }
0x4b: {  	v19 =	vld [tilespmem:$0x14110];
	_ =	sdelay $0x4  }
0x4c: {  	v20 =	vshrl.u32 v19, $0x3  }
0x4d: {  	v20 =	vmul.u32 $0x28, v20  }
0x4e: {  	v19 =	vand.u32 $0x7, v19  }
0x4f: {  	v19 =	vor.u32 v19, v20  }
0x50: {  	v20 =	vperm.xlane v19, v16;
	_ =	sdelay $0x1  }
0x51: {  	v20 =	vadd.s32 v17, v20;
	_ =	sdelay $0x3  }
0x52: {  	v19 =	vperm.xlane v19, v18  }
0x53: {  	[hbm4b:s3+s2] =	stream.indirect_vreg.scatter [tilespmem:s15], [sflag:$0x1], $0x80, v20, vm0, $0xb8;
	[tilespmem:$0x14200] =	vst v63  }
0x54: {  	v19 =	vadd.s32 v17, v19  }
0x55: {  	[hbm4b:s4+s2] =	stream.indirect_vreg.scatter [tilespmem:s16], [sflag:$0x1], $0x80, v20, vm0, $0xb8;
	[tilespmem:$0x14200] =	vst v63  }
0x56: {  	_ = 	snop  }
0x57: {  	[hbm4b:s5+s2] =	stream.indirect_vreg.scatter [tilespmem:s17], [sflag:$0x1], $0x80, v20, vm1, $0xb8;
	[tilespmem:$0x14200] =	vst v63  }
0x58: {  	_ = 	snop  }
0x59: {  	[hbm4b:s3+s2] =	stream.indirect_vreg.scatter [tilespmem:s18], [sflag:$0x1], $0x80, v19, vm0, $0xb8;
	[tilespmem:$0x14200] =	vst v63  }
0x5a: {  	_ = 	snop  }
0x5b: {  	[hbm4b:s4+s2] =	stream.indirect_vreg.scatter [tilespmem:s19], [sflag:$0x1], $0x80, v19, vm0, $0xb8;
	[tilespmem:$0x14200] =	vst v63  }
0x5c: {  	_ = 	snop  }
0x5d: {  	[hbm4b:s5+s2] =	stream.indirect_vreg.scatter [tilespmem:s20], [sflag:$0x1], $0x80, v19, vm1, $0xb8;
	[tilespmem:$0x14200] =	vst v63  }
0x5e: {  	v19 =	vld [tilespmem:$0x14120];
	_ =	sdelay $0x4  }
0x5f: {  	v20 =	vshrl.u32 v19, $0x3  }
0x60: {  	v20 =	vmul.u32 $0x28, v20  }
0x61: {  	v19 =	vand.u32 $0x7, v19  }
0x62: {  	v19 =	vor.u32 v19, v20  }
0x63: {  	v20 =	vperm.xlane v19, v16;
	_ =	sdelay $0x1  }
0x64: {  	v20 =	vadd.s32 v17, v20;
	_ =	sdelay $0x3  }
0x65: {  	v19 =	vperm.xlane v19, v18  }
0x66: {  	[hbm4b:s3+s2] =	stream.indirect_vreg.scatter [tilespmem:s21], [sflag:$0x1], $0x80, v20, vm0, $0xb8;
	[tilespmem:$0x14200] =	vst v63  }
0x67: {  	v19 =	vadd.s32 v17, v19  }
0x68: {  	[hbm4b:s4+s2] =	stream.indirect_vreg.scatter [tilespmem:s22], [sflag:$0x1], $0x80, v20, vm0, $0xb8;
	[tilespmem:$0x14200] =	vst v63  }
0x69: {  	_ = 	snop  }
0x6a: {  	[hbm4b:s5+s2] =	stream.indirect_vreg.scatter [tilespmem:s23], [sflag:$0x1], $0x80, v20, vm1, $0xb8;
	[tilespmem:$0x14200] =	vst v63  }
0x6b: {  	_ = 	snop  }
0x6c: {  	[hbm4b:s3+s2] =	stream.indirect_vreg.scatter [tilespmem:s24], [sflag:$0x1], $0x80, v19, vm0, $0xb8;
	[tilespmem:$0x14200] =	vst v63  }
0x6d: {  	_ = 	snop  }
0x6e: {  	[hbm4b:s4+s2] =	stream.indirect_vreg.scatter [tilespmem:s25], [sflag:$0x1], $0x80, v19, vm0, $0xb8;
	[tilespmem:$0x14200] =	vst v63  }
0x6f: {  	_ = 	snop  }
0x70: {  	[hbm4b:s5+s2] =	stream.indirect_vreg.scatter [tilespmem:s26], [sflag:$0x1], $0x80, v19, vm1, $0xb8;
	[tilespmem:$0x14200] =	vst v63  }
0x71: {  	v19 =	vld [tilespmem:$0x14130];
	_ =	sdelay $0x4  }
0x72: {  	v20 =	vshrl.u32 v19, $0x3  }
0x73: {  	v20 =	vmul.u32 $0x28, v20  }
0x74: {  	v19 =	vand.u32 $0x7, v19  }
0x75: {  	v19 =	vor.u32 v19, v20  }
0x76: {  	v20 =	vperm.xlane v19, v16;
	_ =	sdelay $0x1  }
0x77: {  	v20 =	vadd.s32 v17, v20;
	_ =	sdelay $0x3  }
0x78: {  	v19 =	vperm.xlane v19, v18  }
0x79: {  	[hbm4b:s3+s2] =	stream.indirect_vreg.scatter [tilespmem:s28], [sflag:$0x1], $0x80, v20, vm0, $0xb8;
	[tilespmem:$0x14200] =	vst v63  }
0x7a: {  	v19 =	vadd.s32 v17, v19  }
0x7b: {  	[hbm4b:s4+s2] =	stream.indirect_vreg.scatter [tilespmem:s29], [sflag:$0x1], $0x80, v20, vm0, $0xb8;
	[tilespmem:$0x14200] =	vst v63  }
0x7c: {  	_ = 	snop  }
0x7d: {  	[hbm4b:s5+s2] =	stream.indirect_vreg.scatter [tilespmem:s30], [sflag:$0x1], $0x80, v20, vm1, $0xb8;
	[tilespmem:$0x14200] =	vst v63  }
0x7e: {  	_ = 	snop  }
0x7f: {  	[hbm4b:s3+s2] =	stream.indirect_vreg.scatter [tilespmem:s31], [sflag:$0x1], $0x80, v19, vm0, $0xb8;
	[tilespmem:$0x14200] =	vst v63  }
0x80: {  	s1 =	simm.s32 $0x9400  }
0x81: {  	[hbm4b:s4+s2] =	stream.indirect_vreg.scatter [tilespmem:s1], [sflag:$0x1], $0x80, v19, vm0, $0xb8;
	[tilespmem:$0x14200] =	vst v63  }
0x82: {  	s0 =	simm.s32 $0x9C00  }
0x83: {  	[hbm4b:s5+s2] =	stream.indirect_vreg.scatter [tilespmem:s0], [sflag:$0x1], $0x80, v19, vm1, $0xb8;
	[tilespmem:$0x14200] =	vst v63  }
0x84: {  	v19 =	vld [tilespmem:$0x14140];
	_ =	sdelay $0x4  }
0x85: {  	v20 =	vshrl.u32 v19, $0x3  }
0x86: {  	v20 =	vmul.u32 $0x28, v20  }
0x87: {  	v19 =	vand.u32 $0x7, v19  }
0x88: {  	v19 =	vor.u32 v19, v20  }
0x89: {  	v20 =	vperm.xlane v19, v16;
	_ =	sdelay $0x1  }
0x8a: {  	v20 =	vadd.s32 v17, v20;
	_ =	sdelay $0x3  }
0x8b: {  	v19 =	vperm.xlane v19, v18  }
0x8c: {  	[hbm4b:s3+s2] =	stream.indirect_vreg.scatter [tilespmem:s9], [sflag:$0x1], $0x80, v20, vm0, $0xb8;
	[tilespmem:$0x14200] =	vst v63  }
0x8d: {  	v19 =	vadd.s32 v17, v19  }
0x8e: {  	[hbm4b:s4+s2] =	stream.indirect_vreg.scatter [tilespmem:s7], [sflag:$0x1], $0x80, v20, vm0, $0xb8;
	[tilespmem:$0x14200] =	vst v63  }
0x8f: {  	s0 =	simm.s32 $0xB000  }
0x90: {  	[hbm4b:s5+s2] =	stream.indirect_vreg.scatter [tilespmem:s0], [sflag:$0x1], $0x80, v20, vm1, $0xb8;
	[tilespmem:$0x14200] =	vst v63  }
0x91: {  	s0 =	simm.s32 $0xB400  }
0x92: {  	[hbm4b:s3+s2] =	stream.indirect_vreg.scatter [tilespmem:s0], [sflag:$0x1], $0x80, v19, vm0, $0xb8;
	[tilespmem:$0x14200] =	vst v63  }
0x93: {  	s0 =	simm.s32 $0xBC00  }
0x94: {  	[hbm4b:s4+s2] =	stream.indirect_vreg.scatter [tilespmem:s0], [sflag:$0x1], $0x80, v19, vm0, $0xb8;
	[tilespmem:$0x14200] =	vst v63  }
0x95: {  	s0 =	simm.s32 $0xC400  }
0x96: {  	[hbm4b:s5+s2] =	stream.indirect_vreg.scatter [tilespmem:s0], [sflag:$0x1], $0x80, v19, vm1, $0xb8;
	[tilespmem:$0x14200] =	vst v63  }
0x97: {  	v19 =	vld [tilespmem:$0x14150];
	_ =	sdelay $0x4  }
0x98: {  	v20 =	vshrl.u32 v19, $0x3  }
0x99: {  	v20 =	vmul.u32 $0x28, v20  }
0x9a: {  	v19 =	vand.u32 $0x7, v19  }
0x9b: {  	v19 =	vor.u32 v19, v20  }
0x9c: {  	v20 =	vperm.xlane v19, v16;
	_ =	sdelay $0x1  }
0x9d: {  	v20 =	vadd.s32 v17, v20;
	_ =	sdelay $0x3  }
0x9e: {  	s0 =	simm.s32 $0xC800;
	v19 =	vperm.xlane v19, v18  }
0x9f: {  	[hbm4b:s3+s2] =	stream.indirect_vreg.scatter [tilespmem:s0], [sflag:$0x1], $0x80, v20, vm0, $0xb8;
	[tilespmem:$0x14200] =	vst v63  }
0xa0: {  	v19 =	vadd.s32 v17, v19;
	s0 =	simm.s32 $0xD000  }
0xa1: {  	[hbm4b:s4+s2] =	stream.indirect_vreg.scatter [tilespmem:s0], [sflag:$0x1], $0x80, v20, vm0, $0xb8;
	[tilespmem:$0x14200] =	vst v63  }
0xa2: {  	s0 =	simm.s32 $0xD800  }
0xa3: {  	[hbm4b:s5+s2] =	stream.indirect_vreg.scatter [tilespmem:s0], [sflag:$0x1], $0x80, v20, vm1, $0xb8;
	[tilespmem:$0x14200] =	vst v63  }
0xa4: {  	s0 =	simm.s32 $0xDC00  }
0xa5: {  	[hbm4b:s3+s2] =	stream.indirect_vreg.scatter [tilespmem:s0], [sflag:$0x1], $0x80, v19, vm0, $0xb8;
	[tilespmem:$0x14200] =	vst v63  }
0xa6: {  	s0 =	simm.s32 $0xE400  }
0xa7: {  	[hbm4b:s4+s2] =	stream.indirect_vreg.scatter [tilespmem:s0], [sflag:$0x1], $0x80, v19, vm0, $0xb8;
	[tilespmem:$0x14200] =	vst v63  }
0xa8: {  	s0 =	simm.s32 $0xEC00  }
0xa9: {  	[hbm4b:s5+s2] =	stream.indirect_vreg.scatter [tilespmem:s0], [sflag:$0x1], $0x80, v19, vm1, $0xb8;
	[tilespmem:$0x14200] =	vst v63  }
0xaa: {  	v19 =	vld [tilespmem:$0x14160];
	_ =	sdelay $0x4  }
0xab: {  	v20 =	vshrl.u32 v19, $0x3  }
0xac: {  	v20 =	vmul.u32 $0x28, v20  }
0xad: {  	v19 =	vand.u32 $0x7, v19  }
0xae: {  	v19 =	vor.u32 v19, v20  }
0xaf: {  	v20 =	vperm.xlane v19, v16;
	_ =	sdelay $0x1  }
0xb0: {  	v20 =	vadd.s32 v17, v20;
	_ =	sdelay $0x3  }
0xb1: {  	s0 =	simm.s32 $0xF000;
	v19 =	vperm.xlane v19, v18  }
0xb2: {  	[hbm4b:s3+s2] =	stream.indirect_vreg.scatter [tilespmem:s0], [sflag:$0x1], $0x80, v20, vm0, $0xb8;
	[tilespmem:$0x14200] =	vst v63  }
0xb3: {  	v19 =	vadd.s32 v17, v19;
	s0 =	simm.s32 $0xF800  }
0xb4: {  	[hbm4b:s4+s2] =	stream.indirect_vreg.scatter [tilespmem:s0], [sflag:$0x1], $0x80, v20, vm0, $0xb8;
	[tilespmem:$0x14200] =	vst v63  }
0xb5: {  	s0 =	simm.s32 $0x10000  }
0xb6: {  	[hbm4b:s5+s2] =	stream.indirect_vreg.scatter [tilespmem:s0], [sflag:$0x1], $0x80, v20, vm1, $0xb8;
	[tilespmem:$0x14200] =	vst v63  }
0xb7: {  	s0 =	simm.s32 $0x10400  }
0xb8: {  	[hbm4b:s3+s2] =	stream.indirect_vreg.scatter [tilespmem:s0], [sflag:$0x1], $0x80, v19, vm0, $0xb8;
	[tilespmem:$0x14200] =	vst v63  }
0xb9: {  	s0 =	simm.s32 $0x10C00  }
0xba: {  	[hbm4b:s4+s2] =	stream.indirect_vreg.scatter [tilespmem:s0], [sflag:$0x1], $0x80, v19, vm0, $0xb8;
	[tilespmem:$0x14200] =	vst v63  }
0xbb: {  	s0 =	simm.s32 $0x11400  }
0xbc: {  	[hbm4b:s5+s2] =	stream.indirect_vreg.scatter [tilespmem:s0], [sflag:$0x1], $0x80, v19, vm1, $0xb8;
	[tilespmem:$0x14200] =	vst v63  }
0xbd: {  	v19 =	vld [tilespmem:$0x14170];
	_ =	sdelay $0x4  }
0xbe: {  	v20 =	vshrl.u32 v19, $0x3  }
0xbf: {  	v20 =	vmul.u32 $0x28, v20  }
0xc0: {  	v19 =	vand.u32 $0x7, v19  }
0xc1: {  	v19 =	vor.u32 v19, v20  }
0xc2: {  	v20 =	vperm.xlane v19, v16;
	_ =	sdelay $0x1  }
0xc3: {  	v20 =	vadd.s32 v17, v20;
	_ =	sdelay $0x3  }
0xc4: {  	s0 =	simm.s32 $0x11800;
	v19 =	vperm.xlane v19, v18  }
0xc5: {  	[hbm4b:s3+s2] =	stream.indirect_vreg.scatter [tilespmem:s0], [sflag:$0x1], $0x80, v20, vm0, $0xb8;
	[tilespmem:$0x14200] =	vst v63  }
0xc6: {  	v19 =	vadd.s32 v17, v19;
	s0 =	simm.s32 $0x12000  }
0xc7: {  	[hbm4b:s4+s2] =	stream.indirect_vreg.scatter [tilespmem:s0], [sflag:$0x1], $0x80, v20, vm0, $0xb8;
	[tilespmem:$0x14200] =	vst v63  }
0xc8: {  	s0 =	simm.s32 $0x12800  }
0xc9: {  	[hbm4b:s5+s2] =	stream.indirect_vreg.scatter [tilespmem:s0], [sflag:$0x1], $0x80, v20, vm1, $0xb8;
	[tilespmem:$0x14200] =	vst v63  }
0xca: {  	s0 =	simm.s32 $0x12C00  }
0xcb: {  	[hbm4b:s3+s2] =	stream.indirect_vreg.scatter [tilespmem:s0], [sflag:$0x1], $0x80, v19, vm0, $0xb8;
	[tilespmem:$0x14200] =	vst v63  }
0xcc: {  	s0 =	simm.s32 $0x13400  }
0xcd: {  	[hbm4b:s4+s2] =	stream.indirect_vreg.scatter [tilespmem:s0], [sflag:$0x1], $0x80, v19, vm0, $0xb8;
	[tilespmem:$0x14200] =	vst v63  }
0xce: {  	s0 =	simm.s32 $0x13C00  }
0xcf: {  	[hbm4b:s5+s2] =	stream.indirect_vreg.scatter [tilespmem:s0], [sflag:$0x1], $0x80, v19, vm1, $0xb8;
	[tilespmem:$0x14200] =	vst v63  }
0xd0: {  	v19 =	vld [tilespmem:$0x14180];
	_ =	sdelay $0x4  }
0xd1: {  	v20 =	vshrl.u32 v19, $0x3  }
0xd2: {  	v20 =	vmul.u32 $0x28, v20  }
0xd3: {  	v19 =	vand.u32 $0x7, v19  }
0xd4: {  	v19 =	vor.u32 v19, v20  }
0xd5: {  	v20 =	vperm.xlane v19, v16;
	_ =	sdelay $0x1  }
0xd6: {  	v20 =	vadd.s32 v17, v20;
	_ =	sdelay $0x3  }
0xd7: {  	v19 =	vperm.xlane v19, v18  }
0xd8: {  	[hbm4b:s3+s2] =	stream.indirect_vreg.scatter [tilespmem:s2], [sflag:$0x2], $0x80, v20, vm0, $0xb8;
	[tilespmem:$0x14200] =	vst v63  }
0xd9: {  	v19 =	vadd.s32 v17, v19  }
0xda: {  	[hbm4b:s4+s2] =	stream.indirect_vreg.scatter [tilespmem:s10], [sflag:$0x2], $0x80, v20, vm0, $0xb8;
	[tilespmem:$0x14200] =	vst v63  }
0xdb: {  	_ = 	snop  }
0xdc: {  	[hbm4b:s5+s2] =	stream.indirect_vreg.scatter [tilespmem:s11], [sflag:$0x2], $0x80, v20, vm1, $0xb8;
	[tilespmem:$0x14200] =	vst v63  }
0xdd: {  	_ = 	snop  }
0xde: {  	[hbm4b:s3+s2] =	stream.indirect_vreg.scatter [tilespmem:s12], [sflag:$0x2], $0x80, v19, vm0, $0xb8;
	[tilespmem:$0x14200] =	vst v63  }
0xdf: {  	_ = 	snop  }
0xe0: {  	[hbm4b:s4+s2] =	stream.indirect_vreg.scatter [tilespmem:s13], [sflag:$0x2], $0x80, v19, vm0, $0xb8;
	[tilespmem:$0x14200] =	vst v63  }
0xe1: {  	_ = 	snop  }
0xe2: {  	[hbm4b:s5+s2] =	stream.indirect_vreg.scatter [tilespmem:s14], [sflag:$0x2], $0x80, v19, vm1, $0xb8;
	[tilespmem:$0x14200] =	vst v63  }
0xe3: {  	v19 =	vld [tilespmem:$0x14190];
	_ =	sdelay $0x4  }
0xe4: {  	v20 =	vshrl.u32 v19, $0x3  }
0xe5: {  	v20 =	vmul.u32 $0x28, v20  }
0xe6: {  	v19 =	vand.u32 $0x7, v19  }
0xe7: {  	v19 =	vor.u32 v19, v20  }
0xe8: {  	v20 =	vperm.xlane v19, v16;
	_ =	sdelay $0x1  }
0xe9: {  	v20 =	vadd.s32 v17, v20;
	_ =	sdelay $0x3  }
0xea: {  	v19 =	vperm.xlane v19, v18  }
0xeb: {  	[hbm4b:s3+s2] =	stream.indirect_vreg.scatter [tilespmem:s15], [sflag:$0x2], $0x80, v20, vm0, $0xb8;
	[tilespmem:$0x14200] =	vst v63  }
0xec: {  	v19 =	vadd.s32 v17, v19  }
0xed: {  	[hbm4b:s4+s2] =	stream.indirect_vreg.scatter [tilespmem:s16], [sflag:$0x2], $0x80, v20, vm0, $0xb8;
	[tilespmem:$0x14200] =	vst v63  }
0xee: {  	_ = 	snop  }
0xef: {  	[hbm4b:s5+s2] =	stream.indirect_vreg.scatter [tilespmem:s17], [sflag:$0x2], $0x80, v20, vm1, $0xb8;
	[tilespmem:$0x14200] =	vst v63  }
0xf0: {  	_ = 	snop  }
0xf1: {  	[hbm4b:s3+s2] =	stream.indirect_vreg.scatter [tilespmem:s18], [sflag:$0x2], $0x80, v19, vm0, $0xb8;
	[tilespmem:$0x14200] =	vst v63  }
0xf2: {  	_ = 	snop  }
0xf3: {  	[hbm4b:s4+s2] =	stream.indirect_vreg.scatter [tilespmem:s19], [sflag:$0x2], $0x80, v19, vm0, $0xb8;
	[tilespmem:$0x14200] =	vst v63  }
0xf4: {  	_ = 	snop  }
0xf5: {  	[hbm4b:s5+s2] =	stream.indirect_vreg.scatter [tilespmem:s20], [sflag:$0x2], $0x80, v19, vm1, $0xb8;
	[tilespmem:$0x14200] =	vst v63  }
0xf6: {  	v19 =	vld [tilespmem:$0x141A0];
	_ =	sdelay $0x4  }
0xf7: {  	v20 =	vshrl.u32 v19, $0x3  }
0xf8: {  	v20 =	vmul.u32 $0x28, v20  }
0xf9: {  	v19 =	vand.u32 $0x7, v19  }
0xfa: {  	v19 =	vor.u32 v19, v20  }
0xfb: {  	v20 =	vperm.xlane v19, v16;
	_ =	sdelay $0x1  }
0xfc: {  	v20 =	vadd.s32 v17, v20;
	_ =	sdelay $0x3  }
0xfd: {  	v19 =	vperm.xlane v19, v18  }
0xfe: {  	[hbm4b:s3+s2] =	stream.indirect_vreg.scatter [tilespmem:s21], [sflag:$0x2], $0x80, v20, vm0, $0xb8;
	[tilespmem:$0x14200] =	vst v63  }
0xff: {  	v19 =	vadd.s32 v17, v19  }
0x100: {  	[hbm4b:s4+s2] =	stream.indirect_vreg.scatter [tilespmem:s22], [sflag:$0x2], $0x80, v20, vm0, $0xb8;
	[tilespmem:$0x14200] =	vst v63  }
0x101: {  	_ = 	snop  }
0x102: {  	[hbm4b:s5+s2] =	stream.indirect_vreg.scatter [tilespmem:s23], [sflag:$0x2], $0x80, v20, vm1, $0xb8;
	[tilespmem:$0x14200] =	vst v63  }
0x103: {  	_ = 	snop  }
0x104: {  	[hbm4b:s3+s2] =	stream.indirect_vreg.scatter [tilespmem:s24], [sflag:$0x2], $0x80, v19, vm0, $0xb8;
	[tilespmem:$0x14200] =	vst v63  }
0x105: {  	_ = 	snop  }
0x106: {  	[hbm4b:s4+s2] =	stream.indirect_vreg.scatter [tilespmem:s25], [sflag:$0x2], $0x80, v19, vm0, $0xb8;
	[tilespmem:$0x14200] =	vst v63  }
0x107: {  	_ = 	snop  }
0x108: {  	[hbm4b:s5+s2] =	stream.indirect_vreg.scatter [tilespmem:s26], [sflag:$0x2], $0x80, v19, vm1, $0xb8;
	[tilespmem:$0x14200] =	vst v63  }
0x109: {  	v19 =	vld [tilespmem:$0x141B0];
	_ =	sdelay $0x4  }
0x10a: {  	v20 =	vshrl.u32 v19, $0x3  }
0x10b: {  	v20 =	vmul.u32 $0x28, v20  }
0x10c: {  	v19 =	vand.u32 $0x7, v19  }
0x10d: {  	v19 =	vor.u32 v19, v20  }
0x10e: {  	v20 =	vperm.xlane v19, v16;
	_ =	sdelay $0x1  }
0x10f: {  	v20 =	vadd.s32 v17, v20;
	_ =	sdelay $0x3  }
0x110: {  	v19 =	vperm.xlane v19, v18  }
0x111: {  	[hbm4b:s3+s2] =	stream.indirect_vreg.scatter [tilespmem:s28], [sflag:$0x2], $0x80, v20, vm0, $0xb8;
	[tilespmem:$0x14200] =	vst v63  }
0x112: {  	v19 =	vadd.s32 v17, v19  }
0x113: {  	[hbm4b:s4+s2] =	stream.indirect_vreg.scatter [tilespmem:s29], [sflag:$0x2], $0x80, v20, vm0, $0xb8;
	[tilespmem:$0x14200] =	vst v63  }
0x114: {  	_ = 	snop  }
0x115: {  	[hbm4b:s5+s2] =	stream.indirect_vreg.scatter [tilespmem:s30], [sflag:$0x2], $0x80, v20, vm1, $0xb8;
	[tilespmem:$0x14200] =	vst v63  }
0x116: {  	_ = 	snop  }
0x117: {  	[hbm4b:s3+s2] =	stream.indirect_vreg.scatter [tilespmem:s31], [sflag:$0x2], $0x80, v19, vm0, $0xb8;
	[tilespmem:$0x14200] =	vst v63  }
0x118: {  	_ = 	snop  }
0x119: {  	[hbm4b:s4+s2] =	stream.indirect_vreg.scatter [tilespmem:s1], [sflag:$0x2], $0x80, v19, vm0, $0xb8;
	[tilespmem:$0x14200] =	vst v63  }
0x11a: {  	s10 =	simm.s32 $0x9C00  }
0x11b: {  	[hbm4b:s5+s2] =	stream.indirect_vreg.scatter [tilespmem:s10], [sflag:$0x2], $0x80, v19, vm1, $0xb8;
	[tilespmem:$0x14200] =	vst v63  }
0x11c: {  	v19 =	vld [tilespmem:$0x141C0];
	_ =	sdelay $0x4  }
0x11d: {  	v20 =	vshrl.u32 v19, $0x3  }
0x11e: {  	v20 =	vmul.u32 $0x28, v20  }
0x11f: {  	v19 =	vand.u32 $0x7, v19  }
0x120: {  	v19 =	vor.u32 v19, v20  }
0x121: {  	v20 =	vperm.xlane v19, v16;
	_ =	sdelay $0x1  }
0x122: {  	v20 =	vadd.s32 v17, v20;
	_ =	sdelay $0x3  }
0x123: {  	v19 =	vperm.xlane v19, v18  }
0x124: {  	[hbm4b:s3+s2] =	stream.indirect_vreg.scatter [tilespmem:s9], [sflag:$0x2], $0x80, v20, vm0, $0xb8;
	[tilespmem:$0x14200] =	vst v63  }
0x125: {  	v19 =	vadd.s32 v17, v19  }
0x126: {  	[hbm4b:s4+s2] =	stream.indirect_vreg.scatter [tilespmem:s7], [sflag:$0x2], $0x80, v20, vm0, $0xb8;
	[tilespmem:$0x14200] =	vst v63  }
0x127: {  	s10 =	simm.s32 $0xB000  }
0x128: {  	[hbm4b:s5+s2] =	stream.indirect_vreg.scatter [tilespmem:s10], [sflag:$0x2], $0x80, v20, vm1, $0xb8;
	[tilespmem:$0x14200] =	vst v63  }
0x129: {  	s10 =	simm.s32 $0xB400  }
0x12a: {  	[hbm4b:s3+s2] =	stream.indirect_vreg.scatter [tilespmem:s10], [sflag:$0x2], $0x80, v19, vm0, $0xb8;
	[tilespmem:$0x14200] =	vst v63  }
0x12b: {  	s10 =	simm.s32 $0xBC00  }
0x12c: {  	[hbm4b:s4+s2] =	stream.indirect_vreg.scatter [tilespmem:s10], [sflag:$0x2], $0x80, v19, vm0, $0xb8;
	[tilespmem:$0x14200] =	vst v63  }
0x12d: {  	s10 =	simm.s32 $0xC400  }
0x12e: {  	[hbm4b:s5+s2] =	stream.indirect_vreg.scatter [tilespmem:s10], [sflag:$0x2], $0x80, v19, vm1, $0xb8;
	[tilespmem:$0x14200] =	vst v63  }
0x12f: {  	v19 =	vld [tilespmem:$0x141D0];
	_ =	sdelay $0x4  }
0x130: {  	v20 =	vshrl.u32 v19, $0x3  }
0x131: {  	v20 =	vmul.u32 $0x28, v20  }
0x132: {  	v19 =	vand.u32 $0x7, v19  }
0x133: {  	v19 =	vor.u32 v19, v20  }
0x134: {  	v20 =	vperm.xlane v19, v16;
	_ =	sdelay $0x1  }
0x135: {  	v20 =	vadd.s32 v17, v20;
	_ =	sdelay $0x3  }
0x136: {  	s10 =	simm.s32 $0xC800;
	v19 =	vperm.xlane v19, v18  }
0x137: {  	[hbm4b:s3+s2] =	stream.indirect_vreg.scatter [tilespmem:s10], [sflag:$0x2], $0x80, v20, vm0, $0xb8;
	[tilespmem:$0x14200] =	vst v63  }
0x138: {  	v19 =	vadd.s32 v17, v19;
	s10 =	simm.s32 $0xD000  }
0x139: {  	[hbm4b:s4+s2] =	stream.indirect_vreg.scatter [tilespmem:s10], [sflag:$0x2], $0x80, v20, vm0, $0xb8;
	[tilespmem:$0x14200] =	vst v63  }
0x13a: {  	s10 =	simm.s32 $0xD800  }
0x13b: {  	[hbm4b:s5+s2] =	stream.indirect_vreg.scatter [tilespmem:s10], [sflag:$0x2], $0x80, v20, vm1, $0xb8;
	[tilespmem:$0x14200] =	vst v63  }
0x13c: {  	s10 =	simm.s32 $0xDC00  }
0x13d: {  	[hbm4b:s3+s2] =	stream.indirect_vreg.scatter [tilespmem:s10], [sflag:$0x2], $0x80, v19, vm0, $0xb8;
	[tilespmem:$0x14200] =	vst v63  }
0x13e: {  	s10 =	simm.s32 $0xE400  }
0x13f: {  	[hbm4b:s4+s2] =	stream.indirect_vreg.scatter [tilespmem:s10], [sflag:$0x2], $0x80, v19, vm0, $0xb8;
	[tilespmem:$0x14200] =	vst v63  }
0x140: {  	s10 =	simm.s32 $0xEC00  }
0x141: {  	[hbm4b:s5+s2] =	stream.indirect_vreg.scatter [tilespmem:s10], [sflag:$0x2], $0x80, v19, vm1, $0xb8;
	[tilespmem:$0x14200] =	vst v63  }
0x142: {  	v19 =	vld [tilespmem:$0x141E0];
	_ =	sdelay $0x4  }
0x143: {  	v20 =	vshrl.u32 v19, $0x3  }
0x144: {  	v20 =	vmul.u32 $0x28, v20  }
0x145: {  	v19 =	vand.u32 $0x7, v19  }
0x146: {  	v19 =	vor.u32 v19, v20  }
0x147: {  	v20 =	vperm.xlane v19, v16;
	_ =	sdelay $0x1  }
0x148: {  	v20 =	vadd.s32 v17, v20;
	_ =	sdelay $0x3  }
0x149: {  	s10 =	simm.s32 $0xF000;
	v19 =	vperm.xlane v19, v18  }
0x14a: {  	[hbm4b:s3+s2] =	stream.indirect_vreg.scatter [tilespmem:s10], [sflag:$0x2], $0x80, v20, vm0, $0xb8;
	[tilespmem:$0x14200] =	vst v63  }
0x14b: {  	v19 =	vadd.s32 v17, v19;
	s10 =	simm.s32 $0xF800  }
0x14c: {  	[hbm4b:s4+s2] =	stream.indirect_vreg.scatter [tilespmem:s10], [sflag:$0x2], $0x80, v20, vm0, $0xb8;
	[tilespmem:$0x14200] =	vst v63  }
0x14d: {  	s10 =	simm.s32 $0x10000  }
0x14e: {  	[hbm4b:s5+s2] =	stream.indirect_vreg.scatter [tilespmem:s10], [sflag:$0x2], $0x80, v20, vm1, $0xb8;
	[tilespmem:$0x14200] =	vst v63  }
0x14f: {  	s10 =	simm.s32 $0x10400  }
0x150: {  	[hbm4b:s3+s2] =	stream.indirect_vreg.scatter [tilespmem:s10], [sflag:$0x2], $0x80, v19, vm0, $0xb8;
	[tilespmem:$0x14200] =	vst v63  }
0x151: {  	s10 =	simm.s32 $0x10C00  }
0x152: {  	[hbm4b:s4+s2] =	stream.indirect_vreg.scatter [tilespmem:s10], [sflag:$0x2], $0x80, v19, vm0, $0xb8;
	[tilespmem:$0x14200] =	vst v63  }
0x153: {  	s10 =	simm.s32 $0x11400  }
0x154: {  	[hbm4b:s5+s2] =	stream.indirect_vreg.scatter [tilespmem:s10], [sflag:$0x2], $0x80, v19, vm1, $0xb8;
	[tilespmem:$0x14200] =	vst v63  }
0x155: {  	v19 =	vld [tilespmem:$0x141F0];
	_ =	sdelay $0x4  }
0x156: {  	v20 =	vshrl.u32 v19, $0x3  }
0x157: {  	v20 =	vmul.u32 $0x28, v20  }
0x158: {  	v19 =	vand.u32 $0x7, v19  }
0x159: {  	v19 =	vor.u32 v19, v20  }
0x15a: {  	v20 =	vperm.xlane v19, v16;
	_ =	sdelay $0x1  }
0x15b: {  	v20 =	vadd.s32 v17, v20;
	_ =	sdelay $0x3  }
0x15c: {  	s10 =	simm.s32 $0x11800;
	v19 =	vperm.xlane v19, v18  }
0x15d: {  	[hbm4b:s3+s2] =	stream.indirect_vreg.scatter [tilespmem:s10], [sflag:$0x2], $0x80, v20, vm0, $0xb8;
	[tilespmem:$0x14200] =	vst v63  }
0x15e: {  	v19 =	vadd.s32 v17, v19;
	s10 =	simm.s32 $0x12000  }
0x15f: {  	[hbm4b:s4+s2] =	stream.indirect_vreg.scatter [tilespmem:s10], [sflag:$0x2], $0x80, v20, vm0, $0xb8;
	[tilespmem:$0x14200] =	vst v63  }
0x160: {  	s10 =	simm.s32 $0x12800  }
0x161: {  	[hbm4b:s5+s2] =	stream.indirect_vreg.scatter [tilespmem:s10], [sflag:$0x2], $0x80, v20, vm1, $0xb8;
	[tilespmem:$0x14200] =	vst v63  }
0x162: {  	s10 =	simm.s32 $0x12C00  }
0x163: {  	[hbm4b:s3+s2] =	stream.indirect_vreg.scatter [tilespmem:s10], [sflag:$0x2], $0x80, v19, vm0, $0xb8;
	[tilespmem:$0x14200] =	vst v63  }
0x164: {  	s10 =	simm.s32 $0x13400  }
0x165: {  	[hbm4b:s4+s2] =	stream.indirect_vreg.scatter [tilespmem:s10], [sflag:$0x2], $0x80, v19, vm0, $0xb8;
	[tilespmem:$0x14200] =	vst v63  }
0x166: {  	s1 =	simm.s32 $0x1  }
0x167: {  	[hbm4b:s5+s2] =	stream.indirect_vreg.scatter [tilespmem:s0], [sflag:$0x2], $0x80, v19, vm1, $0xb8;
	[tilespmem:$0x14200] =	vst v63  }
0x168: {  	p0 =	sne.s32 s6, $0x1;
	_ =	swait.ge [sflag:s1], $0x14000  }
.Ltmp0:
0x169: {  	[sflag:s1] =	ssyncset.done $0x0;
	(pc) =	sbr.rel @p0 .LBB2_1-.Ltmp0, $4  }
0x16a: {  	s10 =	simm.s32 $0x2;
	[sflag:s1] =	ssyncadd.s32 $0xFFFEC000  }
0x16b: {  	_ =	swait.ge [sflag:s10], $0x14000  }
0x16c: {  	[sflag:s10] =	ssyncset.done $0x0  }
0x16d: {  	s6 =	sadd.s32 $0xFFFFFFFF, s6;
	[sflag:s10] =	ssyncadd.s32 $0xFFFEC000  }
0x16e: {  	_ =	sfence.sel $0x180000  }
0x16f: {  	[bflag:$0x0] =	sbarrier.arrive $0xFFFF  }
0x170: {  	_ =	strace $0x9000004A  }
0x171: {  	s0 =	stileid.u32;
	[bflag:$0x2] =	sbarrier.arrive $0xFFFF  }
0x172: {  	p0 =	sne.s32 s0, $0x0;
	s0 =	rddreg [dreg:$0x1]  }
0x173: {  	s0 =	sadd.s32 @!p0 $0x100000, s0  }
0x174: {  	[sflag:s0] =	ssyncadd.tile.s32 @!p0 $0x1;
	_ =	shalt  }
.Lfunc_end2:
_tile_overlayer_lowered:
.L_overlay_start_2:
0x175: {  	(tag) =	ssettag $0x2  }
0x176: {  	s0 =	rddreg [dreg:$0x0];
	s2 =	stileid.u32  }
0x177: {  	s1 =	rddreg [dreg:$0x1];
	p0 =	sne.s32 s2, $0x0  }
0x178: {  	s3 =	rddreg [dreg:$0x2];
	[bflag:$0x3] =	sbarrier.arrive $0xFFFF;
	s2 =	simm.s32 @!p0 $0x1C03  }
0x179: {  	[timem:s3], [sflag:s2] =	dma.local @!p0 [hbm:s0], s1  }
0x17a: {  	s0 =	simm.s32 @!p0 $0x3  }
0x17b: {  	_ =	swait.ge @!p0 [sflag:s0], s1  }
0x17c: {  	s1 =	ssub.s32 @!p0 $0x0, s1;
	[sflag:s0] =	ssyncset.done @!p0 $0x0  }
0x17d: {  	[sflag:s0] =	ssyncadd.s32 @!p0 s1  }
0x17e: {  	[bflag:$0x3] =	sbarrier.arrive $0xFFFF  }
0x17f: {  	_ =	shalt  }

// kernel: _moe_sparse.13.cloned.1.call-start
scs
__scs_entry_jumppad:
0x0: {  	(pc) =	sbr.rel $0x88, $3  }
0x1: {  	(tag) =	ssettag $0x0;
	lr =	simm.s32 $0x1  }
0x2: {  	[smem:$0x3F97] =	sst lr;
	_ =	strace $0xD0000000  }
0x3: {  	_ = 	snop  }
0x4: {  	_ = 	snop  }
0x5: {  	_ = 	snop  }
0x6: {  	_ = 	snop  }
0x7: {  	_ = 	snop  }
__scs_overlays_trampoline_lowered:
0x8: {  	[smem:$0x3FA6] =	sst s0  }
0x9: {  	[smem:$0x3FA7] =	sst s1  }
0xa: {  	[smem:$0x3FA8] =	sst s2  }
0xb: {  	[smem:$0x3FA9] =	sst s3  }
0xc: {  	[smem:$0x3FAA] =	sst s4  }
0xd: {  	[smem:$0x3FAB] =	sst s5  }
0xe: {  	[smem:$0x3FAC] =	sst s6  }
0xf: {  	[smem:$0x3FAD] =	sst s7  }
0x10: {  	[smem:$0x3FAE] =	sst s8  }
0x11: {  	[smem:$0x3FAF] =	sst s9;
	s0 =	simm.s32 @!p0 $0x0  }
0x12: {  	s1 =	sld [smem:$0x3F95];
	s0 =	simm.s32 @p0 $0x1  }
0x13: {  	[smem:$0x3FB0] =	sst s0;
	s0 =	simm.s32 @!p1 $0x0  }
0x14: {  	s2 =	sld [smem:$0x3F94];
	s0 =	simm.s32 @p1 $0x1  }
0x15: {  	[smem:$0x3FB1] =	sst s0;
	s0 =	simm.s32 @!p2 $0x0  }
0x16: {  	s3 =	sld [smem:$0x3FDB];
	s0 =	simm.s32 @p2 $0x1  }
0x17: {  	s4 =	simm.s32 $0x1BF5;
	[smem:$0x3FB3] =	sst s0  }
0x18: {  	s0 =	sld [smem:$0x3F96];
	_ =	swait.ge [sflag:s4], $0x0  }
0x19: {  	s7 =	sld [smem:$0x3F97]  }
0x1a: {  	s8 =	sadd.s32 $0xFFFFE003, lr  }
0x1b: {  	s9 =	sadd.s32 $0xFFFFFEF7, lr;
	s5 =	simm.s32 $0xFFFFFFFF;
	p2 =	slt.u32 s8, $0xFFFFF086  }
0x1c: {  	p1 =	slt.u32 s9, $0xF7A;
	s5 =	simm.s32 @!p2 $0x0  }
0x1d: {  	s5 =	simm.s32 @p1 $0x1;
	p0 =	seq.s32 s7, s2  }
0x1e: {  	s7 =	smul.u32 @!p0 $0xF7A, s2;
	p2 =	seq.s32 @!p0 s5, $0x0  }
0x1f: {  	s9 =	smul.u32 $0xF7A, s1;
	s8 =	simm.s32 @!p0 $0x1BF5;
	p2 =	por !p2, p0  }
0x20: {  	[sflag:s8] =	ssyncset.s32 @!p0 $0xFFFFF086;
	s6 =	sadd.s32 @!p0 s3, s7;
	s7 =	simm.s32 @!p0 $0x108  }
0x21: {  	s3 =	sadd.s32 s3, s9;
	s6 =	sadd.s32 @!p0 $0x88, s6;
	s7 =	simm.s32 @p2 $0x1082  }
0x22: {  	[simem:s7], [sflag:s8] =	dma.local @!p0 [hbm:s6], $0xF7A  }
0x23: {  	s9 =	sor.u32 $0xD0000000, s2;
	s6 =	simm.s32 $0x108;
	_ =	swait.ge @!p0 [sflag:s8], $0x0  }
0x24: {  	s3 =	sadd.s32 $0x88, s3;
	s6 =	simm.s32 @!p1 $0x1082;
	[sflag:s4] =	ssyncset.s32 $0xFFFFF086  }
0x25: {  	[simem:s6], [sflag:s4] =	dma.local [hbm:s3], $0xF7A  }
0x26: {  	[smem:$0x3F97] =	sst s1;
	(tag) =	ssettag s2;
	_ =	strace s9  }
0x27: {  	s1 =	sld [smem:$0x3FA7]  }
0x28: {  	s2 =	sld [smem:$0x3FA8]  }
0x29: {  	s4 =	sld [smem:$0x3FAA]  }
0x2a: {  	p0 =	seq.s32 s5, $0x0;
	s5 =	sld [smem:$0x3FAB]  }
0x2b: {  	s6 =	sld [smem:$0x3FAC]  }
0x2c: {  	s7 =	sld [smem:$0x3FAD]  }
0x2d: {  	s3 =	simm.s32 $0x108;
	s8 =	sld [smem:$0x3FAE]  }
0x2e: {  	s3 =	simm.s32 @!p0 $0x1082;
	s9 =	sld [smem:$0x3FAF]  }
0x2f: {  	lr =	sadd.s32 s0, s3;
	s0 =	sld [smem:$0x3FA6]  }
0x30: {  	s3 =	sld [smem:$0x3FA9]  }
0x31: {  	[smem:$0x3FB2] =	sst s10  }
0x32: {  	s10 =	sld [smem:$0x3FB0];
	_ =	sdelay $0x3  }
0x33: {  	p0 =	seq.s32 s10, $0x1;
	s10 =	sld [smem:$0x3FB2];
	_ =	sdelay $0x3  }
0x34: {  	[smem:$0x3FB2] =	sst s10  }
0x35: {  	s10 =	sld [smem:$0x3FB1];
	_ =	sdelay $0x3  }
0x36: {  	p1 =	seq.s32 s10, $0x1;
	s10 =	sld [smem:$0x3FB2];
	_ =	sdelay $0x3  }
0x37: {  	[smem:$0x3FB2] =	sst s10  }
0x38: {  	s10 =	sld [smem:$0x3FB3]  }
0x39: {  	_ = 	snop;
	(pc) =	sbr.ind lr, $3  }
0x3a: {  	_ = 	snop  }
0x3b: {  	_ = 	snop  }
0x3c: {  	p2 =	seq.s32 s10, $0x1;
	s10 =	sld [smem:$0x3FB2]  }
0x3d: {  	_ =	shalt  }
0x3e: {  	_ =	shalt  }
0x3f: {  	_ =	shalt  }
0x40: {  	_ =	shalt  }
0x41: {  	_ =	shalt  }
0x42: {  	_ =	shalt  }
0x43: {  	_ =	shalt  }
0x44: {  	_ =	shalt  }
0x45: {  	_ =	shalt  }
0x46: {  	_ =	shalt  }
0x47: {  	_ =	shalt  }
0x48: {  	_ =	shalt  }
0x49: {  	_ =	shalt  }
0x4a: {  	_ =	shalt  }
0x4b: {  	_ =	shalt  }
0x4c: {  	_ =	shalt  }
0x4d: {  	_ =	shalt  }
0x4e: {  	_ =	shalt  }
0x4f: {  	_ =	shalt  }
0x50: {  	_ =	shalt  }
0x51: {  	_ =	shalt  }
0x52: {  	_ =	shalt  }
0x53: {  	_ =	shalt  }
0x54: {  	_ =	shalt  }
0x55: {  	_ =	shalt  }
0x56: {  	_ =	shalt  }
0x57: {  	_ =	shalt  }
0x58: {  	_ =	shalt  }
0x59: {  	_ =	shalt  }
0x5a: {  	_ =	shalt  }
0x5b: {  	_ =	shalt  }
0x5c: {  	_ =	shalt  }
0x5d: {  	_ =	shalt  }
0x5e: {  	_ =	shalt  }
0x5f: {  	_ =	shalt  }
0x60: {  	_ =	shalt  }
0x61: {  	_ =	shalt  }
0x62: {  	_ =	shalt  }
0x63: {  	_ =	shalt  }
0x64: {  	_ =	shalt  }
0x65: {  	_ =	shalt  }
0x66: {  	_ =	shalt  }
0x67: {  	_ =	shalt  }
0x68: {  	_ =	shalt  }
0x69: {  	_ =	shalt  }
0x6a: {  	_ =	shalt  }
0x6b: {  	_ =	shalt  }
0x6c: {  	_ =	shalt  }
0x6d: {  	_ =	shalt  }
0x6e: {  	_ =	shalt  }
0x6f: {  	_ =	shalt  }
0x70: {  	_ =	shalt  }
0x71: {  	_ =	shalt  }
0x72: {  	_ =	shalt  }
0x73: {  	_ =	shalt  }
0x74: {  	_ =	shalt  }
0x75: {  	_ =	shalt  }
0x76: {  	_ =	shalt  }
0x77: {  	_ =	shalt  }
0x78: {  	_ =	shalt  }
0x79: {  	_ =	shalt  }
0x7a: {  	_ =	shalt  }
0x7b: {  	_ =	shalt  }
0x7c: {  	_ =	shalt  }
0x7d: {  	_ =	shalt  }
0x7e: {  	_ =	shalt  }
0x7f: {  	_ =	shalt  }
0x80: {  	_ =	shalt  }
0x81: {  	_ =	shalt  }
0x82: {  	_ =	shalt  }
0x83: {  	_ =	shalt  }
0x84: {  	_ =	shalt  }
0x85: {  	_ =	shalt  }
0x86: {  	_ =	shalt  }
0x87: {  	_ =	shalt  }
.Lfunc_end0:
.L_simem_size_0:
called_computation.2_lowered:
.L_overlay_start_0:
0x88: {  	s2 =	sld [smem:$0x3FD9]  }
0x89: {  	s3 =	sld [smem:$0x3FFE];
	_ =	sdelay $0x1  }
0x8a: {  	s1 =	srdreg.scid  }
0x8b: {  	s0 =	sand.u32 $0x1, s1  }
0x8c: {  	s17 =	sshll.u32 s0, $0xA;
	s2 =	sadd.s32 s3, s2  }
0x8d: {  	s2 =	sadd.s32 s2, s17  }
0x8e: {  	[smem:$0x3FBE] =	sst s2  }
0x8f: {  	_ = 	snop  }
0x90: {  	s2 =	sld [smem:$0x3FD0];
	(tm) =	ssettm $0x1  }
0x91: {  	s18 =	sld [smem:$0x3FFB];
	_ =	sdelay $0x3  }
0x92: {  	_ =	strace s18  }
0x93: {  	s3 =	sld [smem:$0x3FFC];
	_ =	sdelay $0x3  }
0x94: {  	_ =	strace s3  }
0x95: {  	s3 =	sld [smem:$0x3FFD];
	_ =	sdelay $0x3  }
0x96: {  	_ =	strace s3  }
0x97: {  	_ =	strace $0x8FFFFFFF  }
0x98: {  	s19 =	sld [smem:$0x3FDB];
	_ =	sdelay $0x1  }
0x99: {  	s4 =	simm.s32 $_scs_section_size  }
0x9a: {  	s5 =	simm.s32 $_size__tile_overlayer_lowered;
	s6 =	simm.s32 $_tile_overlayer_lowered  }
0x9b: {  	s22 =	simm.s32 $0x1BFF;
	s21 =	sshll.u32 s6, $0x1;
	s3 =	sadd.s32 s4, s19  }
0x9c: {  	s7 =	simm.s32 $0x0;
	s20 =	sshll.u32 s5, $0x1;
	s5 =	sadd.s32 s21, s3  }
0x9d: {  	[timem:s7], [sflag:s22] =	dma.local [hbm:s5], s20  }
0x9e: {  	_ =	swait.ge [sflag:s22], s20  }
0x9f: {  	s4 =	ssub.s32 $0x0, s20;
	[sflag:s22] =	ssyncset.done $0x0  }
0xa0: {  	[sflag:s22] =	ssyncadd.s32 s4;
	_ =	sdelay $0x1  }
0xa1: {  	s23 =	simm.s32 $0x1B8B  }
0xa2: {  	_ =	swait.ge [sflag:s23], $0x1  }
0xa3: {  	[sflag:s23] =	ssyncset.done $0x0  }
0xa4: {  	s25 =	simm.s32 $0x1B8E;
	s24 =	sld [smem:$0x3FFE];
	[sflag:s23] =	ssyncadd.s32 $0xFFFFFFFF  }
0xa5: {  	s26 =	simm.s32 $execute0_lowered;
	[smem:$0x3FD2] =	sst s25  }
0xa6: {  	s5 =	sshll.u32 s26, $0x1;
	_ =	strace $0x8000004C;
	[dreg:$0x1] =	wrdreg $0xFFFFFFFF  }
0xa7: {  	s28 =	simm.s32 $_size_execute0_lowered;
	s3 =	sadd.s32 s3, s5;
	[dreg:$0x0] =	wrdreg $0x0  }
0xa8: {  	s5 =	sshll.u32 s28, $0x1;
	[dreg:$0x2] =	wrdreg s3  }
0xa9: {  	[dreg:$0x3] =	wrdreg s5  }
0xaa: {  	[dreg:$0x4] =	wrdreg $0xC0  }
0xab: {  	_ =	task [dreg:s7], $0x5FFFF  }
0xac: {  	[dreg:$0x1] =	wrdreg $0xFFFFFFFF  }
0xad: {  	[dreg:$0x0] =	wrdreg $0x60  }
0xae: {  	[dreg:$0x2] =	wrdreg s24  }
0xaf: {  	[dreg:$0x3] =	wrdreg s2  }
0xb0: {  	[dreg:$0x4] =	wrdreg $0x9  }
0xb1: {  	_ =	task.clear_ibuf [dreg:s7], $0x5FFFF;
	_ =	strace $0x9000004C  }
0xb2: {  	s29 =	simm.s32 $0x9;
	_ =	strace $0x8000004E  }
0xb3: {  	_ =	swait.ge [sflag:s29], $0x1  }
0xb4: {  	[sflag:s29] =	ssyncadd.s32 $0xFFFFFFFF  }
0xb5: {  	_ =	strace $0x9000004E  }
0xb6: {  	_ =	sfence  }
0xb7: {  	s30 =	sld [smem:$0x0];
	_ =	sdelay $0x2  }
0xb8: {  	s31 =	sshll.u32 s1, $0xD;
	s1 =	sshrl.u32 s1, $0x2  }
0xb9: {  	s3 =	sand.u32 $0x4000, s31;
	s1 =	sadd.s32 s1, s30  }
0xba: {  	s0 =	sor.u32 s3, s0;
	s1 =	sshll.u32 s1, $0x11  }
0xbb: {  	s0 =	sor.u32 s1, s0  }
0xbc: {  	s0 =	sadd.s32 $0x8F2B, s0  }
0xbd: {  	[sflag:s0] =	ssyncadd.remote.s32 $0x1  }
0xbe: {  	_ =	sfence.sel $0xFFFF  }
0xbf: {  	[dreg:$0x0] =	wrdreg $0xFFFFFFFF;
	(pc) =	sbr.abs _section_cstart, $3  }
0xc0: {  	[dreg:$0x1] =	wrdreg $0xFFFFFFFF  }
0xc1: {  	_ =	task.clear_ibuf [dreg:s7], $0x2FFFF;
	_ =	strace $0x9FFFFFFF  }
0xc2: {  	(tm) =	ssettm $0x7FFFFFFF  }
0xc3: {  	_ =	shalt  }
tec
execute0_lowered:
.L_overlay_start_1:
0x0: {  	(tag) =	ssettag $0x1  }
0x1: {  	s5 =	rddreg [dreg:$0x0]  }
0x2: {  	s10 =	rddreg [dreg:$0x1]  }
0x3: {  	s0 =	rddreg [dreg:$0x2];
	s2 =	simm.s32 $0x0;
	s1 =	srdreg.scid  }
0x4: {  	[smem:$0x7FF] =	sst s2;
	s12 =	sand.u32 $0x1, s1  }
0x5: {  	s1 =	stileid.u32;
	s4 =	sadd.s32 $0x2E00, s5;
	s3 =	sshll.u32 s12, $0x4  }
0x6: {  	_ =	strace $0x8000004D;
	s11 =	sor.u32 s1, s3;
	s3 =	simm.s32 $0x1  }
0x7: {  	[tilespmem:s2], [sflag:$0x1] =	stream.linear.gather [hbm4b:s4+s2], $0x2800, $0x38;
	[tilespmem:$0x2B80] =	vst v63  }
0x8: {  	s6 =	sshll.u32 s11, $0x5;
	_ =	swait.ge [sflag:s3], $0x2800  }
0x9: {  	s7 =	sadd.s32 s6, s5;
	[sflag:s3] =	ssyncset.done $0x0  }
0xa: {  	s6 =	simm.s32 $0x2800;
	s5 =	sadd.s32 $0x53400, s7;
	[sflag:s3] =	ssyncadd.s32 $0xFFFFD800  }
0xb: {  	[tilespmem:s6], [sflag:$0x1] =	stream.linear.gather [hbm4b:s5+s2], $0x100, $0x38;
	[tilespmem:$0x2B80] =	vst v63  }
0xc: {  	_ =	swait.ge [sflag:s3], $0x100  }
0xd: {  	[sflag:s3] =	ssyncset.done $0x0  }
0xe: {  	s8 =	simm.s32 $0x2900;
	s7 =	sadd.s32 $0x52E00, s7;
	[sflag:s3] =	ssyncadd.s32 $0xFFFFFF00  }
0xf: {  	[tilespmem:s8], [sflag:$0x1] =	stream.linear.gather [hbm4b:s7+s2], $0x100, $0x38;
	[tilespmem:$0x2B80] =	vst v63  }
0x10: {  	_ =	swait.ge [sflag:s3], $0x100  }
0x11: {  	[sflag:s3] =	ssyncset.done $0x0  }
0x12: {  	[sflag:s3] =	ssyncadd.s32 $0xFFFFFF00  }
0x13: {  	v0 =	vld [tilespmem:$0x2800];
	_ =	sdelay $0x5  }
0x14: {  	v1 =	vld [tilespmem:$0x2810]  }
0x15: {  	v2 =	vld [tilespmem:$0x2900]  }
0x16: {  	v0 =	vld.idx.msk [tilespmem:v0+s2+$0x0], $0xffff;
	_ =	sdelay $0x4  }
0x17: {  	v0 =	vmul.f32 v2, v0  }
0x18: {  	v2 =	vld [tilespmem:$0x2910]  }
0x19: {  	[tilespmem:$0x2A00] =	vst v0;
	v0 =	vld [tilespmem:$0x2820]  }
0x1a: {  	v1 =	vld.idx.msk [tilespmem:v1+s2+$0x0], $0xffff;
	_ =	sdelay $0x4  }
0x1b: {  	v1 =	vmul.f32 v2, v1  }
0x1c: {  	v2 =	vld [tilespmem:$0x2920]  }
0x1d: {  	[tilespmem:$0x2A10] =	vst v1;
	v1 =	vld [tilespmem:$0x2830]  }
0x1e: {  	v0 =	vld.idx.msk [tilespmem:v0+s2+$0x0], $0xffff;
	_ =	sdelay $0x4  }
0x1f: {  	v0 =	vmul.f32 v2, v0  }
0x20: {  	v2 =	vld [tilespmem:$0x2930]  }
0x21: {  	[tilespmem:$0x2A20] =	vst v0;
	v0 =	vld [tilespmem:$0x2840]  }
0x22: {  	v1 =	vld.idx.msk [tilespmem:v1+s2+$0x0], $0xffff;
	_ =	sdelay $0x4  }
0x23: {  	v1 =	vmul.f32 v2, v1  }
0x24: {  	v2 =	vld [tilespmem:$0x2940]  }
0x25: {  	[tilespmem:$0x2A30] =	vst v1;
	v1 =	vld [tilespmem:$0x2850]  }
0x26: {  	v0 =	vld.idx.msk [tilespmem:v0+s2+$0x0], $0xffff;
	_ =	sdelay $0x4  }
0x27: {  	v0 =	vmul.f32 v2, v0  }
0x28: {  	v2 =	vld [tilespmem:$0x2950]  }
0x29: {  	[tilespmem:$0x2A40] =	vst v0;
	v0 =	vld [tilespmem:$0x2860]  }
0x2a: {  	v1 =	vld.idx.msk [tilespmem:v1+s2+$0x0], $0xffff;
	_ =	sdelay $0x4  }
0x2b: {  	v1 =	vmul.f32 v2, v1  }
0x2c: {  	v2 =	vld [tilespmem:$0x2960]  }
0x2d: {  	[tilespmem:$0x2A50] =	vst v1;
	v1 =	vld [tilespmem:$0x2870]  }
0x2e: {  	v0 =	vld.idx.msk [tilespmem:v0+s2+$0x0], $0xffff;
	_ =	sdelay $0x4  }
0x2f: {  	v0 =	vmul.f32 v2, v0  }
0x30: {  	v2 =	vld [tilespmem:$0x2970]  }
0x31: {  	[tilespmem:$0x2A60] =	vst v0;
	v0 =	vld [tilespmem:$0x2880]  }
0x32: {  	v1 =	vld.idx.msk [tilespmem:v1+s2+$0x0], $0xffff;
	_ =	sdelay $0x4  }
0x33: {  	v1 =	vmul.f32 v2, v1  }
0x34: {  	v2 =	vld [tilespmem:$0x2980]  }
0x35: {  	[tilespmem:$0x2A70] =	vst v1;
	v1 =	vld [tilespmem:$0x2890]  }
0x36: {  	v0 =	vld.idx.msk [tilespmem:v0+s2+$0x0], $0xffff;
	_ =	sdelay $0x4  }
0x37: {  	v0 =	vmul.f32 v2, v0  }
0x38: {  	v2 =	vld [tilespmem:$0x2990]  }
0x39: {  	[tilespmem:$0x2A80] =	vst v0;
	v0 =	vld [tilespmem:$0x28A0]  }
0x3a: {  	v1 =	vld.idx.msk [tilespmem:v1+s2+$0x0], $0xffff;
	_ =	sdelay $0x4  }
0x3b: {  	v1 =	vmul.f32 v2, v1  }
0x3c: {  	v2 =	vld [tilespmem:$0x29A0]  }
0x3d: {  	[tilespmem:$0x2A90] =	vst v1;
	v1 =	vld [tilespmem:$0x28B0]  }
0x3e: {  	v0 =	vld.idx.msk [tilespmem:v0+s2+$0x0], $0xffff;
	_ =	sdelay $0x4  }
0x3f: {  	v0 =	vmul.f32 v2, v0  }
0x40: {  	v2 =	vld [tilespmem:$0x29B0]  }
0x41: {  	[tilespmem:$0x2AA0] =	vst v0;
	v0 =	vld [tilespmem:$0x28C0]  }
0x42: {  	v1 =	vld.idx.msk [tilespmem:v1+s2+$0x0], $0xffff;
	_ =	sdelay $0x4  }
0x43: {  	v1 =	vmul.f32 v2, v1  }
0x44: {  	v2 =	vld [tilespmem:$0x29C0]  }
0x45: {  	[tilespmem:$0x2AB0] =	vst v1;
	v1 =	vld [tilespmem:$0x28D0]  }
0x46: {  	v0 =	vld.idx.msk [tilespmem:v0+s2+$0x0], $0xffff;
	_ =	sdelay $0x4  }
0x47: {  	v0 =	vmul.f32 v2, v0  }
0x48: {  	v2 =	vld [tilespmem:$0x29D0]  }
0x49: {  	[tilespmem:$0x2AC0] =	vst v0;
	v0 =	vld [tilespmem:$0x28E0]  }
0x4a: {  	v1 =	vld.idx.msk [tilespmem:v1+s2+$0x0], $0xffff;
	_ =	sdelay $0x4  }
0x4b: {  	v1 =	vmul.f32 v2, v1  }
0x4c: {  	v2 =	vld [tilespmem:$0x29E0]  }
0x4d: {  	[tilespmem:$0x2AD0] =	vst v1;
	v1 =	vld [tilespmem:$0x28F0]  }
0x4e: {  	v0 =	vld.idx.msk [tilespmem:v0+s2+$0x0], $0xffff;
	_ =	sdelay $0x4  }
0x4f: {  	v0 =	vmul.f32 v2, v0;
	_ =	sdelay $0x1  }
0x50: {  	v3 =	vld [tilespmem:$0x29F0];
	[tilespmem:$0x2AE0] =	vst v0  }
0x51: {  	v2 =	vld.idx.msk [tilespmem:v1+s2+$0x0], $0xffff  }
0x52: {  	v0 =	vlaneseq.u32  }
0x53: {  	v0 =	vmul.u32 $0x2, v0;
	_ =	sdelay $0x1  }
0x54: {  	v1 =	vor.u32 $0x1, v0  }
0x55: {  	v2 =	vmul.f32 v3, v2;
	_ =	sdelay $0x1  }
0x56: {  	s9 =	simm.s32 $0x2A00;
	[tilespmem:$0x2AF0] =	vst v2  }
0x57: {  	v4 =	vld.idx.msk [tilespmem:v0+s9+$0x0], $0xffff  }
0x58: {  	v5 =	vld.idx.msk [tilespmem:v1+s9+$0x0], $0xffff;
	_ =	sdelay $0x2  }
0x59: {  	v2 =	vor.u32 $0x20, v0  }
0x5a: {  	v3 =	vor.u32 $0x21, v0  }
0x5b: {  	v4 =	vadd.f32 v5, v4;
	_ =	sdelay $0x1  }
0x5c: {  	[tilespmem:$0x2B00] =	vst v4  }
0x5d: {  	v6 =	vld.idx.msk [tilespmem:v2+s9+$0x0], $0xffff  }
0x5e: {  	v7 =	vld.idx.msk [tilespmem:v3+s9+$0x0], $0xffff;
	_ =	sdelay $0x2  }
0x5f: {  	v4 =	vor.u32 $0x40, v0  }
0x60: {  	v5 =	vor.u32 $0x41, v0  }
0x61: {  	v6 =	vadd.f32 v7, v6;
	_ =	sdelay $0x1  }
0x62: {  	[tilespmem:$0x2B10] =	vst v6  }
0x63: {  	v8 =	vld.idx.msk [tilespmem:v4+s9+$0x0], $0xffff  }
0x64: {  	v9 =	vld.idx.msk [tilespmem:v5+s9+$0x0], $0xffff;
	_ =	sdelay $0x2  }
0x65: {  	v6 =	vor.u32 $0x60, v0  }
0x66: {  	v7 =	vor.u32 $0x61, v0  }
0x67: {  	v8 =	vadd.f32 v9, v8;
	_ =	sdelay $0x1  }
0x68: {  	[tilespmem:$0x2B20] =	vst v8  }
0x69: {  	v10 =	vld.idx.msk [tilespmem:v6+s9+$0x0], $0xffff  }
0x6a: {  	v11 =	vld.idx.msk [tilespmem:v7+s9+$0x0], $0xffff;
	_ =	sdelay $0x2  }
0x6b: {  	v8 =	vor.u32 $0x80, v0  }
0x6c: {  	v9 =	vor.u32 $0x81, v0  }
0x6d: {  	v10 =	vadd.f32 v11, v10;
	_ =	sdelay $0x1  }
0x6e: {  	[tilespmem:$0x2B30] =	vst v10  }
0x6f: {  	v12 =	vld.idx.msk [tilespmem:v8+s9+$0x0], $0xffff  }
0x70: {  	v13 =	vld.idx.msk [tilespmem:v9+s9+$0x0], $0xffff;
	_ =	sdelay $0x2  }
0x71: {  	v10 =	vor.u32 $0xA0, v0  }
0x72: {  	v11 =	vor.u32 $0xA1, v0  }
0x73: {  	v12 =	vadd.f32 v13, v12;
	_ =	sdelay $0x1  }
0x74: {  	[tilespmem:$0x2B40] =	vst v12  }
0x75: {  	v14 =	vld.idx.msk [tilespmem:v10+s9+$0x0], $0xffff  }
0x76: {  	v15 =	vld.idx.msk [tilespmem:v11+s9+$0x0], $0xffff;
	_ =	sdelay $0x2  }
0x77: {  	v12 =	vor.u32 $0xC0, v0  }
0x78: {  	v13 =	vor.u32 $0xC1, v0  }
0x79: {  	v14 =	vadd.f32 v15, v14;
	_ =	sdelay $0x1  }
0x7a: {  	[tilespmem:$0x2B50] =	vst v14  }
0x7b: {  	v16 =	vld.idx.msk [tilespmem:v12+s9+$0x0], $0xffff  }
0x7c: {  	s12 =	ssub.s32 $0x2, s12;
	v17 =	vld.idx.msk [tilespmem:v13+s9+$0x0], $0xffff  }
0x7d: {  	s13 =	sshrl.u32 s12, $0x1  }
0x7e: {  	s12 =	ssub.s32 s12, s13  }
0x7f: {  	s12 =	smax.u32 s12, $0x1;
	v14 =	vor.u32 $0xE0, v0  }
0x80: {  	p0 =	sne.s32 s12, $0x1;
	v15 =	vor.u32 $0xE1, v0  }
.Ltmp0:
0x81: {  	v16 =	vadd.f32 v17, v16;
	(pc) =	sbr.rel @!p0 .LBB2_2-.Ltmp0, $4  }
0x82: {  	_ = 	snop  }
0x83: {  	[tilespmem:$0x2B60] =	vst v16  }
0x84: {  	s11 =	sshll.u32 s11, $0x4;
	v16 =	vld.idx.msk [tilespmem:v14+s9+$0x0], $0xffff  }
0x85: {  	s10 =	sadd.s32 s10, s11;
	s11 =	simm.s32 $0x2B00;
	s12 =	sadd.s32 $0xFFFFFFFF, s12;
	v17 =	vld.idx.msk [tilespmem:v15+s9+$0x0], $0xffff  }
.LBB2_1:
0x86: {  	_ =	sdelay $0x1  }
0x87: {  	p0 =	sne.s32 s12, $0x1;
	s12 =	sadd.s32 $0xFFFFFFFF, s12;
	_ =	sdelay $0x1  }
0x88: {  	v16 =	vadd.f32 v17, v16;
	_ =	sdelay $0x1  }
0x89: {  	[tilespmem:$0x2B70] =	vst v16  }
0x8a: {  	[hbm4b:s10+s2] =	stream.linear.scatter [tilespmem:s11], [sflag:$0x1], $0x80, $0x38;
	[tilespmem:$0x2B80] =	vst v63  }
0x8b: {  	_ =	swait.ge [sflag:s3], $0x80  }
0x8c: {  	[sflag:s3] =	ssyncset.done $0x0  }
0x8d: {  	[sflag:s3] =	ssyncadd.s32 $0xFFFFFF80  }
0x8e: {  	[tilespmem:s2], [sflag:$0x1] =	stream.linear.gather [hbm4b:s4+s2], $0x2800, $0x38;
	[tilespmem:$0x2B80] =	vst v63  }
0x8f: {  	_ =	swait.ge [sflag:s3], $0x2800  }
0x90: {  	[sflag:s3] =	ssyncset.done $0x0  }
0x91: {  	[sflag:s3] =	ssyncadd.s32 $0xFFFFD800  }
0x92: {  	[tilespmem:s6], [sflag:$0x1] =	stream.linear.gather [hbm4b:s5+s2], $0x100, $0x38;
	[tilespmem:$0x2B80] =	vst v63  }
0x93: {  	_ =	swait.ge [sflag:s3], $0x100  }
0x94: {  	[sflag:s3] =	ssyncset.done $0x0  }
0x95: {  	[sflag:s3] =	ssyncadd.s32 $0xFFFFFF00  }
0x96: {  	[tilespmem:s8], [sflag:$0x1] =	stream.linear.gather [hbm4b:s7+s2], $0x100, $0x38;
	[tilespmem:$0x2B80] =	vst v63  }
0x97: {  	_ =	swait.ge [sflag:s3], $0x100  }
0x98: {  	[sflag:s3] =	ssyncset.done $0x0  }
0x99: {  	[sflag:s3] =	ssyncadd.s32 $0xFFFFFF00  }
0x9a: {  	v16 =	vld [tilespmem:$0x2800];
	_ =	sdelay $0x6  }
0x9b: {  	v17 =	vld [tilespmem:$0x2810]  }
0x9c: {  	v16 =	vld.idx.msk [tilespmem:v16+s2+$0x0], $0xffff  }
0x9d: {  	v18 =	vld [tilespmem:$0x2900];
	_ =	sdelay $0x4  }
0x9e: {  	v16 =	vmul.f32 v18, v16;
	_ =	sdelay $0x1  }
0x9f: {  	[tilespmem:$0x2A00] =	vst v16;
	v16 =	vld [tilespmem:$0x2820]  }
0xa0: {  	v17 =	vld.idx.msk [tilespmem:v17+s2+$0x0], $0xffff  }
0xa1: {  	v18 =	vld [tilespmem:$0x2910];
	_ =	sdelay $0x4  }
0xa2: {  	v17 =	vmul.f32 v18, v17;
	_ =	sdelay $0x1  }
0xa3: {  	[tilespmem:$0x2A10] =	vst v17;
	v17 =	vld [tilespmem:$0x2830]  }
0xa4: {  	v16 =	vld.idx.msk [tilespmem:v16+s2+$0x0], $0xffff  }
0xa5: {  	v18 =	vld [tilespmem:$0x2920];
	_ =	sdelay $0x4  }
0xa6: {  	v16 =	vmul.f32 v18, v16;
	_ =	sdelay $0x1  }
0xa7: {  	[tilespmem:$0x2A20] =	vst v16;
	v16 =	vld [tilespmem:$0x2840]  }
0xa8: {  	v17 =	vld.idx.msk [tilespmem:v17+s2+$0x0], $0xffff  }
0xa9: {  	v18 =	vld [tilespmem:$0x2930];
	_ =	sdelay $0x4  }
0xaa: {  	v17 =	vmul.f32 v18, v17;
	_ =	sdelay $0x1  }
0xab: {  	[tilespmem:$0x2A30] =	vst v17;
	v17 =	vld [tilespmem:$0x2850]  }
0xac: {  	v16 =	vld.idx.msk [tilespmem:v16+s2+$0x0], $0xffff  }
0xad: {  	v18 =	vld [tilespmem:$0x2940];
	_ =	sdelay $0x4  }
0xae: {  	v16 =	vmul.f32 v18, v16;
	_ =	sdelay $0x1  }
0xaf: {  	[tilespmem:$0x2A40] =	vst v16;
	v16 =	vld [tilespmem:$0x2860]  }
0xb0: {  	v17 =	vld.idx.msk [tilespmem:v17+s2+$0x0], $0xffff  }
0xb1: {  	v18 =	vld [tilespmem:$0x2950];
	_ =	sdelay $0x4  }
0xb2: {  	v17 =	vmul.f32 v18, v17;
	_ =	sdelay $0x1  }
0xb3: {  	[tilespmem:$0x2A50] =	vst v17;
	v17 =	vld [tilespmem:$0x2870]  }
0xb4: {  	v16 =	vld.idx.msk [tilespmem:v16+s2+$0x0], $0xffff  }
0xb5: {  	v18 =	vld [tilespmem:$0x2960];
	_ =	sdelay $0x4  }
0xb6: {  	v16 =	vmul.f32 v18, v16;
	_ =	sdelay $0x1  }
0xb7: {  	[tilespmem:$0x2A60] =	vst v16;
	v16 =	vld [tilespmem:$0x2880]  }
0xb8: {  	v17 =	vld.idx.msk [tilespmem:v17+s2+$0x0], $0xffff  }
0xb9: {  	v18 =	vld [tilespmem:$0x2970];
	_ =	sdelay $0x4  }
0xba: {  	v17 =	vmul.f32 v18, v17;
	_ =	sdelay $0x1  }
0xbb: {  	[tilespmem:$0x2A70] =	vst v17;
	v17 =	vld [tilespmem:$0x2890]  }
0xbc: {  	v16 =	vld.idx.msk [tilespmem:v16+s2+$0x0], $0xffff  }
0xbd: {  	v18 =	vld [tilespmem:$0x2980];
	_ =	sdelay $0x4  }
0xbe: {  	v16 =	vmul.f32 v18, v16;
	_ =	sdelay $0x1  }
0xbf: {  	[tilespmem:$0x2A80] =	vst v16;
	v16 =	vld [tilespmem:$0x28A0]  }
0xc0: {  	v17 =	vld.idx.msk [tilespmem:v17+s2+$0x0], $0xffff  }
0xc1: {  	v18 =	vld [tilespmem:$0x2990];
	_ =	sdelay $0x4  }
0xc2: {  	v17 =	vmul.f32 v18, v17;
	_ =	sdelay $0x1  }
0xc3: {  	[tilespmem:$0x2A90] =	vst v17;
	v17 =	vld [tilespmem:$0x28B0]  }
0xc4: {  	v16 =	vld.idx.msk [tilespmem:v16+s2+$0x0], $0xffff  }
0xc5: {  	v18 =	vld [tilespmem:$0x29A0];
	_ =	sdelay $0x4  }
0xc6: {  	v16 =	vmul.f32 v18, v16;
	_ =	sdelay $0x1  }
0xc7: {  	[tilespmem:$0x2AA0] =	vst v16;
	v16 =	vld [tilespmem:$0x28C0]  }
0xc8: {  	v17 =	vld.idx.msk [tilespmem:v17+s2+$0x0], $0xffff  }
0xc9: {  	v18 =	vld [tilespmem:$0x29B0];
	_ =	sdelay $0x4  }
0xca: {  	v17 =	vmul.f32 v18, v17;
	_ =	sdelay $0x1  }
0xcb: {  	[tilespmem:$0x2AB0] =	vst v17;
	v17 =	vld [tilespmem:$0x28D0]  }
0xcc: {  	v16 =	vld.idx.msk [tilespmem:v16+s2+$0x0], $0xffff  }
0xcd: {  	v18 =	vld [tilespmem:$0x29C0];
	_ =	sdelay $0x4  }
0xce: {  	v16 =	vmul.f32 v18, v16;
	_ =	sdelay $0x1  }
0xcf: {  	[tilespmem:$0x2AC0] =	vst v16;
	v16 =	vld [tilespmem:$0x28E0]  }
0xd0: {  	v17 =	vld.idx.msk [tilespmem:v17+s2+$0x0], $0xffff  }
0xd1: {  	v18 =	vld [tilespmem:$0x29D0];
	_ =	sdelay $0x4  }
0xd2: {  	v17 =	vmul.f32 v18, v17;
	_ =	sdelay $0x1  }
0xd3: {  	[tilespmem:$0x2AD0] =	vst v17;
	v17 =	vld [tilespmem:$0x28F0]  }
0xd4: {  	v16 =	vld.idx.msk [tilespmem:v16+s2+$0x0], $0xffff  }
0xd5: {  	v18 =	vld [tilespmem:$0x29E0];
	_ =	sdelay $0x4  }
0xd6: {  	v16 =	vmul.f32 v18, v16;
	_ =	sdelay $0x1  }
0xd7: {  	[tilespmem:$0x2AE0] =	vst v16  }
0xd8: {  	v16 =	vld.idx.msk [tilespmem:v17+s2+$0x0], $0xffff  }
0xd9: {  	v17 =	vld [tilespmem:$0x29F0];
	_ =	sdelay $0x4  }
0xda: {  	v16 =	vmul.f32 v17, v16;
	_ =	sdelay $0x1  }
0xdb: {  	[tilespmem:$0x2AF0] =	vst v16  }
0xdc: {  	v16 =	vld.idx.msk [tilespmem:v0+s9+$0x0], $0xffff  }
0xdd: {  	v17 =	vld.idx.msk [tilespmem:v1+s9+$0x0], $0xffff;
	_ =	sdelay $0x5  }
0xde: {  	v16 =	vadd.f32 v17, v16;
	_ =	sdelay $0x1  }
0xdf: {  	[tilespmem:$0x2B00] =	vst v16  }
0xe0: {  	v16 =	vld.idx.msk [tilespmem:v2+s9+$0x0], $0xffff  }
0xe1: {  	v17 =	vld.idx.msk [tilespmem:v3+s9+$0x0], $0xffff;
	_ =	sdelay $0x5  }
0xe2: {  	v16 =	vadd.f32 v17, v16;
	_ =	sdelay $0x1  }
0xe3: {  	[tilespmem:$0x2B10] =	vst v16  }
0xe4: {  	v16 =	vld.idx.msk [tilespmem:v4+s9+$0x0], $0xffff  }
0xe5: {  	v17 =	vld.idx.msk [tilespmem:v5+s9+$0x0], $0xffff;
	_ =	sdelay $0x5  }
0xe6: {  	v16 =	vadd.f32 v17, v16;
	_ =	sdelay $0x1  }
0xe7: {  	[tilespmem:$0x2B20] =	vst v16  }
0xe8: {  	v16 =	vld.idx.msk [tilespmem:v6+s9+$0x0], $0xffff  }
0xe9: {  	v17 =	vld.idx.msk [tilespmem:v7+s9+$0x0], $0xffff;
	_ =	sdelay $0x5  }
0xea: {  	v16 =	vadd.f32 v17, v16;
	_ =	sdelay $0x1  }
0xeb: {  	[tilespmem:$0x2B30] =	vst v16  }
0xec: {  	v16 =	vld.idx.msk [tilespmem:v8+s9+$0x0], $0xffff  }
0xed: {  	v17 =	vld.idx.msk [tilespmem:v9+s9+$0x0], $0xffff;
	_ =	sdelay $0x5  }
0xee: {  	v16 =	vadd.f32 v17, v16;
	_ =	sdelay $0x1  }
0xef: {  	[tilespmem:$0x2B40] =	vst v16  }
0xf0: {  	v16 =	vld.idx.msk [tilespmem:v10+s9+$0x0], $0xffff  }
0xf1: {  	v17 =	vld.idx.msk [tilespmem:v11+s9+$0x0], $0xffff;
	_ =	sdelay $0x5  }
0xf2: {  	v16 =	vadd.f32 v17, v16;
	_ =	sdelay $0x1  }
0xf3: {  	[tilespmem:$0x2B50] =	vst v16  }
0xf4: {  	v16 =	vld.idx.msk [tilespmem:v12+s9+$0x0], $0xffff  }
0xf5: {  	v17 =	vld.idx.msk [tilespmem:v13+s9+$0x0], $0xffff;
	_ =	sdelay $0x5  }
.Ltmp1:
0xf6: {  	v16 =	vadd.f32 v17, v16;
	(pc) =	sbr.rel @p0 .LBB2_1-.Ltmp1, $4  }
0xf7: {  	_ = 	snop  }
0xf8: {  	[tilespmem:$0x2B60] =	vst v16  }
0xf9: {  	v16 =	vld.idx.msk [tilespmem:v14+s9+$0x0], $0xffff  }
0xfa: {  	v17 =	vld.idx.msk [tilespmem:v15+s9+$0x0], $0xffff  }
.LBB2_2:
0xfb: {  	_ =	sdelay $0x3  }
0xfc: {  	v0 =	vadd.f32 v17, v16;
	_ =	sdelay $0x1  }
0xfd: {  	[tilespmem:$0x2B70] =	vst v0  }
0xfe: {  	[hbm4b:s10+s2] =	stream.linear.scatter [tilespmem:s11], [sflag:$0x1], $0x80, $0x38;
	[tilespmem:$0x2B80] =	vst v63  }
0xff: {  	_ =	swait.ge [sflag:s3], $0x80  }
0x100: {  	[sflag:s3] =	ssyncset.done $0x0  }
0x101: {  	[sflag:s3] =	ssyncadd.s32 $0xFFFFFF80  }
0x102: {  	_ =	sfence.sel $0x180000  }
0x103: {  	[bflag:$0x0] =	sbarrier.arrive $0xFFFF  }
0x104: {  	p0 =	sne.s32 s1, $0x0;
	_ =	strace $0x9000004D  }
0x105: {  	s0 =	sadd.s32 @!p0 $0x100000, s0;
	[bflag:$0x2] =	sbarrier.arrive $0xFFFF  }
0x106: {  	[sflag:s0] =	ssyncadd.tile.s32 @!p0 $0x1;
	_ =	shalt  }
.Lfunc_end2:
_tile_overlayer_lowered:
.L_overlay_start_2:
0x107: {  	(tag) =	ssettag $0x2  }
0x108: {  	s0 =	rddreg [dreg:$0x0];
	s2 =	stileid.u32  }
0x109: {  	s1 =	rddreg [dreg:$0x1];
	p0 =	sne.s32 s2, $0x0  }
0x10a: {  	s3 =	rddreg [dreg:$0x2];
	[bflag:$0x3] =	sbarrier.arrive $0xFFFF;
	s2 =	simm.s32 @!p0 $0x1C01  }
0x10b: {  	[timem:s3], [sflag:s2] =	dma.local @!p0 [hbm:s0], s1  }
0x10c: {  	s0 =	simm.s32 @!p0 $0x1  }
0x10d: {  	_ =	swait.ge @!p0 [sflag:s0], s1  }
0x10e: {  	s1 =	ssub.s32 @!p0 $0x0, s1;
	[sflag:s0] =	ssyncset.done @!p0 $0x0  }
0x10f: {  	[sflag:s0] =	ssyncadd.s32 @!p0 s1  }
0x110: {  	[bflag:$0x3] =	sbarrier.arrive $0xFFFF  }
0x111: {  	_ =	shalt  }

// kernel: _moe_sparse.7.cloned.1.call-start
scs
__scs_entry_jumppad:
0x0: {  	(pc) =	sbr.rel $0x88, $3  }
0x1: {  	(tag) =	ssettag $0x0;
	lr =	simm.s32 $0x1  }
0x2: {  	[smem:$0x3F97] =	sst lr;
	_ =	strace $0xD0000000  }
0x3: {  	_ = 	snop  }
0x4: {  	_ = 	snop  }
0x5: {  	_ = 	snop  }
0x6: {  	_ = 	snop  }
0x7: {  	_ = 	snop  }
__scs_overlays_trampoline_lowered:
0x8: {  	[smem:$0x3FA6] =	sst s0  }
0x9: {  	[smem:$0x3FA7] =	sst s1  }
0xa: {  	[smem:$0x3FA8] =	sst s2  }
0xb: {  	[smem:$0x3FA9] =	sst s3  }
0xc: {  	[smem:$0x3FAA] =	sst s4  }
0xd: {  	[smem:$0x3FAB] =	sst s5  }
0xe: {  	[smem:$0x3FAC] =	sst s6  }
0xf: {  	[smem:$0x3FAD] =	sst s7  }
0x10: {  	[smem:$0x3FAE] =	sst s8  }
0x11: {  	[smem:$0x3FAF] =	sst s9;
	s0 =	simm.s32 @!p0 $0x0  }
0x12: {  	s1 =	sld [smem:$0x3F95];
	s0 =	simm.s32 @p0 $0x1  }
0x13: {  	[smem:$0x3FB0] =	sst s0;
	s0 =	simm.s32 @!p1 $0x0  }
0x14: {  	s2 =	sld [smem:$0x3F94];
	s0 =	simm.s32 @p1 $0x1  }
0x15: {  	[smem:$0x3FB1] =	sst s0;
	s0 =	simm.s32 @!p2 $0x0  }
0x16: {  	s3 =	sld [smem:$0x3FDB];
	s0 =	simm.s32 @p2 $0x1  }
0x17: {  	s4 =	simm.s32 $0x1BF5;
	[smem:$0x3FB3] =	sst s0  }
0x18: {  	s0 =	sld [smem:$0x3F96];
	_ =	swait.ge [sflag:s4], $0x0  }
0x19: {  	s7 =	sld [smem:$0x3F97]  }
0x1a: {  	s8 =	sadd.s32 $0xFFFFE003, lr  }
0x1b: {  	s9 =	sadd.s32 $0xFFFFFEF7, lr;
	s5 =	simm.s32 $0xFFFFFFFF;
	p2 =	slt.u32 s8, $0xFFFFF086  }
0x1c: {  	p1 =	slt.u32 s9, $0xF7A;
	s5 =	simm.s32 @!p2 $0x0  }
0x1d: {  	s5 =	simm.s32 @p1 $0x1;
	p0 =	seq.s32 s7, s2  }
0x1e: {  	s7 =	smul.u32 @!p0 $0xF7A, s2;
	p2 =	seq.s32 @!p0 s5, $0x0  }
0x1f: {  	s9 =	smul.u32 $0xF7A, s1;
	s8 =	simm.s32 @!p0 $0x1BF5;
	p2 =	por !p2, p0  }
0x20: {  	[sflag:s8] =	ssyncset.s32 @!p0 $0xFFFFF086;
	s6 =	sadd.s32 @!p0 s3, s7;
	s7 =	simm.s32 @!p0 $0x108  }
0x21: {  	s3 =	sadd.s32 s3, s9;
	s6 =	sadd.s32 @!p0 $0x88, s6;
	s7 =	simm.s32 @p2 $0x1082  }
0x22: {  	[simem:s7], [sflag:s8] =	dma.local @!p0 [hbm:s6], $0xF7A  }
0x23: {  	s9 =	sor.u32 $0xD0000000, s2;
	s6 =	simm.s32 $0x108;
	_ =	swait.ge @!p0 [sflag:s8], $0x0  }
0x24: {  	s3 =	sadd.s32 $0x88, s3;
	s6 =	simm.s32 @!p1 $0x1082;
	[sflag:s4] =	ssyncset.s32 $0xFFFFF086  }
0x25: {  	[simem:s6], [sflag:s4] =	dma.local [hbm:s3], $0xF7A  }
0x26: {  	[smem:$0x3F97] =	sst s1;
	(tag) =	ssettag s2;
	_ =	strace s9  }
0x27: {  	s1 =	sld [smem:$0x3FA7]  }
0x28: {  	s2 =	sld [smem:$0x3FA8]  }
0x29: {  	s4 =	sld [smem:$0x3FAA]  }
0x2a: {  	p0 =	seq.s32 s5, $0x0;
	s5 =	sld [smem:$0x3FAB]  }
0x2b: {  	s6 =	sld [smem:$0x3FAC]  }
0x2c: {  	s7 =	sld [smem:$0x3FAD]  }
0x2d: {  	s3 =	simm.s32 $0x108;
	s8 =	sld [smem:$0x3FAE]  }
0x2e: {  	s3 =	simm.s32 @!p0 $0x1082;
	s9 =	sld [smem:$0x3FAF]  }
0x2f: {  	lr =	sadd.s32 s0, s3;
	s0 =	sld [smem:$0x3FA6]  }
0x30: {  	s3 =	sld [smem:$0x3FA9]  }
0x31: {  	[smem:$0x3FB2] =	sst s10  }
0x32: {  	s10 =	sld [smem:$0x3FB0];
	_ =	sdelay $0x3  }
0x33: {  	p0 =	seq.s32 s10, $0x1;
	s10 =	sld [smem:$0x3FB2];
	_ =	sdelay $0x3  }
0x34: {  	[smem:$0x3FB2] =	sst s10  }
0x35: {  	s10 =	sld [smem:$0x3FB1];
	_ =	sdelay $0x3  }
0x36: {  	p1 =	seq.s32 s10, $0x1;
	s10 =	sld [smem:$0x3FB2];
	_ =	sdelay $0x3  }
0x37: {  	[smem:$0x3FB2] =	sst s10  }
0x38: {  	s10 =	sld [smem:$0x3FB3]  }
0x39: {  	_ = 	snop;
	(pc) =	sbr.ind lr, $3  }
0x3a: {  	_ = 	snop  }
0x3b: {  	_ = 	snop  }
0x3c: {  	p2 =	seq.s32 s10, $0x1;
	s10 =	sld [smem:$0x3FB2]  }
0x3d: {  	_ =	shalt  }
0x3e: {  	_ =	shalt  }
0x3f: {  	_ =	shalt  }
0x40: {  	_ =	shalt  }
0x41: {  	_ =	shalt  }
0x42: {  	_ =	shalt  }
0x43: {  	_ =	shalt  }
0x44: {  	_ =	shalt  }
0x45: {  	_ =	shalt  }
0x46: {  	_ =	shalt  }
0x47: {  	_ =	shalt  }
0x48: {  	_ =	shalt  }
0x49: {  	_ =	shalt  }
0x4a: {  	_ =	shalt  }
0x4b: {  	_ =	shalt  }
0x4c: {  	_ =	shalt  }
0x4d: {  	_ =	shalt  }
0x4e: {  	_ =	shalt  }
0x4f: {  	_ =	shalt  }
0x50: {  	_ =	shalt  }
0x51: {  	_ =	shalt  }
0x52: {  	_ =	shalt  }
0x53: {  	_ =	shalt  }
0x54: {  	_ =	shalt  }
0x55: {  	_ =	shalt  }
0x56: {  	_ =	shalt  }
0x57: {  	_ =	shalt  }
0x58: {  	_ =	shalt  }
0x59: {  	_ =	shalt  }
0x5a: {  	_ =	shalt  }
0x5b: {  	_ =	shalt  }
0x5c: {  	_ =	shalt  }
0x5d: {  	_ =	shalt  }
0x5e: {  	_ =	shalt  }
0x5f: {  	_ =	shalt  }
0x60: {  	_ =	shalt  }
0x61: {  	_ =	shalt  }
0x62: {  	_ =	shalt  }
0x63: {  	_ =	shalt  }
0x64: {  	_ =	shalt  }
0x65: {  	_ =	shalt  }
0x66: {  	_ =	shalt  }
0x67: {  	_ =	shalt  }
0x68: {  	_ =	shalt  }
0x69: {  	_ =	shalt  }
0x6a: {  	_ =	shalt  }
0x6b: {  	_ =	shalt  }
0x6c: {  	_ =	shalt  }
0x6d: {  	_ =	shalt  }
0x6e: {  	_ =	shalt  }
0x6f: {  	_ =	shalt  }
0x70: {  	_ =	shalt  }
0x71: {  	_ =	shalt  }
0x72: {  	_ =	shalt  }
0x73: {  	_ =	shalt  }
0x74: {  	_ =	shalt  }
0x75: {  	_ =	shalt  }
0x76: {  	_ =	shalt  }
0x77: {  	_ =	shalt  }
0x78: {  	_ =	shalt  }
0x79: {  	_ =	shalt  }
0x7a: {  	_ =	shalt  }
0x7b: {  	_ =	shalt  }
0x7c: {  	_ =	shalt  }
0x7d: {  	_ =	shalt  }
0x7e: {  	_ =	shalt  }
0x7f: {  	_ =	shalt  }
0x80: {  	_ =	shalt  }
0x81: {  	_ =	shalt  }
0x82: {  	_ =	shalt  }
0x83: {  	_ =	shalt  }
0x84: {  	_ =	shalt  }
0x85: {  	_ =	shalt  }
0x86: {  	_ =	shalt  }
0x87: {  	_ =	shalt  }
.Lfunc_end0:
.L_simem_size_0:
called_computation_lowered:
.L_overlay_start_0:
0x88: {  	s2 =	sld [smem:$0x3FD9]  }
0x89: {  	s3 =	sld [smem:$0x3FFE];
	_ =	sdelay $0x1  }
0x8a: {  	s1 =	srdreg.scid  }
0x8b: {  	s0 =	sand.u32 $0x1, s1  }
0x8c: {  	s17 =	sshll.u32 s0, $0xA;
	s2 =	sadd.s32 s3, s2  }
0x8d: {  	s2 =	sadd.s32 s2, s17  }
0x8e: {  	[smem:$0x3FBE] =	sst s2  }
0x8f: {  	_ = 	snop  }
0x90: {  	s2 =	sld [smem:$0x3FD0];
	(tm) =	ssettm $0x1  }
0x91: {  	s18 =	sld [smem:$0x3FFB];
	_ =	sdelay $0x3  }
0x92: {  	_ =	strace s18  }
0x93: {  	s3 =	sld [smem:$0x3FFC];
	_ =	sdelay $0x3  }
0x94: {  	_ =	strace s3  }
0x95: {  	s3 =	sld [smem:$0x3FFD];
	_ =	sdelay $0x3  }
0x96: {  	_ =	strace s3  }
0x97: {  	_ =	strace $0x8FFFFFFF  }
0x98: {  	s19 =	sld [smem:$0x3FDB];
	_ =	sdelay $0x1  }
0x99: {  	s4 =	simm.s32 $_scs_section_size  }
0x9a: {  	s5 =	simm.s32 $_size__tile_overlayer_lowered;
	s6 =	simm.s32 $_tile_overlayer_lowered  }
0x9b: {  	s22 =	simm.s32 $0x1BFF;
	s21 =	sshll.u32 s6, $0x1;
	s3 =	sadd.s32 s4, s19  }
0x9c: {  	s7 =	simm.s32 $0x0;
	s20 =	sshll.u32 s5, $0x1;
	s5 =	sadd.s32 s21, s3  }
0x9d: {  	[timem:s7], [sflag:s22] =	dma.local [hbm:s5], s20  }
0x9e: {  	_ =	swait.ge [sflag:s22], s20  }
0x9f: {  	s4 =	ssub.s32 $0x0, s20;
	[sflag:s22] =	ssyncset.done $0x0  }
0xa0: {  	[sflag:s22] =	ssyncadd.s32 s4;
	_ =	sdelay $0x1  }
0xa1: {  	s23 =	simm.s32 $0x1B8B  }
0xa2: {  	_ =	swait.ge [sflag:s23], $0x1  }
0xa3: {  	[sflag:s23] =	ssyncset.done $0x0  }
0xa4: {  	s25 =	simm.s32 $0x1B8E;
	s24 =	sld [smem:$0x3FFE];
	[sflag:s23] =	ssyncadd.s32 $0xFFFFFFFF  }
0xa5: {  	s26 =	simm.s32 $execute0_lowered;
	[smem:$0x3FD2] =	sst s25  }
0xa6: {  	s5 =	sshll.u32 s26, $0x1;
	_ =	strace $0x80000046;
	[dreg:$0x1] =	wrdreg $0xFFFFFFFF  }
0xa7: {  	s28 =	simm.s32 $_size_execute0_lowered;
	s3 =	sadd.s32 s3, s5;
	[dreg:$0x0] =	wrdreg $0x0  }
0xa8: {  	s5 =	sshll.u32 s28, $0x1;
	[dreg:$0x2] =	wrdreg s3  }
0xa9: {  	[dreg:$0x3] =	wrdreg s5  }
0xaa: {  	[dreg:$0x4] =	wrdreg $0xC0  }
0xab: {  	_ =	task [dreg:s7], $0x5FFFF  }
0xac: {  	[dreg:$0x1] =	wrdreg $0xFFFFFFFF  }
0xad: {  	[dreg:$0x0] =	wrdreg $0x60  }
0xae: {  	[dreg:$0x2] =	wrdreg s24  }
0xaf: {  	[dreg:$0x3] =	wrdreg s2  }
0xb0: {  	[dreg:$0x4] =	wrdreg $0x9  }
0xb1: {  	_ =	task.clear_ibuf [dreg:s7], $0x5FFFF;
	_ =	strace $0x90000046  }
0xb2: {  	s29 =	simm.s32 $0x9;
	_ =	strace $0x80000048  }
0xb3: {  	_ =	swait.ge [sflag:s29], $0x1  }
0xb4: {  	[sflag:s29] =	ssyncadd.s32 $0xFFFFFFFF  }
0xb5: {  	_ =	strace $0x90000048  }
0xb6: {  	_ =	sfence  }
0xb7: {  	s30 =	sld [smem:$0x0];
	_ =	sdelay $0x2  }
0xb8: {  	s31 =	sshll.u32 s1, $0xD;
	s1 =	sshrl.u32 s1, $0x2  }
0xb9: {  	s3 =	sand.u32 $0x4000, s31;
	s1 =	sadd.s32 s1, s30  }
0xba: {  	s0 =	sor.u32 s3, s0;
	s1 =	sshll.u32 s1, $0x11  }
0xbb: {  	s0 =	sor.u32 s1, s0  }
0xbc: {  	s0 =	sadd.s32 $0x8F2B, s0  }
0xbd: {  	[sflag:s0] =	ssyncadd.remote.s32 $0x1  }
0xbe: {  	_ =	sfence.sel $0xFFFF  }
0xbf: {  	[dreg:$0x0] =	wrdreg $0xFFFFFFFF;
	(pc) =	sbr.abs _section_cstart, $3  }
0xc0: {  	[dreg:$0x1] =	wrdreg $0xFFFFFFFF  }
0xc1: {  	_ =	task.clear_ibuf [dreg:s7], $0x2FFFF;
	_ =	strace $0x9FFFFFFF  }
0xc2: {  	(tm) =	ssettm $0x7FFFFFFF  }
0xc3: {  	_ =	shalt  }
tec
execute0_lowered:
.L_overlay_start_1:
0x0: {  	(tag) =	ssettag $0x1  }
0x1: {  	s2 =	srdreg.scid  }
0x2: {  	s8 =	sand.u32 $0x1, s2  }
0x3: {  	s2 =	stileid.u32;
	s5 =	sshll.u32 s8, $0x4  }
0x4: {  	s4 =	rddreg [dreg:$0x0];
	s12 =	sor.u32 s2, s5  }
0x5: {  	s1 =	rddreg [dreg:$0x1];
	p0 =	seq.s32 s12, $0x1F  }
0x6: {  	s0 =	rddreg [dreg:$0x2];
	s3 =	simm.s32 $0x0;
	s9 =	simm.s32 @!p0 $0x0  }
0x7: {  	[smem:$0x7FF] =	sst s3;
	s9 =	simm.s32 @p0 $0x1;
	p0 =	sgt.u32 s12, $0x1D  }
0x8: {  	_ =	strace $0x80000047;
	[smem:$0x7E4] =	sst s9;
	s9 =	simm.s32 @!p0 $0x0  }
0x9: {  	s9 =	simm.s32 @p0 $0x1;
	p0 =	sgt.u32 s12, $0x1C  }
0xa: {  	[smem:$0x7E5] =	sst s9;
	s9 =	simm.s32 @!p0 $0x0  }
0xb: {  	s9 =	simm.s32 @p0 $0x1;
	p0 =	sgt.u32 s12, $0x1B  }
0xc: {  	[smem:$0x7E6] =	sst s9;
	s9 =	simm.s32 @!p0 $0x0  }
0xd: {  	s9 =	simm.s32 @p0 $0x1;
	p0 =	sgt.u32 s12, $0x1A  }
0xe: {  	[smem:$0x7E7] =	sst s9;
	s9 =	simm.s32 @!p0 $0x0  }
0xf: {  	s9 =	simm.s32 @p0 $0x1;
	p0 =	seq.s32 s8, $0x0  }
0x10: {  	s31 =	ssub.s32 $0x2, s8;
	p5 =	sne.s32 s8, $0x0;
	s8 =	simm.s32 @!p0 $0x0  }
0x11: {  	s8 =	simm.s32 @p0 $0x1;
	p0 =	sgt.u32 s12, $0x19  }
0x12: {  	s13 =	simm.s32 @!p0 $0x0  }
0x13: {  	s13 =	simm.s32 @p0 $0x1;
	p0 =	sgt.u32 s12, $0x18  }
0x14: {  	[smem:$0x7EA] =	sst s13;
	s13 =	simm.s32 @!p0 $0x0  }
0x15: {  	s13 =	simm.s32 @p0 $0x1;
	p0 =	sgt.u32 s12, $0x17  }
0x16: {  	[smem:$0x7EB] =	sst s13;
	s13 =	simm.s32 @!p0 $0x0  }
0x17: {  	s13 =	simm.s32 @p0 $0x1;
	p0 =	sgt.u32 s12, $0x16  }
0x18: {  	[smem:$0x7EC] =	sst s13;
	s13 =	simm.s32 @!p0 $0x0  }
0x19: {  	s13 =	simm.s32 @p0 $0x1;
	p0 =	sgt.u32 s12, $0x15  }
0x1a: {  	[smem:$0x7ED] =	sst s13;
	s13 =	simm.s32 @!p0 $0x0  }
0x1b: {  	s13 =	simm.s32 @p0 $0x1;
	p0 =	sgt.u32 s12, $0x14  }
0x1c: {  	[smem:$0x7EE] =	sst s13;
	s13 =	simm.s32 @!p0 $0x0  }
0x1d: {  	s13 =	simm.s32 @p0 $0x1;
	p0 =	sgt.u32 s12, $0x13  }
0x1e: {  	[smem:$0x7EF] =	sst s13;
	s13 =	simm.s32 @!p0 $0x0  }
0x1f: {  	s13 =	simm.s32 @p0 $0x1;
	p0 =	sgt.u32 s12, $0x12  }
0x20: {  	[smem:$0x7F0] =	sst s13;
	s13 =	simm.s32 @!p0 $0x0  }
0x21: {  	s13 =	simm.s32 @p0 $0x1;
	p0 =	sgt.u32 s12, $0x11  }
0x22: {  	[smem:$0x7F1] =	sst s13;
	s13 =	simm.s32 @!p0 $0x0  }
0x23: {  	s13 =	simm.s32 @p0 $0x1;
	p0 =	sgt.u32 s12, $0x10  }
0x24: {  	[smem:$0x7F2] =	sst s13;
	s13 =	simm.s32 @!p0 $0x0  }
0x25: {  	s13 =	simm.s32 @p0 $0x1;
	p0 =	sgt.u32 s12, $0xE  }
0x26: {  	[smem:$0x7F3] =	sst s13;
	s13 =	simm.s32 @!p0 $0x0  }
0x27: {  	s13 =	simm.s32 @p0 $0x1;
	p0 =	sgt.u32 s12, $0xD  }
0x28: {  	[smem:$0x7F4] =	sst s13;
	s13 =	simm.s32 @!p0 $0x0  }
0x29: {  	s13 =	simm.s32 @p0 $0x1;
	p0 =	sgt.u32 s12, $0xC  }
0x2a: {  	s10 =	simm.s32 $0x1100;
	[smem:$0x7F5] =	sst s13;
	s13 =	simm.s32 @!p0 $0x0  }
0x2b: {  	s11 =	simm.s32 $0x1180;
	s13 =	simm.s32 @p0 $0x1;
	p0 =	sgt.u32 s12, $0xB  }
0x2c: {  	s7 =	sshrl.u32 s31, $0x1;
	[smem:$0x7F6] =	sst s13;
	s13 =	simm.s32 @!p0 $0x0  }
0x2d: {  	s6 =	sshll.u32 s12, $0x5;
	s13 =	simm.s32 @p0 $0x1;
	p0 =	sgt.u32 s12, $0xA  }
0x2e: {  	s7 =	ssub.s32 s31, s7;
	[smem:$0x7F7] =	sst s13;
	s13 =	simm.s32 @!p0 $0x0  }
0x2f: {  	p2 =	sgt.u32 s12, $0x4;
	s13 =	simm.s32 @p0 $0x1;
	p0 =	sgt.u32 s12, $0x9  }
0x30: {  	p3 =	sgt.u32 s12, $0x3;
	[smem:$0x7F8] =	sst s13;
	s13 =	simm.s32 @!p0 $0x0  }
0x31: {  	p4 =	sgt.u32 s12, $0x2;
	s13 =	simm.s32 @p0 $0x1;
	p0 =	sgt.u32 s12, $0x8  }
0x32: {  	p6 =	sgt.u32 s12, $0x1;
	[smem:$0x7F9] =	sst s13;
	s13 =	simm.s32 @!p0 $0x0  }
0x33: {  	s6 =	sadd.s32 s6, s4;
	s13 =	simm.s32 @p0 $0x1;
	p0 =	sgt.u32 s12, $0x7  }
0x34: {  	s4 =	sadd.s32 $0x53200, s4;
	[smem:$0x7FA] =	sst s13;
	s13 =	simm.s32 @!p0 $0x0  }
0x35: {  	s7 =	smax.u32 s7, $0x1;
	s13 =	simm.s32 @p0 $0x1;
	p0 =	sgt.u32 s12, $0x6  }
0x36: {  	s5 =	sadd.s32 $0x52E00, s6;
	[smem:$0x7FB] =	sst s13;
	s13 =	simm.s32 @!p0 $0x0  }
0x37: {  	[smem:$0x7E8] =	sst s9;
	s13 =	simm.s32 @p0 $0x1;
	p0 =	sgt.u32 s12, $0x5  }
0x38: {  	s6 =	sadd.s32 $0x53400, s6;
	[smem:$0x7FC] =	sst s13;
	s13 =	simm.s32 @!p0 $0x0  }
0x39: {  	s9 =	simm.s32 $0x100;
	[smem:$0x7E9] =	sst s8;
	s13 =	simm.s32 @p0 $0x1  }
0x3a: {  	v1 =	vimm.s32 $0x1;
	vm0 =	vmmov @!p5 $0xffff;
	v0 =	vmov s12;
	s8 =	simm.s32 $0x2;
	p0 =	seq.s32 s12, $0x0;
	[smem:$0x7FD] =	sst s13  }
.LBB2_1:
0x3b: {  	[tilespmem:s3], [sflag:$0x2] =	stream.linear.gather [hbm4b:s5+s3], $0x100, $0x38;
	[tilespmem:$0x1300] =	vst v63  }
0x3c: {  	_ =	swait.ge [sflag:s8], $0x100  }
0x3d: {  	[sflag:s8] =	ssyncset.done $0x0  }
0x3e: {  	[sflag:s8] =	ssyncadd.s32 $0xFFFFFF00  }
0x3f: {  	[tilespmem:s9], [sflag:$0x2] =	stream.linear.gather [hbm4b:s1+s3], $0x1000, $0x38;
	[tilespmem:$0x1300] =	vst v63  }
0x40: {  	_ =	swait.ge [sflag:s8], $0x1000  }
0x41: {  	[sflag:s8] =	ssyncset.done $0x0  }
0x42: {  	[sflag:s8] =	ssyncadd.s32 $0xFFFFF000  }
0x43: {  	v2 =	vld [tilespmem:$0x100]  }
0x44: {  	v3 =	vld [tilespmem:$0x180]  }
0x45: {  	v4 =	vld [tilespmem:$0x200]  }
0x46: {  	v5 =	vld [tilespmem:$0x280]  }
0x47: {  	v6 =	vld [tilespmem:$0x300]  }
0x48: {  	v7 =	vld [tilespmem:$0x380]  }
0x49: {  	v8 =	vld [tilespmem:$0x400];
	v9 =	vadd.s32 v3, v2  }
0x4a: {  	v10 =	vld [tilespmem:$0x480];
	v9 =	vadd.s32 v4, v9  }
0x4b: {  	v11 =	vld [tilespmem:$0x500];
	v9 =	vadd.s32 v5, v9  }
0x4c: {  	v12 =	vld [tilespmem:$0x580];
	v9 =	vadd.s32 v6, v9  }
0x4d: {  	v13 =	vld [tilespmem:$0x600];
	v9 =	vadd.s32 v7, v9  }
0x4e: {  	v14 =	vld [tilespmem:$0x680];
	v9 =	vadd.s32 v8, v9  }
0x4f: {  	v15 =	vld [tilespmem:$0x700];
	v9 =	vadd.s32 v10, v9  }
0x50: {  	v16 =	vld [tilespmem:$0x780];
	v9 =	vadd.s32 v11, v9  }
0x51: {  	v17 =	vld [tilespmem:$0x800];
	v9 =	vadd.s32 v12, v9  }
0x52: {  	v18 =	vld [tilespmem:$0x880];
	v9 =	vadd.s32 v13, v9  }
0x53: {  	s12 =	sld [smem:$0x7FD];
	v19 =	vld [tilespmem:$0x900];
	v2 =	vpsel p0, $0x0, v2;
	v3 =	vpsel !p6, $0x0, v3;
	v9 =	vadd.s32 v14, v9  }
0x54: {  	s24 =	sld [smem:$0x7FC];
	v20 =	vld [tilespmem:$0x980];
	v2 =	vadd.s32 v2, v3;
	v3 =	vpsel !p4, $0x0, v4;
	v9 =	vadd.s32 v15, v9  }
0x55: {  	s25 =	sld [smem:$0x7FB];
	v21 =	vld [tilespmem:$0xA00];
	v2 =	vadd.s32 v3, v2;
	v3 =	vpsel !p3, $0x0, v5;
	v9 =	vadd.s32 v16, v9  }
0x56: {  	s26 =	sld [smem:$0x7FA];
	v22 =	vld [tilespmem:$0xA80];
	p1 =	seq.s32 s12, $0x1;
	v2 =	vadd.s32 v3, v2;
	v3 =	vpsel !p2, $0x0, v6;
	v9 =	vadd.s32 v17, v9  }
0x57: {  	s28 =	sld [smem:$0x7F9];
	v23 =	vld [tilespmem:$0xB00];
	v2 =	vadd.s32 v3, v2;
	v3 =	vpsel !p1, $0x0, v7;
	p1 =	seq.s32 s24, $0x1;
	v9 =	vadd.s32 v18, v9  }
0x58: {  	s29 =	sld [smem:$0x7F8];
	v24 =	vld [tilespmem:$0xB80];
	v2 =	vadd.s32 v3, v2;
	v3 =	vpsel !p1, $0x0, v8;
	p1 =	seq.s32 s25, $0x1;
	v9 =	vadd.s32 v19, v9  }
0x59: {  	s30 =	sld [smem:$0x7F7];
	v25 =	vld [tilespmem:$0xC00];
	v2 =	vadd.s32 v3, v2;
	v3 =	vpsel !p1, $0x0, v10;
	p1 =	seq.s32 s26, $0x1;
	v9 =	vadd.s32 v20, v9  }
0x5a: {  	s31 =	sld [smem:$0x7F6];
	v26 =	vld [tilespmem:$0xC80];
	v2 =	vadd.s32 v3, v2;
	v3 =	vpsel !p1, $0x0, v11;
	p1 =	seq.s32 s28, $0x1;
	v9 =	vadd.s32 v21, v9  }
0x5b: {  	s13 =	sld [smem:$0x7F5];
	v27 =	vld [tilespmem:$0xD00];
	v2 =	vadd.s32 v3, v2;
	v3 =	vpsel !p1, $0x0, v12;
	p1 =	seq.s32 s29, $0x1;
	v9 =	vadd.s32 v22, v9  }
0x5c: {  	s14 =	sld [smem:$0x7F4];
	v28 =	vld [tilespmem:$0xD80];
	v2 =	vadd.s32 v3, v2;
	v3 =	vpsel !p1, $0x0, v13;
	p1 =	seq.s32 s30, $0x1;
	v9 =	vadd.s32 v23, v9  }
0x5d: {  	s15 =	sld [smem:$0x7E9];
	v29 =	vld [tilespmem:$0xE00];
	v2 =	vadd.s32 v3, v2;
	v3 =	vpsel !p1, $0x0, v14;
	p1 =	seq.s32 s31, $0x1;
	v9 =	vadd.s32 v24, v9  }
0x5e: {  	s16 =	sld [smem:$0x7F3];
	v30 =	vld [tilespmem:$0xE80];
	v2 =	vadd.s32 v3, v2;
	v3 =	vpsel !p1, $0x0, v15;
	p1 =	seq.s32 s13, $0x1;
	v9 =	vadd.s32 v25, v9  }
0x5f: {  	s17 =	sld [smem:$0x7F2];
	v31 =	vld [tilespmem:$0xF00];
	v2 =	vadd.s32 v3, v2;
	v3 =	vpsel !p1, $0x0, v16;
	p1 =	seq.s32 s14, $0x1;
	v9 =	vadd.s32 v26, v9  }
0x60: {  	s18 =	sld [smem:$0x7F1];
	v32 =	vld [tilespmem:$0xF80];
	v2 =	vadd.s32 v3, v2;
	v3 =	vpsel !p1, $0x0, v17;
	p1 =	seq.s32 s15, $0x1;
	v9 =	vadd.s32 v27, v9  }
0x61: {  	s19 =	sld [smem:$0x7F0];
	v33 =	vld [tilespmem:$0x1000];
	v2 =	vadd.s32 v3, v2;
	v3 =	vpsel p1, $0x0, v18;
	p1 =	seq.s32 s16, $0x1;
	v9 =	vadd.s32 v28, v9  }
0x62: {  	s20 =	sld [smem:$0x7EF];
	v34 =	vld [tilespmem:$0x1080];
	v2 =	vadd.s32 v3, v2;
	v3 =	vpsel !p1, $0x0, v19;
	p1 =	seq.s32 s17, $0x1;
	v9 =	vadd.s32 v29, v9  }
0x63: {  	s21 =	sld [smem:$0x7EE];
	v2 =	vadd.s32 v3, v2;
	v3 =	vpsel !p1, $0x0, v20;
	p1 =	seq.s32 s18, $0x1;
	v9 =	vadd.s32 v30, v9  }
0x64: {  	s22 =	sld [smem:$0x7ED];
	v36 =	vld [tilespmem:$0x0];
	v2 =	vadd.s32 v3, v2;
	v3 =	vpsel !p1, $0x0, v21;
	p1 =	seq.s32 s19, $0x1;
	v9 =	vadd.s32 v31, v9  }
0x65: {  	s23 =	sld [smem:$0x7EC];
	v2 =	vadd.s32 v3, v2;
	v3 =	vpsel !p1, $0x0, v22;
	p1 =	seq.s32 s20, $0x1;
	v35 =	vadd.s32 v32, v9  }
0x66: {  	s24 =	sld [smem:$0x7EB];
	v2 =	vadd.s32 v3, v2;
	v3 =	vpsel !p1, $0x0, v23;
	p1 =	seq.s32 s21, $0x1;
	v4 =	vadd.s32 v33, v35  }
0x67: {  	s25 =	sld [smem:$0x7EA];
	v2 =	vadd.s32 v3, v2;
	v3 =	vpsel !p1, $0x0, v24;
	p1 =	seq.s32 s22, $0x1;
	v4 =	vadd.s32 v34, v4  }
0x68: {  	s26 =	sld [smem:$0x7E8];
	v3 =	vadd.s32 v3, v2;
	v37 =	vpsel !p1, $0x0, v25;
	p1 =	seq.s32 s23, $0x1;
	v4 =	vadd.s32 $0x7F, v4  }
0x69: {  	(xrf1) =	vunique.msk.u32 $0xffff, v36;
	s28 =	sld [smem:$0x7E7];
	v3 =	vadd.s32 v37, v3;
	v38 =	vpsel !p1, $0x0, v26;
	p1 =	seq.s32 s24, $0x1;
	v2 =	vand.u32 $0xFFFFFF80, v4  }
0x6a: {  	s29 =	sld [smem:$0x7E6];
	v3 =	vadd.s32 v38, v3;
	v39 =	vpsel !p1, $0x0, v27;
	p1 =	seq.s32 s25, $0x1;
	(xrf0) =	vadd.scan.msk.s32 $0xffff, v2  }
0x6b: {  	s30 =	sld [smem:$0x7E5];
	v3 =	vadd.s32 v39, v3;
	v40 =	vpsel !p1, $0x0, v28;
	p1 =	seq.s32 s26, $0x1  }
0x6c: {  	s31 =	sld [smem:$0x7E4];
	v3 =	vadd.s32 v40, v3;
	v41 =	vpsel !p1, $0x0, v29;
	p1 =	seq.s32 s28, $0x1  }
0x6d: {  	v3 =	vadd.s32 v41, v3;
	v42 =	vpsel !p1, $0x0, v30;
	p1 =	seq.s32 s29, $0x1  }
0x6e: {  	v3 =	vadd.s32 v42, v3;
	v43 =	vpsel !p1, $0x0, v31;
	p1 =	seq.s32 s30, $0x1  }
0x6f: {  	v3 =	vadd.s32 v43, v3;
	v44 =	vpsel !p1, $0x0, v32;
	p1 =	seq.s32 s31, $0x1  }
0x70: {  	v3 =	vadd.s32 v44, v3;
	v45 =	vpsel !p1, $0x0, v33;
	v46, _, _ =	vpop (xrf0)  }
0x71: {  	v4 =	vadd.s32 v45, v3;
	v3 =	vsub.s32 v46, v2  }
0x72: {  	v4 =	vadd.s32 v3, v4  }
0x73: {  	[tilespmem:$0x1100] =	vst v4  }
0x74: {  	v4 =	vld.idx.msk [tilespmem:v36+s10+$0x0], $0xffff;
	_ =	sdelay $0x3  }
0x75: {  	_, v47, _ =	vpop (xrf1)  }
0x76: {  	v4 =	vadd.s32 v47, v4  }
0x77: {  	v4 =	vadd.s32 $0xFFFFFFFF, v4  }
0x78: {  	[tilespmem:$0x1180] =	vst v4  }
0x79: {  	[tilespmem:v36+s10+$0x0] =	vst.idx.add.s32.msk $0xffff, v1  }
0x7a: {  	v48 =	vld [tilespmem:$0x10];
	_ =	sdelay $0x4  }
0x7b: {  	(xrf1) =	vunique.msk.u32 $0xffff, v48;
	_ =	sdelay $0x9  }
0x7c: {  	v5 =	vld.idx.msk [tilespmem:v48+s10+$0x0], $0xffff;
	_ =	sdelay $0x3  }
0x7d: {  	_, v49, _ =	vpop (xrf1)  }
0x7e: {  	v5 =	vadd.s32 v49, v5  }
0x7f: {  	v5 =	vadd.s32 $0xFFFFFFFF, v5  }
0x80: {  	[tilespmem:$0x1190] =	vst v5  }
0x81: {  	[tilespmem:v48+s10+$0x0] =	vst.idx.add.s32.msk $0xffff, v1  }
0x82: {  	v4 =	vld [tilespmem:$0x20];
	_ =	sdelay $0x4  }
0x83: {  	(xrf1) =	vunique.msk.u32 $0xffff, v4;
	_ =	sdelay $0x9  }
0x84: {  	v5 =	vld.idx.msk [tilespmem:v4+s10+$0x0], $0xffff;
	_ =	sdelay $0x3  }
0x85: {  	_, v50, _ =	vpop (xrf1)  }
0x86: {  	v5 =	vadd.s32 v50, v5  }
0x87: {  	v5 =	vadd.s32 $0xFFFFFFFF, v5  }
0x88: {  	[tilespmem:$0x11A0] =	vst v5  }
0x89: {  	[tilespmem:v4+s10+$0x0] =	vst.idx.add.s32.msk $0xffff, v1  }
0x8a: {  	v4 =	vld [tilespmem:$0x30];
	_ =	sdelay $0x4  }
0x8b: {  	(xrf1) =	vunique.msk.u32 $0xffff, v4;
	_ =	sdelay $0x9  }
0x8c: {  	v5 =	vld.idx.msk [tilespmem:v4+s10+$0x0], $0xffff;
	_ =	sdelay $0x3  }
0x8d: {  	_, v51, _ =	vpop (xrf1)  }
0x8e: {  	v5 =	vadd.s32 v51, v5  }
0x8f: {  	v5 =	vadd.s32 $0xFFFFFFFF, v5  }
0x90: {  	[tilespmem:$0x11B0] =	vst v5  }
0x91: {  	[tilespmem:v4+s10+$0x0] =	vst.idx.add.s32.msk $0xffff, v1  }
0x92: {  	v4 =	vld [tilespmem:$0x40];
	_ =	sdelay $0x4  }
0x93: {  	(xrf1) =	vunique.msk.u32 $0xffff, v4;
	_ =	sdelay $0x9  }
0x94: {  	v5 =	vld.idx.msk [tilespmem:v4+s10+$0x0], $0xffff;
	_ =	sdelay $0x3  }
0x95: {  	_, v52, _ =	vpop (xrf1)  }
0x96: {  	v5 =	vadd.s32 v52, v5  }
0x97: {  	v5 =	vadd.s32 $0xFFFFFFFF, v5  }
0x98: {  	[tilespmem:$0x11C0] =	vst v5  }
0x99: {  	[tilespmem:v4+s10+$0x0] =	vst.idx.add.s32.msk $0xffff, v1  }
0x9a: {  	v4 =	vld [tilespmem:$0x50];
	_ =	sdelay $0x4  }
0x9b: {  	(xrf1) =	vunique.msk.u32 $0xffff, v4;
	_ =	sdelay $0x9  }
0x9c: {  	v5 =	vld.idx.msk [tilespmem:v4+s10+$0x0], $0xffff;
	_ =	sdelay $0x3  }
0x9d: {  	_, v53, _ =	vpop (xrf1)  }
0x9e: {  	v5 =	vadd.s32 v53, v5  }
0x9f: {  	v5 =	vadd.s32 $0xFFFFFFFF, v5  }
0xa0: {  	[tilespmem:$0x11D0] =	vst v5  }
0xa1: {  	[tilespmem:v4+s10+$0x0] =	vst.idx.add.s32.msk $0xffff, v1  }
0xa2: {  	v4 =	vld [tilespmem:$0x60];
	_ =	sdelay $0x4  }
0xa3: {  	(xrf1) =	vunique.msk.u32 $0xffff, v4;
	_ =	sdelay $0x9  }
0xa4: {  	v5 =	vld.idx.msk [tilespmem:v4+s10+$0x0], $0xffff;
	_ =	sdelay $0x3  }
0xa5: {  	_, v54, _ =	vpop (xrf1)  }
0xa6: {  	v5 =	vadd.s32 v54, v5  }
0xa7: {  	v5 =	vadd.s32 $0xFFFFFFFF, v5  }
0xa8: {  	[tilespmem:$0x11E0] =	vst v5  }
0xa9: {  	[tilespmem:v4+s10+$0x0] =	vst.idx.add.s32.msk $0xffff, v1  }
0xaa: {  	v4 =	vld [tilespmem:$0x70];
	_ =	sdelay $0x4  }
0xab: {  	(xrf1) =	vunique.msk.u32 $0xffff, v4;
	_ =	sdelay $0x9  }
0xac: {  	v5 =	vld.idx.msk [tilespmem:v4+s10+$0x0], $0xffff;
	_ =	sdelay $0x3  }
0xad: {  	_, v55, _ =	vpop (xrf1)  }
0xae: {  	v5 =	vadd.s32 v55, v5  }
0xaf: {  	v5 =	vadd.s32 $0xFFFFFFFF, v5  }
0xb0: {  	[tilespmem:$0x11F0] =	vst v5  }
0xb1: {  	[tilespmem:v4+s10+$0x0] =	vst.idx.add.s32.msk $0xffff, v1  }
0xb2: {  	v4 =	vld [tilespmem:$0x80];
	_ =	sdelay $0x4  }
0xb3: {  	(xrf1) =	vunique.msk.u32 $0xffff, v4;
	_ =	sdelay $0x9  }
0xb4: {  	v5 =	vld.idx.msk [tilespmem:v4+s10+$0x0], $0xffff;
	_ =	sdelay $0x3  }
0xb5: {  	_, v56, _ =	vpop (xrf1)  }
0xb6: {  	v5 =	vadd.s32 v56, v5  }
0xb7: {  	v5 =	vadd.s32 $0xFFFFFFFF, v5  }
0xb8: {  	[tilespmem:$0x1200] =	vst v5  }
0xb9: {  	[tilespmem:v4+s10+$0x0] =	vst.idx.add.s32.msk $0xffff, v1  }
0xba: {  	v4 =	vld [tilespmem:$0x90];
	_ =	sdelay $0x4  }
0xbb: {  	(xrf1) =	vunique.msk.u32 $0xffff, v4;
	_ =	sdelay $0x9  }
0xbc: {  	v5 =	vld.idx.msk [tilespmem:v4+s10+$0x0], $0xffff;
	_ =	sdelay $0x3  }
0xbd: {  	_, v57, _ =	vpop (xrf1)  }
0xbe: {  	v5 =	vadd.s32 v57, v5  }
0xbf: {  	v5 =	vadd.s32 $0xFFFFFFFF, v5  }
0xc0: {  	[tilespmem:$0x1210] =	vst v5  }
0xc1: {  	[tilespmem:v4+s10+$0x0] =	vst.idx.add.s32.msk $0xffff, v1  }
0xc2: {  	v4 =	vld [tilespmem:$0xA0];
	_ =	sdelay $0x4  }
0xc3: {  	(xrf1) =	vunique.msk.u32 $0xffff, v4;
	_ =	sdelay $0x9  }
0xc4: {  	v5 =	vld.idx.msk [tilespmem:v4+s10+$0x0], $0xffff;
	_ =	sdelay $0x3  }
0xc5: {  	_, v58, _ =	vpop (xrf1)  }
0xc6: {  	v5 =	vadd.s32 v58, v5  }
0xc7: {  	v5 =	vadd.s32 $0xFFFFFFFF, v5  }
0xc8: {  	[tilespmem:$0x1220] =	vst v5  }
0xc9: {  	[tilespmem:v4+s10+$0x0] =	vst.idx.add.s32.msk $0xffff, v1  }
0xca: {  	v4 =	vld [tilespmem:$0xB0];
	_ =	sdelay $0x4  }
0xcb: {  	(xrf1) =	vunique.msk.u32 $0xffff, v4;
	_ =	sdelay $0x9  }
0xcc: {  	v5 =	vld.idx.msk [tilespmem:v4+s10+$0x0], $0xffff;
	_ =	sdelay $0x3  }
0xcd: {  	_, v59, _ =	vpop (xrf1)  }
0xce: {  	v5 =	vadd.s32 v59, v5  }
0xcf: {  	v5 =	vadd.s32 $0xFFFFFFFF, v5  }
0xd0: {  	[tilespmem:$0x1230] =	vst v5  }
0xd1: {  	[tilespmem:v4+s10+$0x0] =	vst.idx.add.s32.msk $0xffff, v1  }
0xd2: {  	v4 =	vld [tilespmem:$0xC0];
	_ =	sdelay $0x4  }
0xd3: {  	(xrf1) =	vunique.msk.u32 $0xffff, v4;
	_ =	sdelay $0x9  }
0xd4: {  	v5 =	vld.idx.msk [tilespmem:v4+s10+$0x0], $0xffff;
	_ =	sdelay $0x3  }
0xd5: {  	_, v60, _ =	vpop (xrf1)  }
0xd6: {  	v5 =	vadd.s32 v60, v5  }
0xd7: {  	v5 =	vadd.s32 $0xFFFFFFFF, v5  }
0xd8: {  	[tilespmem:$0x1240] =	vst v5  }
0xd9: {  	[tilespmem:v4+s10+$0x0] =	vst.idx.add.s32.msk $0xffff, v1  }
0xda: {  	v4 =	vld [tilespmem:$0xD0];
	_ =	sdelay $0x4  }
0xdb: {  	(xrf1) =	vunique.msk.u32 $0xffff, v4;
	_ =	sdelay $0x9  }
0xdc: {  	v5 =	vld.idx.msk [tilespmem:v4+s10+$0x0], $0xffff;
	_ =	sdelay $0x3  }
0xdd: {  	_, v61, _ =	vpop (xrf1)  }
0xde: {  	v5 =	vadd.s32 v61, v5  }
0xdf: {  	v5 =	vadd.s32 $0xFFFFFFFF, v5  }
0xe0: {  	[tilespmem:$0x1250] =	vst v5  }
0xe1: {  	[tilespmem:v4+s10+$0x0] =	vst.idx.add.s32.msk $0xffff, v1  }
0xe2: {  	v4 =	vld [tilespmem:$0xE0];
	_ =	sdelay $0x4  }
0xe3: {  	(xrf1) =	vunique.msk.u32 $0xffff, v4;
	_ =	sdelay $0x9  }
0xe4: {  	v5 =	vld.idx.msk [tilespmem:v4+s10+$0x0], $0xffff;
	_ =	sdelay $0x3  }
0xe5: {  	_, v62, _ =	vpop (xrf1)  }
0xe6: {  	v5 =	vadd.s32 v62, v5  }
0xe7: {  	v5 =	vadd.s32 $0xFFFFFFFF, v5  }
0xe8: {  	[tilespmem:$0x1260] =	vst v5  }
0xe9: {  	[tilespmem:v4+s10+$0x0] =	vst.idx.add.s32.msk $0xffff, v1  }
0xea: {  	v4 =	vld [tilespmem:$0xF0];
	_ =	sdelay $0x4  }
0xeb: {  	(xrf1) =	vunique.msk.u32 $0xffff, v4;
	_ =	sdelay $0x9  }
0xec: {  	v5 =	vld.idx.msk [tilespmem:v4+s10+$0x0], $0xffff;
	_ =	sdelay $0x3  }
0xed: {  	_, v63, _ =	vpop (xrf1)  }
0xee: {  	v5 =	vadd.s32 v63, v5  }
0xef: {  	v5 =	vadd.s32 $0xFFFFFFFF, v5  }
0xf0: {  	[tilespmem:$0x1270] =	vst v5  }
0xf1: {  	[tilespmem:v4+s10+$0x0] =	vst.idx.add.s32.msk $0xffff, v1;
	v4 =	vlaneseq.u32 @!p5  }
0xf2: {  	[hbm4b:s6+s3] =	stream.linear.scatter [tilespmem:s11], [sflag:$0x2], $0x100, $0x38;
	vm1 =	veq.s32 @!p5 v0, v4;
	[tilespmem:$0x1300] =	vst v63  }
0xf3: {  	_ =	swait.ge [sflag:s8], $0x100;
	v3 =	vnsel @!p5 vm1, $0x0, v3  }
0xf4: {  	v2 =	vnsel @!p5 vm1, $0x0, v2;
	(xrf0) =	vadd.scan.msk.s32 @!p5 $0xffff, v3  }
0xf5: {  	(xrf0) =	vadd.scan.msk.s32 @!p5 $0xffff, v2;
	_ =	sdelay $0x4  }
0xf6: {  	v2, _, _ =	vpop @!p5 (xrf0)  }
0xf7: {  	(v2sf) =	vpush @!p5 v2, $0xF;
	v2, _, _ =	vpop @!p5 (xrf0)  }
0xf8: {  	(v2sf) =	vpush @!p5 v2, $0xF;
	_ =	sdelay $0xd  }
0xf9: {  	s12 =	spop @!p5 (v2sf)  }
0xfa: {  	s13 =	spop @!p5 (v2sf)  }
0xfb: {  	s13 =	sshra.s32 @!p5 s13, $0x7  }
0xfc: {  	s12 =	sshra.s32 @!p5 s12, $0x7;
	v2 =	vmov @!p5 s13  }
0xfd: {  	v5 =	vor.u32 @!p5 $0x80, v4;
	v3 =	vadd.s32 @!p5 s12, v4;
	vm1 =	vgt.s32 @!p5 v2, v4  }
0xfe: {  	v3 =	vsel @!p5 vm1, v3, v5;
	_ =	sdelay $0x1  }
0xff: {  	v6 =	vor.u32 @!p5 $0x10, v4;
	[sflag:s8] =	ssyncset.done $0x0;
	s12 =	sadd.s32 @!p5 $0x10, s12  }
0x100: {  	[sflag:s8] =	ssyncadd.s32 $0xFFFFFF00;
	vm1 =	vgt.s32 @!p5 v2, v6;
	v2 =	vadd.s32 @!p5 s12, v4  }
0x101: {  	s14 =	simm.s32 @!p5 $0x1280;
	[tilespmem:$0x1280] =	vst @!p5 v0;
	s13 =	simm.s32 @!p5 $0x0;
	s12 =	simm.s32 @!p5 $0x1;
	v2 =	vsel @!p5 vm1, v2, v5  }
0x102: {  	[hbm4b:s4+s13] =	stream.indirect_vreg.scatter @!p5 [tilespmem:s14], [sflag:$0x1], $0x1, v3, vm0, $0xb8;
	[tilespmem:$0x1300] =	vst v63  }
0x103: {  	s7 =	sadd.s32 $0xFFFFFFFF, s7;
	_ =	swait.ge @!p5 [sflag:s12], $0x10  }
0x104: {  	p1 =	sne.s32 s7, $0x0;
	[sflag:s12] =	ssyncset.done @!p5 $0x0  }
.Ltmp0:
0x105: {  	[sflag:s12] =	ssyncadd.s32 @!p5 $0xFFFFFFF0;
	(pc) =	sbr.rel @p1 .LBB2_1-.Ltmp0, $4  }
0x106: {  	[hbm4b:s4+s13] =	stream.indirect_vreg.scatter @!p5 [tilespmem:s14], [sflag:$0x1], $0x1, v2, vm0, $0xb8;
	[tilespmem:$0x1300] =	vst v63  }
0x107: {  	_ =	swait.ge @!p5 [sflag:s12], $0x10  }
0x108: {  	[sflag:s12] =	ssyncset.done @!p5 $0x0  }
0x109: {  	[sflag:s12] =	ssyncadd.s32 @!p5 $0xFFFFFFF0  }
0x10a: {  	_ =	sfence.sel $0x180000  }
0x10b: {  	[bflag:$0x0] =	sbarrier.arrive $0xFFFF  }
0x10c: {  	p0 =	sne.s32 s2, $0x0;
	_ =	strace $0x90000047  }
0x10d: {  	s0 =	sadd.s32 @!p0 $0x100000, s0;
	[bflag:$0x2] =	sbarrier.arrive $0xFFFF  }
0x10e: {  	[sflag:s0] =	ssyncadd.tile.s32 @!p0 $0x1;
	_ =	shalt  }
.Lfunc_end2:
_tile_overlayer_lowered:
.L_overlay_start_2:
0x10f: {  	(tag) =	ssettag $0x2  }
0x110: {  	s0 =	rddreg [dreg:$0x0];
	s2 =	stileid.u32  }
0x111: {  	s1 =	rddreg [dreg:$0x1];
	p0 =	sne.s32 s2, $0x0  }
0x112: {  	s3 =	rddreg [dreg:$0x2];
	[bflag:$0x3] =	sbarrier.arrive $0xFFFF;
	s2 =	simm.s32 @!p0 $0x1C02  }
0x113: {  	[timem:s3], [sflag:s2] =	dma.local @!p0 [hbm:s0], s1  }
0x114: {  	s0 =	simm.s32 @!p0 $0x2  }
0x115: {  	_ =	swait.ge @!p0 [sflag:s0], s1  }
0x116: {  	s1 =	ssub.s32 @!p0 $0x0, s1;
	[sflag:s0] =	ssyncset.done @!p0 $0x0  }
0x117: {  	[sflag:s0] =	ssyncadd.s32 @!p0 s1  }
0x118: {  	[bflag:$0x3] =	sbarrier.arrive $0xFFFF  }
0x119: {  	_ =	shalt  }

</sc_bundles>
